<compile_context>
chip_gen: v7x
topology: tpu7x:2x2x1
jax: 0.10.2.dev20260603
libtpu: 0.0.44.dev20260713+nightly
codegen_flags: <defaults>
</compile_context>

<pallas_src>
import functools

import jax
import jax.numpy as jnp
from jax import lax
from jax.experimental import pallas as pl
from jax.experimental.pallas import tpu as pltpu
from jax.experimental.pallas import tpu_sc as plsc

N = 16384
H = 128
K = int(N * 0.1)

NC = 2
NS = 16
NSTRIPE = 8
MPS = 4
RPT = N // MPS
TCH = 8
CH = RPT // TCH
NBUF = 3


def _suffix_and_search(hist_v, s_v, lane, rank_vec):
    zero16 = jnp.zeros((16,), jnp.int32)

    def sfx(i, acc):
        br = 255 - i
        acc = acc + hist_v[br, :]
        s_v[br, :] = acc
        hist_v[br, :] = zero16
        return acc

    lax.fori_loop(0, 256, sfx, zero16, unroll=8)

    lo = jnp.zeros((16,), jnp.int32)
    hi = jnp.full((16,), 255, dtype=jnp.int32)
    for _ in range(8):
        mid = (lo + hi + 1) >> 1
        v = plsc.load_gather(s_v, [mid, lane])
        ge = (v >> 16) >= rank_vec
        lo = jnp.where(ge, mid, lo)
        hi = jnp.where(ge, hi, mid - 1)
    p = lo
    t_in = plsc.load_gather(s_v, [p, lane])
    t_ab = plsc.load_gather(s_v, [p + 1, lane])
    above = t_ab >> 16
    hits_hi = t_ab & 0xFFFF
    e_cnt = (t_in >> 16) - above
    e_pos = (t_in & 0xFFFF) - hits_hi
    return p, above, hits_hi, e_cnt, e_pos


def _sc_body(p_hbm, t_hbm, out_hbm,
             keys_v, tbuf_v, hist_v, s_v, outv_v, idx_v, shared_v,
             semp, semt):
    c = lax.axis_index("c")
    s = lax.axis_index("s")
    sid = c * 4 + s // 4
    m = s % 4
    row0 = m * RPT
    col0 = sid * 16

    cp_p = [pltpu.async_copy(
        p_hbm.at[pl.ds(row0 + i * CH, CH), pl.ds(col0, 16)],
        keys_v.at[pl.ds(i * CH, CH)], semp) for i in range(TCH)]
    cp_t = [pltpu.async_copy(
        t_hbm.at[pl.ds(row0 + i * CH, CH), pl.ds(col0, 16)],
        tbuf_v.at[i], semt) for i in range(NBUF)]

    lane = lax.broadcasted_iota(jnp.int32, (16,), 0)
    zero16 = jnp.zeros((16,), jnp.int32)

    @plsc.parallel_loop(0, 256, 1, unroll=8)
    def _(b):
        hist_v[b, :] = zero16

    s_v[256, :] = zero16

    @plsc.parallel_loop(0, 256, 16, unroll=8)
    def _(b):
        idx_v[pl.ds(b, 16)] = sid * 256 + b + lane

    @pl.when(m == 0)
    def _():
        pltpu.sync_copy(hist_v, shared_v.at[pl.ds(sid * 256, 256)])

    for i in range(TCH):
        cp_p[i].wait()
        cp_t[i].wait()

        @plsc.parallel_loop(0, CH, 1, unroll=4)
        def _(r):
            row = i * CH + r
            bi = plsc.bitcast(keys_v[row, :], jnp.int32)
            mono = plsc.bitcast(bi, jnp.uint32) ^ (
                plsc.bitcast(bi >> 31, jnp.uint32) | jnp.uint32(0x80000000))
            pos_m = tbuf_v[i % NBUF, r, :] > 0.0
            w = (mono & jnp.uint32(0xFFFFFFFE)) | pos_m.astype(jnp.uint32)
            keys_v[row, :] = plsc.bitcast(w, jnp.float32)
            b1 = plsc.bitcast(w >> jnp.uint32(24), jnp.int32)
            val = jnp.where(pos_m, 0x10001, 0x10000)
            plsc.addupdate_scatter(hist_v, [b1, lane], val)

        if i + NBUF < TCH:
            cp_t.append(pltpu.async_copy(
                t_hbm.at[pl.ds(row0 + (i + NBUF) * CH, CH), pl.ds(col0, 16)],
                tbuf_v.at[(i + NBUF) % NBUF], semt))

    plsc.subcore_barrier()
    pltpu.sync_copy(hist_v, shared_v.at[idx_v], add=True)
    plsc.subcore_barrier()
    pltpu.sync_copy(shared_v.at[pl.ds(sid * 256, 256)], hist_v)
    plsc.subcore_barrier()

    rank0 = jnp.full((16,), K, dtype=jnp.int32)
    p1b, above1, hits1, _, _ = _suffix_and_search(hist_v, s_v, lane, rank0)
    rank1 = rank0 - above1

    @pl.when(m == 0)
    def _():
        pltpu.sync_copy(hist_v, shared_v.at[pl.ds(sid * 256, 256)])

    p1u = plsc.bitcast(p1b, jnp.uint32)

    @plsc.parallel_loop(0, RPT, 1, unroll=4)
    def _(r):
        w = plsc.bitcast(keys_v[r, :], jnp.uint32)
        b2 = plsc.bitcast((w >> jnp.uint32(16)) & jnp.uint32(0xFF),
                          jnp.int32)
        val = plsc.bitcast((w & jnp.uint32(1)) | jnp.uint32(0x10000),
                           jnp.int32)
        plsc.addupdate_scatter(hist_v, [b2, lane], val,
                               mask=(w >> jnp.uint32(24)) == p1u)

    plsc.subcore_barrier()
    pltpu.sync_copy(hist_v, shared_v.at[idx_v], add=True)
    plsc.subcore_barrier()
    pltpu.sync_copy(shared_v.at[pl.ds(sid * 256, 256)], hist_v)

    _, above2, hits2, e_cnt, e_pos = _suffix_and_search(
        hist_v, s_v, lane, rank1)
    rank2 = rank1 - above2

    num = ((hits1 + hits2) * e_cnt + rank2 * e_pos).astype(jnp.float32)
    den = (e_cnt * K).astype(jnp.float32)
    outv_v[...] = num / den

    @pl.when(m == 0)
    def _():
        pltpu.sync_copy(outv_v, out_hbm.at[sid])


@functools.partial(jax.jit)
def _sc_topk_hitrate(preds, targets):
    mesh = plsc.VectorSubcoreMesh(core_axis_name="c", subcore_axis_name="s",
                                  num_cores=NC, num_subcores=NS)
    return pl.kernel(
        _sc_body,
        out_type=jax.ShapeDtypeStruct((NSTRIPE, 16), jnp.float32),
        mesh=mesh,
        compiler_params=pltpu.CompilerParams(needs_layout_passes=False,
                                             use_tc_tiling_on_sc=False),
        scratch_types=[
            pltpu.VMEM((RPT, 16), jnp.float32),
            pltpu.VMEM((NBUF, CH, 16), jnp.float32),
            pltpu.VMEM((256, 16), jnp.int32),
            pltpu.VMEM((257, 16), jnp.int32),
            pltpu.VMEM((16,), jnp.float32),
            pltpu.VMEM((256,), jnp.int32),
            pltpu.VMEM_SHARED((NSTRIPE * 256, 16), jnp.int32),
            pltpu.SemaphoreType.DMA,
            pltpu.SemaphoreType.DMA,
        ],
    )(preds, targets)


def kernel(preds, targets):
    return _sc_topk_hitrate(preds, targets).reshape(H)

# --- scband reference (transcript-rebuilt; emitter-appended) ---
"""Pipeline reference for scband-long-precision-11330123727498 (READ-ONLY COPY).

The authoritative reference and input builder live on the scoring server;
editing this copy changes nothing except your own understanding.
"""

import jax, jax.numpy as jnp
import numpy as np

TOP_RATIO = 0.1


def setup_inputs(seed: int = 0) -> dict:
    key = jax.random.key(seed)
    k1, k2 = jax.random.split(key)
    preds = jax.random.normal(k1, (16384, 128), dtype=jnp.float32)
    targets = jax.random.normal(k2, (16384, 128), dtype=jnp.float32)
    return {"preds": preds, "targets": targets}


def reference(preds, targets):
    # k = int(N * top_ratio)
    k = int(preds.shape[0] * TOP_RATIO)
    if k == 0:
        return jnp.zeros(preds.shape[1:], dtype=jnp.float32)
    # torch.topk(preds, k, dim=0) -> top-k along dim 0 for each head.
    # jax.lax.top_k operates on the last axis, so transpose to [H, N].
    _, top_idx_t = jax.lax.top_k(preds.T, k)            # [H, k] indices into N
    # torch.gather(targets, 0, top_indices) == take_along_axis on axis 0;
    # equivalently gather on the transposed layout along axis 1.
    top_targets_t = jnp.take_along_axis(targets.T, top_idx_t, axis=1)  # [H, k]
    hit_rate = (top_targets_t > 0).astype(jnp.float32).mean(axis=1)    # [H]
    # preds is 2-D => hit_rate is 1-D, so no extra mean (matches torch branch).
    if hit_rate.ndim > 1:
        hit_rate = hit_rate.mean(axis=0)
    return hit_rate

if __name__ == "__main__":
    import jax
    _d = setup_inputs()
    print(jax.jit(kernel)(*tuple(_d.values())))

</pallas_src>

<mosaic_0001>
#map = affine_map<(d0, d1) -> (0, 0)>
module attributes {stable_mosaic.version = 14 : i64} {
  func.func @_sc_body(%arg0: i32, %arg1: i32, %arg2: memref<16384x128xf32, #tpu.memory_space<hbm>>, %arg3: memref<16384x128xf32, #tpu.memory_space<hbm>>, %arg4: memref<8x16xf32, #tpu.memory_space<hbm>>, %arg5: memref<4096x16xf32, #tpu.memory_space<vmem>>, %arg6: memref<3x512x16xf32, #tpu.memory_space<vmem>>, %arg7: memref<256x16xi32, #tpu.memory_space<vmem>>, %arg8: memref<257x16xi32, #tpu.memory_space<vmem>>, %arg9: memref<16xf32, #tpu.memory_space<vmem>>, %arg10: memref<256xi32, #tpu.memory_space<vmem>>, %arg11: memref<2048x16xi32, #tpu.memory_space<vmem_shared>>, %arg12: memref<!tpu.dma_semaphore, #tpu.memory_space<semaphore_mem>>, %arg13: memref<!tpu.dma_semaphore, #tpu.memory_space<semaphore_mem>>) attributes {dimension_semantics = [#tpu.dimension_semantics<core_parallel>, #tpu.dimension_semantics<subcore_parallel>], iteration_bounds = array<i64: 2, 16>, scalar_prefetch = 0 : i64, scratch_operands = 9 : i64, tpu.core_type = #tpu.core_type<sc_vector_subcore>, window_params = [{transform_indices = #map}, {transform_indices = #map}, {transform_indices = #map}]} {
    %mul3A = arith.constant 4 : i32
    %mul3A_0 = arith.muli %arg0, %mul3A : i32
    %jit3A = arith.constant 4 : i32
    %div3A = arith.divsi %arg1, %jit3A : i32
    %sign3A = arith.constant 0 : i32
    %sign3A_1 = arith.cmpi sgt, %arg1, %sign3A : i32
    %sign3A_2 = arith.extui %sign3A_1 : i1 to i32
    %sign3A_3 = arith.constant 0 : i32
    %sign3A_4 = arith.cmpi slt, %arg1, %sign3A_3 : i32
    %sign3A_5 = arith.extui %sign3A_4 : i1 to i32
    %sign3A_6 = arith.subi %sign3A_2, %sign3A_5 : i32
    %sign3A_7 = arith.constant 0 : i32
    %sign3A_8 = arith.cmpi sgt, %jit3A, %sign3A_7 : i32
    %sign3A_9 = arith.extui %sign3A_8 : i1 to i32
    %sign3A_10 = arith.constant 0 : i32
    %sign3A_11 = arith.cmpi slt, %jit3A, %sign3A_10 : i32
    %sign3A_12 = arith.extui %sign3A_11 : i1 to i32
    %sign3A_13 = arith.subi %sign3A_9, %sign3A_12 : i32
    %ne3A = arith.cmpi ne, %sign3A_6, %sign3A_13 : i32
    %rem3A = arith.remsi %arg1, %jit3A : i32
    %ne3A_14 = arith.constant 0 : i32
    %ne3A_15 = arith.cmpi ne, %rem3A, %ne3A_14 : i32
    %and3A = arith.andi %ne3A, %ne3A_15 : i1
    %sub3A = arith.constant 1 : i32
    %sub3A_16 = arith.subi %div3A, %sub3A : i32
    %select_n3A = arith.select %and3A, %sub3A_16, %div3A : i32
    %add3A = arith.addi %mul3A_0, %select_n3A : i32
    %jit3A_17 = arith.constant 4 : i32
    %eq3A = arith.constant 0 : i32
    %eq3A_18 = arith.cmpi eq, %jit3A_17, %eq3A : i32
    %jit3A_19 = arith.constant 1 : i32
    %select_n3A_20 = arith.select %eq3A_18, %jit3A_19, %jit3A_17 : i32
    %rem3A_21 = arith.remsi %arg1, %select_n3A_20 : i32
    %ne3A_22 = arith.constant 0 : i32
    %ne3A_23 = arith.cmpi ne, %rem3A_21, %ne3A_22 : i32
    %lt3A = arith.constant 0 : i32
    %lt3A_24 = arith.cmpi slt, %rem3A_21, %lt3A : i32
    %lt3A_25 = arith.constant 0 : i32
    %lt3A_26 = arith.cmpi slt, %select_n3A_20, %lt3A_25 : i32
    %ne3A_27 = arith.xori %lt3A_24, %lt3A_26 : i1
    %and3A_28 = arith.andi %ne3A_27, %ne3A_23 : i1
    %add3A_29 = arith.addi %rem3A_21, %select_n3A_20 : i32
    %select_n3A_30 = arith.select %and3A_28, %add3A_29, %rem3A_21 : i32
    %mul3A_31 = arith.constant 4096 : i32
    %mul3A_32 = arith.muli %select_n3A_30, %mul3A_31 : i32
    %mul3A_33 = arith.constant 16 : i32
    %mul3A_34 = arith.muli %add3A, %mul3A_33 : i32
    %add3A_35 = arith.constant 0 : i32
    %add3A_36 = arith.addi %mul3A_32, %add3A_35 : i32
    %dma_start3A = arith.constant 0 : i32
    %dma_start3A_37 = arith.constant 0 : i32
    %dma_start3A_38 = tpu.memref_slice %arg5[%dma_start3A, %dma_start3A_37] : memref<4096x16xf32, #tpu.memory_space<vmem>> -> memref<512x16xf32, #tpu.memory_space<vmem>>
    %dma_start3A_39 = tpu.memref_slice %arg2[%add3A_36, %mul3A_34] : memref<16384x128xf32, #tpu.memory_space<hbm>> -> memref<512x16xf32, #tpu.memory_space<hbm>>
    %dma_start3A_40 = arith.constant 0 : i32
    %dma_start3A_41 = arith.constant 0 : i32
    %dma_start3A_42 = tpu.memref_slice %arg5[%dma_start3A_40, %dma_start3A_41] : memref<4096x16xf32, #tpu.memory_space<vmem>> -> memref<512x16xf32, #tpu.memory_space<vmem>>
    %dma_start3A_43 = tpu.memref_slice %arg2[%add3A_36, %mul3A_34] : memref<16384x128xf32, #tpu.memory_space<hbm>> -> memref<512x16xf32, #tpu.memory_space<hbm>>
    tpu.enqueue_dma source(%dma_start3A_43 : memref<512x16xf32, #tpu.memory_space<hbm>>) target(%dma_start3A_42 : memref<512x16xf32, #tpu.memory_space<vmem>>) target_semaphore(%arg12 : memref<!tpu.dma_semaphore, #tpu.memory_space<semaphore_mem>>)
    %add3A_44 = arith.constant 512 : i32
    %add3A_45 = arith.addi %mul3A_32, %add3A_44 : i32
    %dma_start3A_46 = arith.constant 512 : i32
    %dma_start3A_47 = arith.constant 0 : i32
    %dma_start3A_48 = tpu.memref_slice %arg5[%dma_start3A_46, %dma_start3A_47] : memref<4096x16xf32, #tpu.memory_space<vmem>> -> memref<512x16xf32, #tpu.memory_space<vmem>>
    %dma_start3A_49 = tpu.memref_slice %arg2[%add3A_45, %mul3A_34] : memref<16384x128xf32, #tpu.memory_space<hbm>> -> memref<512x16xf32, #tpu.memory_space<hbm>>
    %dma_start3A_50 = arith.constant 512 : i32
    %dma_start3A_51 = arith.constant 0 : i32
    %dma_start3A_52 = tpu.memref_slice %arg5[%dma_start3A_50, %dma_start3A_51] : memref<4096x16xf32, #tpu.memory_space<vmem>> -> memref<512x16xf32, #tpu.memory_space<vmem>>
    %dma_start3A_53 = tpu.memref_slice %arg2[%add3A_45, %mul3A_34] : memref<16384x128xf32, #tpu.memory_space<hbm>> -> memref<512x16xf32, #tpu.memory_space<hbm>>
    tpu.enqueue_dma source(%dma_start3A_53 : memref<512x16xf32, #tpu.memory_space<hbm>>) target(%dma_start3A_52 : memref<512x16xf32, #tpu.memory_space<vmem>>) target_semaphore(%arg12 : memref<!tpu.dma_semaphore, #tpu.memory_space<semaphore_mem>>)
    %add3A_54 = arith.constant 1024 : i32
    %add3A_55 = arith.addi %mul3A_32, %add3A_54 : i32
    %dma_start3A_56 = arith.constant 1024 : i32
    %dma_start3A_57 = arith.constant 0 : i32
    %dma_start3A_58 = tpu.memref_slice %arg5[%dma_start3A_56, %dma_start3A_57] : memref<4096x16xf32, #tpu.memory_space<vmem>> -> memref<512x16xf32, #tpu.memory_space<vmem>>
    %dma_start3A_59 = tpu.memref_slice %arg2[%add3A_55, %mul3A_34] : memref<16384x128xf32, #tpu.memory_space<hbm>> -> memref<512x16xf32, #tpu.memory_space<hbm>>
    %dma_start3A_60 = arith.constant 1024 : i32
    %dma_start3A_61 = arith.constant 0 : i32
    %dma_start3A_62 = tpu.memref_slice %arg5[%dma_start3A_60, %dma_start3A_61] : memref<4096x16xf32, #tpu.memory_space<vmem>> -> memref<512x16xf32, #tpu.memory_space<vmem>>
    %dma_start3A_63 = tpu.memref_slice %arg2[%add3A_55, %mul3A_34] : memref<16384x128xf32, #tpu.memory_space<hbm>> -> memref<512x16xf32, #tpu.memory_space<hbm>>
    tpu.enqueue_dma source(%dma_start3A_63 : memref<512x16xf32, #tpu.memory_space<hbm>>) target(%dma_start3A_62 : memref<512x16xf32, #tpu.memory_space<vmem>>) target_semaphore(%arg12 : memref<!tpu.dma_semaphore, #tpu.memory_space<semaphore_mem>>)
    %add3A_64 = arith.constant 1536 : i32
    %add3A_65 = arith.addi %mul3A_32, %add3A_64 : i32
    %dma_start3A_66 = arith.constant 1536 : i32
    %dma_start3A_67 = arith.constant 0 : i32
    %dma_start3A_68 = tpu.memref_slice %arg5[%dma_start3A_66, %dma_start3A_67] : memref<4096x16xf32, #tpu.memory_space<vmem>> -> memref<512x16xf32, #tpu.memory_space<vmem>>
    %dma_start3A_69 = tpu.memref_slice %arg2[%add3A_65, %mul3A_34] : memref<16384x128xf32, #tpu.memory_space<hbm>> -> memref<512x16xf32, #tpu.memory_space<hbm>>
    %dma_start3A_70 = arith.constant 1536 : i32
    %dma_start3A_71 = arith.constant 0 : i32
    %dma_start3A_72 = tpu.memref_slice %arg5[%dma_start3A_70, %dma_start3A_71] : memref<4096x16xf32, #tpu.memory_space<vmem>> -> memref<512x16xf32, #tpu.memory_space<vmem>>
    %dma_start3A_73 = tpu.memref_slice %arg2[%add3A_65, %mul3A_34] : memref<16384x128xf32, #tpu.memory_space<hbm>> -> memref<512x16xf32, #tpu.memory_space<hbm>>
    tpu.enqueue_dma source(%dma_start3A_73 : memref<512x16xf32, #tpu.memory_space<hbm>>) target(%dma_start3A_72 : memref<512x16xf32, #tpu.memory_space<vmem>>) target_semaphore(%arg12 : memref<!tpu.dma_semaphore, #tpu.memory_space<semaphore_mem>>)
    %add3A_74 = arith.constant 2048 : i32
    %add3A_75 = arith.addi %mul3A_32, %add3A_74 : i32
    %dma_start3A_76 = arith.constant 2048 : i32
    %dma_start3A_77 = arith.constant 0 : i32
    %dma_start3A_78 = tpu.memref_slice %arg5[%dma_start3A_76, %dma_start3A_77] : memref<4096x16xf32, #tpu.memory_space<vmem>> -> memref<512x16xf32, #tpu.memory_space<vmem>>
    %dma_start3A_79 = tpu.memref_slice %arg2[%add3A_75, %mul3A_34] : memref<16384x128xf32, #tpu.memory_space<hbm>> -> memref<512x16xf32, #tpu.memory_space<hbm>>
    %dma_start3A_80 = arith.constant 2048 : i32
    %dma_start3A_81 = arith.constant 0 : i32
    %dma_start3A_82 = tpu.memref_slice %arg5[%dma_start3A_80, %dma_start3A_81] : memref<4096x16xf32, #tpu.memory_space<vmem>> -> memref<512x16xf32, #tpu.memory_space<vmem>>
    %dma_start3A_83 = tpu.memref_slice %arg2[%add3A_75, %mul3A_34] : memref<16384x128xf32, #tpu.memory_space<hbm>> -> memref<512x16xf32, #tpu.memory_space<hbm>>
    tpu.enqueue_dma source(%dma_start3A_83 : memref<512x16xf32, #tpu.memory_space<hbm>>) target(%dma_start3A_82 : memref<512x16xf32, #tpu.memory_space<vmem>>) target_semaphore(%arg12 : memref<!tpu.dma_semaphore, #tpu.memory_space<semaphore_mem>>)
    %add3A_84 = arith.constant 2560 : i32
    %add3A_85 = arith.addi %mul3A_32, %add3A_84 : i32
    %dma_start3A_86 = arith.constant 2560 : i32
    %dma_start3A_87 = arith.constant 0 : i32
    %dma_start3A_88 = tpu.memref_slice %arg5[%dma_start3A_86, %dma_start3A_87] : memref<4096x16xf32, #tpu.memory_space<vmem>> -> memref<512x16xf32, #tpu.memory_space<vmem>>
    %dma_start3A_89 = tpu.memref_slice %arg2[%add3A_85, %mul3A_34] : memref<16384x128xf32, #tpu.memory_space<hbm>> -> memref<512x16xf32, #tpu.memory_space<hbm>>
    %dma_start3A_90 = arith.constant 2560 : i32
    %dma_start3A_91 = arith.constant 0 : i32
    %dma_start3A_92 = tpu.memref_slice %arg5[%dma_start3A_90, %dma_start3A_91] : memref<4096x16xf32, #tpu.memory_space<vmem>> -> memref<512x16xf32, #tpu.memory_space<vmem>>
    %dma_start3A_93 = tpu.memref_slice %arg2[%add3A_85, %mul3A_34] : memref<16384x128xf32, #tpu.memory_space<hbm>> -> memref<512x16xf32, #tpu.memory_space<hbm>>
    tpu.enqueue_dma source(%dma_start3A_93 : memref<512x16xf32, #tpu.memory_space<hbm>>) target(%dma_start3A_92 : memref<512x16xf32, #tpu.memory_space<vmem>>) target_semaphore(%arg12 : memref<!tpu.dma_semaphore, #tpu.memory_space<semaphore_mem>>)
    %add3A_94 = arith.constant 3072 : i32
    %add3A_95 = arith.addi %mul3A_32, %add3A_94 : i32
    %dma_start3A_96 = arith.constant 3072 : i32
    %dma_start3A_97 = arith.constant 0 : i32
    %dma_start3A_98 = tpu.memref_slice %arg5[%dma_start3A_96, %dma_start3A_97] : memref<4096x16xf32, #tpu.memory_space<vmem>> -> memref<512x16xf32, #tpu.memory_space<vmem>>
    %dma_start3A_99 = tpu.memref_slice %arg2[%add3A_95, %mul3A_34] : memref<16384x128xf32, #tpu.memory_space<hbm>> -> memref<512x16xf32, #tpu.memory_space<hbm>>
    %dma_start3A_100 = arith.constant 3072 : i32
    %dma_start3A_101 = arith.constant 0 : i32
    %dma_start3A_102 = tpu.memref_slice %arg5[%dma_start3A_100, %dma_start3A_101] : memref<4096x16xf32, #tpu.memory_space<vmem>> -> memref<512x16xf32, #tpu.memory_space<vmem>>
    %dma_start3A_103 = tpu.memref_slice %arg2[%add3A_95, %mul3A_34] : memref<16384x128xf32, #tpu.memory_space<hbm>> -> memref<512x16xf32, #tpu.memory_space<hbm>>
    tpu.enqueue_dma source(%dma_start3A_103 : memref<512x16xf32, #tpu.memory_space<hbm>>) target(%dma_start3A_102 : memref<512x16xf32, #tpu.memory_space<vmem>>) target_semaphore(%arg12 : memref<!tpu.dma_semaphore, #tpu.memory_space<semaphore_mem>>)
    %add3A_104 = arith.constant 3584 : i32
    %add3A_105 = arith.addi %mul3A_32, %add3A_104 : i32
    %dma_start3A_106 = arith.constant 3584 : i32
    %dma_start3A_107 = arith.constant 0 : i32
    %dma_start3A_108 = tpu.memref_slice %arg5[%dma_start3A_106, %dma_start3A_107] : memref<4096x16xf32, #tpu.memory_space<vmem>> -> memref<512x16xf32, #tpu.memory_space<vmem>>
    %dma_start3A_109 = tpu.memref_slice %arg2[%add3A_105, %mul3A_34] : memref<16384x128xf32, #tpu.memory_space<hbm>> -> memref<512x16xf32, #tpu.memory_space<hbm>>
    %dma_start3A_110 = arith.constant 3584 : i32
    %dma_start3A_111 = arith.constant 0 : i32
    %dma_start3A_112 = tpu.memref_slice %arg5[%dma_start3A_110, %dma_start3A_111] : memref<4096x16xf32, #tpu.memory_space<vmem>> -> memref<512x16xf32, #tpu.memory_space<vmem>>
    %dma_start3A_113 = tpu.memref_slice %arg2[%add3A_105, %mul3A_34] : memref<16384x128xf32, #tpu.memory_space<hbm>> -> memref<512x16xf32, #tpu.memory_space<hbm>>
    tpu.enqueue_dma source(%dma_start3A_113 : memref<512x16xf32, #tpu.memory_space<hbm>>) target(%dma_start3A_112 : memref<512x16xf32, #tpu.memory_space<vmem>>) target_semaphore(%arg12 : memref<!tpu.dma_semaphore, #tpu.memory_space<semaphore_mem>>)
    %add3A_114 = arith.constant 0 : i32
    %add3A_115 = arith.addi %mul3A_32, %add3A_114 : i32
    %dma_start3A_116 = arith.constant 0 : i32
    %dma_start3A_117 = arith.constant 0 : i32
    %dma_start3A_118 = arith.constant 0 : i32
    %dma_start3A_119 = tpu.memref_slice %arg6[%dma_start3A_116, %dma_start3A_117, %dma_start3A_118] : memref<3x512x16xf32, #tpu.memory_space<vmem>> -> memref<1x512x16xf32, #tpu.memory_space<vmem>>
    %dma_start3A_120 = tpu.memref_squeeze %dma_start3A_119 : memref<1x512x16xf32, #tpu.memory_space<vmem>> -> memref<512x16xf32, #tpu.memory_space<vmem>>
    %dma_start3A_121 = tpu.memref_slice %arg3[%add3A_115, %mul3A_34] : memref<16384x128xf32, #tpu.memory_space<hbm>> -> memref<512x16xf32, #tpu.memory_space<hbm>>
    %dma_start3A_122 = arith.constant 0 : i32
    %dma_start3A_123 = arith.constant 0 : i32
    %dma_start3A_124 = tpu.memref_slice %arg6[%dma_start3A_116, %dma_start3A_122, %dma_start3A_123] : memref<3x512x16xf32, #tpu.memory_space<vmem>> -> memref<1x512x16xf32, #tpu.memory_space<vmem>>
    %dma_start3A_125 = tpu.memref_squeeze %dma_start3A_124 : memref<1x512x16xf32, #tpu.memory_space<vmem>> -> memref<512x16xf32, #tpu.memory_space<vmem>>
    %dma_start3A_126 = tpu.memref_slice %arg3[%add3A_115, %mul3A_34] : memref<16384x128xf32, #tpu.memory_space<hbm>> -> memref<512x16xf32, #tpu.memory_space<hbm>>
    tpu.enqueue_dma source(%dma_start3A_126 : memref<512x16xf32, #tpu.memory_space<hbm>>) target(%dma_start3A_125 : memref<512x16xf32, #tpu.memory_space<vmem>>) target_semaphore(%arg13 : memref<!tpu.dma_semaphore, #tpu.memory_space<semaphore_mem>>)
    %add3A_127 = arith.constant 512 : i32
    %add3A_128 = arith.addi %mul3A_32, %add3A_127 : i32
    %dma_start3A_129 = arith.constant 1 : i32
    %dma_start3A_130 = arith.constant 0 : i32
    %dma_start3A_131 = arith.constant 0 : i32
    %dma_start3A_132 = tpu.memref_slice %arg6[%dma_start3A_129, %dma_start3A_130, %dma_start3A_131] : memref<3x512x16xf32, #tpu.memory_space<vmem>> -> memref<1x512x16xf32, #tpu.memory_space<vmem>>
    %dma_start3A_133 = tpu.memref_squeeze %dma_start3A_132 : memref<1x512x16xf32, #tpu.memory_space<vmem>> -> memref<512x16xf32, #tpu.memory_space<vmem>>
    %dma_start3A_134 = tpu.memref_slice %arg3[%add3A_128, %mul3A_34] : memref<16384x128xf32, #tpu.memory_space<hbm>> -> memref<512x16xf32, #tpu.memory_space<hbm>>
    %dma_start3A_135 = arith.constant 0 : i32
    %dma_start3A_136 = arith.constant 0 : i32
    %dma_start3A_137 = tpu.memref_slice %arg6[%dma_start3A_129, %dma_start3A_135, %dma_start3A_136] : memref<3x512x16xf32, #tpu.memory_space<vmem>> -> memref<1x512x16xf32, #tpu.memory_space<vmem>>
    %dma_start3A_138 = tpu.memref_squeeze %dma_start3A_137 : memref<1x512x16xf32, #tpu.memory_space<vmem>> -> memref<512x16xf32, #tpu.memory_space<vmem>>
    %dma_start3A_139 = tpu.memref_slice %arg3[%add3A_128, %mul3A_34] : memref<16384x128xf32, #tpu.memory_space<hbm>> -> memref<512x16xf32, #tpu.memory_space<hbm>>
    tpu.enqueue_dma source(%dma_start3A_139 : memref<512x16xf32, #tpu.memory_space<hbm>>) target(%dma_start3A_138 : memref<512x16xf32, #tpu.memory_space<vmem>>) target_semaphore(%arg13 : memref<!tpu.dma_semaphore, #tpu.memory_space<semaphore_mem>>)
    %add3A_140 = arith.constant 1024 : i32
    %add3A_141 = arith.addi %mul3A_32, %add3A_140 : i32
    %dma_start3A_142 = arith.constant 2 : i32
    %dma_start3A_143 = arith.constant 0 : i32
    %dma_start3A_144 = arith.constant 0 : i32
    %dma_start3A_145 = tpu.memref_slice %arg6[%dma_start3A_142, %dma_start3A_143, %dma_start3A_144] : memref<3x512x16xf32, #tpu.memory_space<vmem>> -> memref<1x512x16xf32, #tpu.memory_space<vmem>>
    %dma_start3A_146 = tpu.memref_squeeze %dma_start3A_145 : memref<1x512x16xf32, #tpu.memory_space<vmem>> -> memref<512x16xf32, #tpu.memory_space<vmem>>
    %dma_start3A_147 = tpu.memref_slice %arg3[%add3A_141, %mul3A_34] : memref<16384x128xf32, #tpu.memory_space<hbm>> -> memref<512x16xf32, #tpu.memory_space<hbm>>
    %dma_start3A_148 = arith.constant 0 : i32
    %dma_start3A_149 = arith.constant 0 : i32
    %dma_start3A_150 = tpu.memref_slice %arg6[%dma_start3A_142, %dma_start3A_148, %dma_start3A_149] : memref<3x512x16xf32, #tpu.memory_space<vmem>> -> memref<1x512x16xf32, #tpu.memory_space<vmem>>
    %dma_start3A_151 = tpu.memref_squeeze %dma_start3A_150 : memref<1x512x16xf32, #tpu.memory_space<vmem>> -> memref<512x16xf32, #tpu.memory_space<vmem>>
    %dma_start3A_152 = tpu.memref_slice %arg3[%add3A_141, %mul3A_34] : memref<16384x128xf32, #tpu.memory_space<hbm>> -> memref<512x16xf32, #tpu.memory_space<hbm>>
    tpu.enqueue_dma source(%dma_start3A_152 : memref<512x16xf32, #tpu.memory_space<hbm>>) target(%dma_start3A_151 : memref<512x16xf32, #tpu.memory_space<vmem>>) target_semaphore(%arg13 : memref<!tpu.dma_semaphore, #tpu.memory_space<semaphore_mem>>)
    %iota3A = tpu.iota {dimensions = array<i32: 0>} : vector<16xi32>
    %broadcast_in_dim3A = arith.constant 0 : i32
    %broadcast_in_dim3A_153 = vector.broadcast %broadcast_in_dim3A : i32 to vector<16xi32>
    %parallel_loop3A = arith.constant 0 : i32
    %parallel_loop3A_154 = arith.constant 256 : i32
    %parallel_loop3A_155 = arith.constant 1 : i32
    scf.for %parallel_loop3A_772 = %parallel_loop3A to %parallel_loop3A_154 step %parallel_loop3A_155  : i32 {
      %parallel_loop3A_773 = arith.index_cast %parallel_loop3A_772 : i32 to index
      %parallel_loop3A_774 = arith.constant 0 : index
      %parallel_loop3A_775 = tpu.vector_load %arg7[%parallel_loop3A_773, %parallel_loop3A_774] {strides = array<i32>} : memref<256x16xi32, #tpu.memory_space<vmem>>, vector<16xi32>,
      tpu.vector_store %arg7[%parallel_loop3A_773, %parallel_loop3A_774], %broadcast_in_dim3A_153 {strides = array<i32>} : memref<256x16xi32, #tpu.memory_space<vmem>>, vector<16xi32>,
    } {sc.loop_unroll_factor = 8 : i64, sc.parallel_access}
    %swap3A = arith.constant 256 : i32
    %swap3A_156 = arith.index_cast %swap3A : i32 to index
    %swap3A_157 = arith.constant 0 : index
    %swap3A_158 = tpu.vector_load %arg8[%swap3A_156, %swap3A_157] {strides = array<i32>} : memref<257x16xi32, #tpu.memory_space<vmem>>, vector<16xi32>,
    tpu.vector_store %arg8[%swap3A_156, %swap3A_157], %broadcast_in_dim3A_153 {strides = array<i32>} : memref<257x16xi32, #tpu.memory_space<vmem>>, vector<16xi32>,
    %parallel_loop3A_159 = arith.constant 0 : i32
    %parallel_loop3A_160 = arith.constant 256 : i32
    %parallel_loop3A_161 = arith.constant 16 : i32
    scf.for %parallel_loop3A_772 = %parallel_loop3A_159 to %parallel_loop3A_160 step %parallel_loop3A_161  : i32 {
      %parallel_loop3A_773 = arith.constant 256 : i32
      %parallel_loop3A_774 = arith.muli %add3A, %parallel_loop3A_773 : i32
      %parallel_loop3A_775 = arith.addi %parallel_loop3A_774, %parallel_loop3A_772 : i32
      %parallel_loop3A_776 = vector.broadcast %parallel_loop3A_775 : i32 to vector<16xi32>
      %parallel_loop3A_777 = arith.addi %parallel_loop3A_776, %iota3A : vector<16xi32>
      %parallel_loop3A_778 = arith.index_cast %parallel_loop3A_772 : i32 to index
      %parallel_loop3A_779 = tpu.vector_load %arg10[%parallel_loop3A_778] {strides = array<i32>} : memref<256xi32, #tpu.memory_space<vmem>>, vector<16xi32>,
      tpu.vector_store %arg10[%parallel_loop3A_778], %parallel_loop3A_777 {strides = array<i32>} : memref<256xi32, #tpu.memory_space<vmem>>, vector<16xi32>,
    } {sc.loop_unroll_factor = 8 : i64, sc.parallel_access}
    %eq3A_162 = arith.constant 0 : i32
    %eq3A_163 = arith.cmpi eq, %select_n3A_30, %eq3A_162 : i32
    %convert_element_type3A = arith.extui %eq3A_163 : i1 to i32
    %cond3A = arith.constant 0 : i32
    %cond3A_164 = arith.cmpi ne, %convert_element_type3A, %cond3A : i32
    scf.if %cond3A_164 {
      %mul3A_772 = arith.constant 256 : i32
      %mul3A_773 = arith.muli %add3A, %mul3A_772 : i32
      "tpu.region"() ({
        %run_scoped3A = tpu.sem_alloc : memref<!tpu.dma_semaphore, #tpu.memory_space<semaphore_mem>>
        %dma_start3A_774 = arith.constant 0 : i32
        %dma_start3A_775 = tpu.memref_slice %arg11[%mul3A_773, %dma_start3A_774] : memref<2048x16xi32, #tpu.memory_space<vmem_shared>> -> memref<256x16xi32, #tpu.memory_space<vmem_shared>>
        %dma_start3A_776 = arith.constant 0 : i32
        %dma_start3A_777 = tpu.memref_slice %arg11[%mul3A_773, %dma_start3A_776] : memref<2048x16xi32, #tpu.memory_space<vmem_shared>> -> memref<256x16xi32, #tpu.memory_space<vmem_shared>>
        tpu.enqueue_dma source(%arg7 : memref<256x16xi32, #tpu.memory_space<vmem>>) target(%dma_start3A_777 : memref<256x16xi32, #tpu.memory_space<vmem_shared>>) target_semaphore(%run_scoped3A : memref<!tpu.dma_semaphore, #tpu.memory_space<semaphore_mem>>)
        %dma_wait3A_778 = arith.constant 0 : i32
        %dma_wait3A_779 = tpu.memref_slice %arg11[%mul3A_773, %dma_wait3A_778] : memref<2048x16xi32, #tpu.memory_space<vmem_shared>> -> memref<256x16xi32, #tpu.memory_space<vmem_shared>>
        %dma_wait3A_780 = arith.constant 0 : i32
        %dma_wait3A_781 = tpu.memref_slice %arg11[%mul3A_773, %dma_wait3A_780] : memref<2048x16xi32, #tpu.memory_space<vmem_shared>> -> memref<256x16xi32, #tpu.memory_space<vmem_shared>>
        tpu.wait_dma2 semaphore(%run_scoped3A : memref<!tpu.dma_semaphore, #tpu.memory_space<semaphore_mem>>) src(%arg7 : memref<256x16xi32, #tpu.memory_space<vmem>>) dst(%dma_wait3A_781 : memref<256x16xi32, #tpu.memory_space<vmem_shared>>)
        tpu.yield
      }) : () -> ()
    } else {
    }
    %dma_wait3A = arith.constant 0 : i32
    %dma_wait3A_165 = arith.constant 0 : i32
    %dma_wait3A_166 = tpu.memref_slice %arg5[%dma_wait3A, %dma_wait3A_165] : memref<4096x16xf32, #tpu.memory_space<vmem>> -> memref<512x16xf32, #tpu.memory_space<vmem>>
    %dma_wait3A_167 = tpu.memref_slice %arg2[%add3A_36, %mul3A_34] : memref<16384x128xf32, #tpu.memory_space<hbm>> -> memref<512x16xf32, #tpu.memory_space<hbm>>
    %dma_wait3A_168 = arith.constant 0 : i32
    %dma_wait3A_169 = arith.constant 0 : i32
    %dma_wait3A_170 = tpu.memref_slice %arg5[%dma_wait3A_168, %dma_wait3A_169] : memref<4096x16xf32, #tpu.memory_space<vmem>> -> memref<512x16xf32, #tpu.memory_space<vmem>>
    %dma_wait3A_171 = tpu.memref_slice %arg2[%add3A_36, %mul3A_34] : memref<16384x128xf32, #tpu.memory_space<hbm>> -> memref<512x16xf32, #tpu.memory_space<hbm>>
    tpu.wait_dma2 semaphore(%arg12 : memref<!tpu.dma_semaphore, #tpu.memory_space<semaphore_mem>>) src(%dma_wait3A_171 : memref<512x16xf32, #tpu.memory_space<hbm>>) dst(%dma_wait3A_170 : memref<512x16xf32, #tpu.memory_space<vmem>>)
    %dma_wait3A_172 = arith.constant 0 : i32
    %dma_wait3A_173 = arith.constant 0 : i32
    %dma_wait3A_174 = arith.constant 0 : i32
    %dma_wait3A_175 = tpu.memref_slice %arg6[%dma_wait3A_172, %dma_wait3A_173, %dma_wait3A_174] : memref<3x512x16xf32, #tpu.memory_space<vmem>> -> memref<1x512x16xf32, #tpu.memory_space<vmem>>
    %dma_wait3A_176 = tpu.memref_squeeze %dma_wait3A_175 : memref<1x512x16xf32, #tpu.memory_space<vmem>> -> memref<512x16xf32, #tpu.memory_space<vmem>>
    %dma_wait3A_177 = tpu.memref_slice %arg3[%add3A_115, %mul3A_34] : memref<16384x128xf32, #tpu.memory_space<hbm>> -> memref<512x16xf32, #tpu.memory_space<hbm>>
    %dma_wait3A_178 = arith.constant 0 : i32
    %dma_wait3A_179 = arith.constant 0 : i32
    %dma_wait3A_180 = tpu.memref_slice %arg6[%dma_wait3A_172, %dma_wait3A_178, %dma_wait3A_179] : memref<3x512x16xf32, #tpu.memory_space<vmem>> -> memref<1x512x16xf32, #tpu.memory_space<vmem>>
    %dma_wait3A_181 = tpu.memref_squeeze %dma_wait3A_180 : memref<1x512x16xf32, #tpu.memory_space<vmem>> -> memref<512x16xf32, #tpu.memory_space<vmem>>
    %dma_wait3A_182 = tpu.memref_slice %arg3[%add3A_115, %mul3A_34] : memref<16384x128xf32, #tpu.memory_space<hbm>> -> memref<512x16xf32, #tpu.memory_space<hbm>>
    tpu.wait_dma2 semaphore(%arg13 : memref<!tpu.dma_semaphore, #tpu.memory_space<semaphore_mem>>) src(%dma_wait3A_182 : memref<512x16xf32, #tpu.memory_space<hbm>>) dst(%dma_wait3A_181 : memref<512x16xf32, #tpu.memory_space<vmem>>)
    %parallel_loop3A_183 = arith.constant 0 : i32
    %parallel_loop3A_184 = arith.constant 512 : i32
    %parallel_loop3A_185 = arith.constant 1 : i32
    scf.for %parallel_loop3A_772 = %parallel_loop3A_183 to %parallel_loop3A_184 step %parallel_loop3A_185  : i32 {
      %parallel_loop3A_773 = arith.constant 0 : i32
      %parallel_loop3A_774 = arith.addi %parallel_loop3A_773, %parallel_loop3A_772 : i32
      %parallel_loop3A_775 = arith.index_cast %parallel_loop3A_774 : i32 to index
      %parallel_loop3A_776 = arith.constant 0 : index
      %parallel_loop3A_777 = tpu.vector_load %arg5[%parallel_loop3A_775, %parallel_loop3A_776] {strides = array<i32>} : memref<4096x16xf32, #tpu.memory_space<vmem>>, vector<16xf32>,
      %parallel_loop3A_778 = vector.bitcast %parallel_loop3A_777 : vector<16xf32> to vector<16xi32>
      %parallel_loop3A_779 = vector.bitcast %parallel_loop3A_778 : vector<16xi32> to vector<16xi32>
      %parallel_loop3A_780 = arith.constant 31 : i32
      %parallel_loop3A_781 = vector.broadcast %parallel_loop3A_780 : i32 to vector<16xi32>
      %parallel_loop3A_782 = arith.shrsi %parallel_loop3A_778, %parallel_loop3A_781 : vector<16xi32>
      %parallel_loop3A_783 = vector.bitcast %parallel_loop3A_782 : vector<16xi32> to vector<16xi32>
      %parallel_loop3A_784 = arith.constant -2147483648 : i32
      %parallel_loop3A_785 = vector.broadcast %parallel_loop3A_784 : i32 to vector<16xi32>
      %parallel_loop3A_786 = arith.ori %parallel_loop3A_783, %parallel_loop3A_785 : vector<16xi32>
      %parallel_loop3A_787 = arith.xori %parallel_loop3A_779, %parallel_loop3A_786 : vector<16xi32>
      %parallel_loop3A_788 = arith.constant 0 : i32
      %parallel_loop3A_789 = arith.index_cast %parallel_loop3A_788 : i32 to index
      %parallel_loop3A_790 = arith.index_cast %parallel_loop3A_772 : i32 to index
      %parallel_loop3A_791 = arith.constant 0 : index
      %parallel_loop3A_792 = tpu.vector_load %arg6[%parallel_loop3A_789, %parallel_loop3A_790, %parallel_loop3A_791] {strides = array<i32>} : memref<3x512x16xf32, #tpu.memory_space<vmem>>, vector<16xf32>,
      %parallel_loop3A_793 = arith.constant 0.000000e+00 : f32
      %parallel_loop3A_794 = vector.broadcast %parallel_loop3A_793 : f32 to vector<16xf32>
      %parallel_loop3A_795 = arith.cmpf ogt, %parallel_loop3A_792, %parallel_loop3A_794 : vector<16xf32>
      %parallel_loop3A_796 = arith.constant -2 : i32
      %parallel_loop3A_797 = vector.broadcast %parallel_loop3A_796 : i32 to vector<16xi32>
      %parallel_loop3A_798 = arith.andi %parallel_loop3A_787, %parallel_loop3A_797 : vector<16xi32>
      %parallel_loop3A_799 = arith.extui %parallel_loop3A_795 : vector<16xi1> to vector<16xi32>
      %parallel_loop3A_800 = arith.ori %parallel_loop3A_798, %parallel_loop3A_799 : vector<16xi32>
      %parallel_loop3A_801 = vector.bitcast %parallel_loop3A_800 : vector<16xi32> to vector<16xf32>
      %parallel_loop3A_802 = arith.index_cast %parallel_loop3A_774 : i32 to index
      %parallel_loop3A_803 = arith.constant 0 : index
      %parallel_loop3A_804 = tpu.vector_load %arg5[%parallel_loop3A_802, %parallel_loop3A_803] {strides = array<i32>} : memref<4096x16xf32, #tpu.memory_space<vmem>>, vector<16xf32>,
      tpu.vector_store %arg5[%parallel_loop3A_802, %parallel_loop3A_803], %parallel_loop3A_801 {strides = array<i32>} : memref<4096x16xf32, #tpu.memory_space<vmem>>, vector<16xf32>,
      %parallel_loop3A_805 = arith.constant 24 : i32
      %parallel_loop3A_806 = vector.broadcast %parallel_loop3A_805 : i32 to vector<16xi32>
      %parallel_loop3A_807 = arith.shrui %parallel_loop3A_800, %parallel_loop3A_806 : vector<16xi32>
      %parallel_loop3A_808 = vector.bitcast %parallel_loop3A_807 : vector<16xi32> to vector<16xi32>
      %parallel_loop3A_809 = arith.constant 65537 : i32
      %parallel_loop3A_810 = arith.constant 65536 : i32
      %parallel_loop3A_811 = vector.broadcast %parallel_loop3A_809 : i32 to vector<16xi32>
      %parallel_loop3A_812 = vector.broadcast %parallel_loop3A_810 : i32 to vector<16xi32>
      %parallel_loop3A_813 = arith.select %parallel_loop3A_795, %parallel_loop3A_811, %parallel_loop3A_812 : vector<16xi1>, vector<16xi32>
      tpu.vector_store_idx %arg7[%parallel_loop3A_808, %iota3A], %parallel_loop3A_813 {add = true} : memref<256x16xi32, #tpu.memory_space<vmem>>[vector<16xi32>, vector<16xi32>], vector<16xi32>,
    } {sc.loop_unroll_factor = 4 : i64, sc.parallel_access}
    %add3A_186 = arith.constant 1536 : i32
    %add3A_187 = arith.addi %mul3A_32, %add3A_186 : i32
    %dma_start3A_188 = arith.constant 0 : i32
    %dma_start3A_189 = arith.constant 0 : i32
    %dma_start3A_190 = arith.constant 0 : i32
    %dma_start3A_191 = tpu.memref_slice %arg6[%dma_start3A_188, %dma_start3A_189, %dma_start3A_190] : memref<3x512x16xf32, #tpu.memory_space<vmem>> -> memref<1x512x16xf32, #tpu.memory_space<vmem>>
    %dma_start3A_192 = tpu.memref_squeeze %dma_start3A_191 : memref<1x512x16xf32, #tpu.memory_space<vmem>> -> memref<512x16xf32, #tpu.memory_space<vmem>>
    %dma_start3A_193 = tpu.memref_slice %arg3[%add3A_187, %mul3A_34] : memref<16384x128xf32, #tpu.memory_space<hbm>> -> memref<512x16xf32, #tpu.memory_space<hbm>>
    %dma_start3A_194 = arith.constant 0 : i32
    %dma_start3A_195 = arith.constant 0 : i32
    %dma_start3A_196 = tpu.memref_slice %arg6[%dma_start3A_188, %dma_start3A_194, %dma_start3A_195] : memref<3x512x16xf32, #tpu.memory_space<vmem>> -> memref<1x512x16xf32, #tpu.memory_space<vmem>>
    %dma_start3A_197 = tpu.memref_squeeze %dma_start3A_196 : memref<1x512x16xf32, #tpu.memory_space<vmem>> -> memref<512x16xf32, #tpu.memory_space<vmem>>
    %dma_start3A_198 = tpu.memref_slice %arg3[%add3A_187, %mul3A_34] : memref<16384x128xf32, #tpu.memory_space<hbm>> -> memref<512x16xf32, #tpu.memory_space<hbm>>
    tpu.enqueue_dma source(%dma_start3A_198 : memref<512x16xf32, #tpu.memory_space<hbm>>) target(%dma_start3A_197 : memref<512x16xf32, #tpu.memory_space<vmem>>) target_semaphore(%arg13 : memref<!tpu.dma_semaphore, #tpu.memory_space<semaphore_mem>>)
    %dma_wait3A_199 = arith.constant 512 : i32
    %dma_wait3A_200 = arith.constant 0 : i32
    %dma_wait3A_201 = tpu.memref_slice %arg5[%dma_wait3A_199, %dma_wait3A_200] : memref<4096x16xf32, #tpu.memory_space<vmem>> -> memref<512x16xf32, #tpu.memory_space<vmem>>
    %dma_wait3A_202 = tpu.memref_slice %arg2[%add3A_45, %mul3A_34] : memref<16384x128xf32, #tpu.memory_space<hbm>> -> memref<512x16xf32, #tpu.memory_space<hbm>>
    %dma_wait3A_203 = arith.constant 512 : i32
    %dma_wait3A_204 = arith.constant 0 : i32
    %dma_wait3A_205 = tpu.memref_slice %arg5[%dma_wait3A_203, %dma_wait3A_204] : memref<4096x16xf32, #tpu.memory_space<vmem>> -> memref<512x16xf32, #tpu.memory_space<vmem>>
    %dma_wait3A_206 = tpu.memref_slice %arg2[%add3A_45, %mul3A_34] : memref<16384x128xf32, #tpu.memory_space<hbm>> -> memref<512x16xf32, #tpu.memory_space<hbm>>
    tpu.wait_dma2 semaphore(%arg12 : memref<!tpu.dma_semaphore, #tpu.memory_space<semaphore_mem>>) src(%dma_wait3A_206 : memref<512x16xf32, #tpu.memory_space<hbm>>) dst(%dma_wait3A_205 : memref<512x16xf32, #tpu.memory_space<vmem>>)
    %dma_wait3A_207 = arith.constant 1 : i32
    %dma_wait3A_208 = arith.constant 0 : i32
    %dma_wait3A_209 = arith.constant 0 : i32
    %dma_wait3A_210 = tpu.memref_slice %arg6[%dma_wait3A_207, %dma_wait3A_208, %dma_wait3A_209] : memref<3x512x16xf32, #tpu.memory_space<vmem>> -> memref<1x512x16xf32, #tpu.memory_space<vmem>>
    %dma_wait3A_211 = tpu.memref_squeeze %dma_wait3A_210 : memref<1x512x16xf32, #tpu.memory_space<vmem>> -> memref<512x16xf32, #tpu.memory_space<vmem>>
    %dma_wait3A_212 = tpu.memref_slice %arg3[%add3A_128, %mul3A_34] : memref<16384x128xf32, #tpu.memory_space<hbm>> -> memref<512x16xf32, #tpu.memory_space<hbm>>
    %dma_wait3A_213 = arith.constant 0 : i32
    %dma_wait3A_214 = arith.constant 0 : i32
    %dma_wait3A_215 = tpu.memref_slice %arg6[%dma_wait3A_207, %dma_wait3A_213, %dma_wait3A_214] : memref<3x512x16xf32, #tpu.memory_space<vmem>> -> memref<1x512x16xf32, #tpu.memory_space<vmem>>
    %dma_wait3A_216 = tpu.memref_squeeze %dma_wait3A_215 : memref<1x512x16xf32, #tpu.memory_space<vmem>> -> memref<512x16xf32, #tpu.memory_space<vmem>>
    %dma_wait3A_217 = tpu.memref_slice %arg3[%add3A_128, %mul3A_34] : memref<16384x128xf32, #tpu.memory_space<hbm>> -> memref<512x16xf32, #tpu.memory_space<hbm>>
    tpu.wait_dma2 semaphore(%arg13 : memref<!tpu.dma_semaphore, #tpu.memory_space<semaphore_mem>>) src(%dma_wait3A_217 : memref<512x16xf32, #tpu.memory_space<hbm>>) dst(%dma_wait3A_216 : memref<512x16xf32, #tpu.memory_space<vmem>>)
    %parallel_loop3A_218 = arith.constant 0 : i32
    %parallel_loop3A_219 = arith.constant 512 : i32
    %parallel_loop3A_220 = arith.constant 1 : i32
    scf.for %parallel_loop3A_772 = %parallel_loop3A_218 to %parallel_loop3A_219 step %parallel_loop3A_220  : i32 {
      %parallel_loop3A_773 = arith.constant 512 : i32
      %parallel_loop3A_774 = arith.addi %parallel_loop3A_773, %parallel_loop3A_772 : i32
      %parallel_loop3A_775 = arith.index_cast %parallel_loop3A_774 : i32 to index
      %parallel_loop3A_776 = arith.constant 0 : index
      %parallel_loop3A_777 = tpu.vector_load %arg5[%parallel_loop3A_775, %parallel_loop3A_776] {strides = array<i32>} : memref<4096x16xf32, #tpu.memory_space<vmem>>, vector<16xf32>,
      %parallel_loop3A_778 = vector.bitcast %parallel_loop3A_777 : vector<16xf32> to vector<16xi32>
      %parallel_loop3A_779 = vector.bitcast %parallel_loop3A_778 : vector<16xi32> to vector<16xi32>
      %parallel_loop3A_780 = arith.constant 31 : i32
      %parallel_loop3A_781 = vector.broadcast %parallel_loop3A_780 : i32 to vector<16xi32>
      %parallel_loop3A_782 = arith.shrsi %parallel_loop3A_778, %parallel_loop3A_781 : vector<16xi32>
      %parallel_loop3A_783 = vector.bitcast %parallel_loop3A_782 : vector<16xi32> to vector<16xi32>
      %parallel_loop3A_784 = arith.constant -2147483648 : i32
      %parallel_loop3A_785 = vector.broadcast %parallel_loop3A_784 : i32 to vector<16xi32>
      %parallel_loop3A_786 = arith.ori %parallel_loop3A_783, %parallel_loop3A_785 : vector<16xi32>
      %parallel_loop3A_787 = arith.xori %parallel_loop3A_779, %parallel_loop3A_786 : vector<16xi32>
      %parallel_loop3A_788 = arith.constant 1 : i32
      %parallel_loop3A_789 = arith.index_cast %parallel_loop3A_788 : i32 to index
      %parallel_loop3A_790 = arith.index_cast %parallel_loop3A_772 : i32 to index
      %parallel_loop3A_791 = arith.constant 0 : index
      %parallel_loop3A_792 = tpu.vector_load %arg6[%parallel_loop3A_789, %parallel_loop3A_790, %parallel_loop3A_791] {strides = array<i32>} : memref<3x512x16xf32, #tpu.memory_space<vmem>>, vector<16xf32>,
      %parallel_loop3A_793 = arith.constant 0.000000e+00 : f32
      %parallel_loop3A_794 = vector.broadcast %parallel_loop3A_793 : f32 to vector<16xf32>
      %parallel_loop3A_795 = arith.cmpf ogt, %parallel_loop3A_792, %parallel_loop3A_794 : vector<16xf32>
      %parallel_loop3A_796 = arith.constant -2 : i32
      %parallel_loop3A_797 = vector.broadcast %parallel_loop3A_796 : i32 to vector<16xi32>
      %parallel_loop3A_798 = arith.andi %parallel_loop3A_787, %parallel_loop3A_797 : vector<16xi32>
      %parallel_loop3A_799 = arith.extui %parallel_loop3A_795 : vector<16xi1> to vector<16xi32>
      %parallel_loop3A_800 = arith.ori %parallel_loop3A_798, %parallel_loop3A_799 : vector<16xi32>
      %parallel_loop3A_801 = vector.bitcast %parallel_loop3A_800 : vector<16xi32> to vector<16xf32>
      %parallel_loop3A_802 = arith.index_cast %parallel_loop3A_774 : i32 to index
      %parallel_loop3A_803 = arith.constant 0 : index
      %parallel_loop3A_804 = tpu.vector_load %arg5[%parallel_loop3A_802, %parallel_loop3A_803] {strides = array<i32>} : memref<4096x16xf32, #tpu.memory_space<vmem>>, vector<16xf32>,
      tpu.vector_store %arg5[%parallel_loop3A_802, %parallel_loop3A_803], %parallel_loop3A_801 {strides = array<i32>} : memref<4096x16xf32, #tpu.memory_space<vmem>>, vector<16xf32>,
      %parallel_loop3A_805 = arith.constant 24 : i32
      %parallel_loop3A_806 = vector.broadcast %parallel_loop3A_805 : i32 to vector<16xi32>
      %parallel_loop3A_807 = arith.shrui %parallel_loop3A_800, %parallel_loop3A_806 : vector<16xi32>
      %parallel_loop3A_808 = vector.bitcast %parallel_loop3A_807 : vector<16xi32> to vector<16xi32>
      %parallel_loop3A_809 = arith.constant 65537 : i32
      %parallel_loop3A_810 = arith.constant 65536 : i32
      %parallel_loop3A_811 = vector.broadcast %parallel_loop3A_809 : i32 to vector<16xi32>
      %parallel_loop3A_812 = vector.broadcast %parallel_loop3A_810 : i32 to vector<16xi32>
      %parallel_loop3A_813 = arith.select %parallel_loop3A_795, %parallel_loop3A_811, %parallel_loop3A_812 : vector<16xi1>, vector<16xi32>
      tpu.vector_store_idx %arg7[%parallel_loop3A_808, %iota3A], %parallel_loop3A_813 {add = true} : memref<256x16xi32, #tpu.memory_space<vmem>>[vector<16xi32>, vector<16xi32>], vector<16xi32>,
    } {sc.loop_unroll_factor = 4 : i64, sc.parallel_access}
    %add3A_221 = arith.constant 2048 : i32
    %add3A_222 = arith.addi %mul3A_32, %add3A_221 : i32
    %dma_start3A_223 = arith.constant 1 : i32
    %dma_start3A_224 = arith.constant 0 : i32
    %dma_start3A_225 = arith.constant 0 : i32
    %dma_start3A_226 = tpu.memref_slice %arg6[%dma_start3A_223, %dma_start3A_224, %dma_start3A_225] : memref<3x512x16xf32, #tpu.memory_space<vmem>> -> memref<1x512x16xf32, #tpu.memory_space<vmem>>
    %dma_start3A_227 = tpu.memref_squeeze %dma_start3A_226 : memref<1x512x16xf32, #tpu.memory_space<vmem>> -> memref<512x16xf32, #tpu.memory_space<vmem>>
    %dma_start3A_228 = tpu.memref_slice %arg3[%add3A_222, %mul3A_34] : memref<16384x128xf32, #tpu.memory_space<hbm>> -> memref<512x16xf32, #tpu.memory_space<hbm>>
    %dma_start3A_229 = arith.constant 0 : i32
    %dma_start3A_230 = arith.constant 0 : i32
    %dma_start3A_231 = tpu.memref_slice %arg6[%dma_start3A_223, %dma_start3A_229, %dma_start3A_230] : memref<3x512x16xf32, #tpu.memory_space<vmem>> -> memref<1x512x16xf32, #tpu.memory_space<vmem>>
    %dma_start3A_232 = tpu.memref_squeeze %dma_start3A_231 : memref<1x512x16xf32, #tpu.memory_space<vmem>> -> memref<512x16xf32, #tpu.memory_space<vmem>>
    %dma_start3A_233 = tpu.memref_slice %arg3[%add3A_222, %mul3A_34] : memref<16384x128xf32, #tpu.memory_space<hbm>> -> memref<512x16xf32, #tpu.memory_space<hbm>>
    tpu.enqueue_dma source(%dma_start3A_233 : memref<512x16xf32, #tpu.memory_space<hbm>>) target(%dma_start3A_232 : memref<512x16xf32, #tpu.memory_space<vmem>>) target_semaphore(%arg13 : memref<!tpu.dma_semaphore, #tpu.memory_space<semaphore_mem>>)
    %dma_wait3A_234 = arith.constant 1024 : i32
    %dma_wait3A_235 = arith.constant 0 : i32
    %dma_wait3A_236 = tpu.memref_slice %arg5[%dma_wait3A_234, %dma_wait3A_235] : memref<4096x16xf32, #tpu.memory_space<vmem>> -> memref<512x16xf32, #tpu.memory_space<vmem>>
    %dma_wait3A_237 = tpu.memref_slice %arg2[%add3A_55, %mul3A_34] : memref<16384x128xf32, #tpu.memory_space<hbm>> -> memref<512x16xf32, #tpu.memory_space<hbm>>
    %dma_wait3A_238 = arith.constant 1024 : i32
    %dma_wait3A_239 = arith.constant 0 : i32
    %dma_wait3A_240 = tpu.memref_slice %arg5[%dma_wait3A_238, %dma_wait3A_239] : memref<4096x16xf32, #tpu.memory_space<vmem>> -> memref<512x16xf32, #tpu.memory_space<vmem>>
    %dma_wait3A_241 = tpu.memref_slice %arg2[%add3A_55, %mul3A_34] : memref<16384x128xf32, #tpu.memory_space<hbm>> -> memref<512x16xf32, #tpu.memory_space<hbm>>
    tpu.wait_dma2 semaphore(%arg12 : memref<!tpu.dma_semaphore, #tpu.memory_space<semaphore_mem>>) src(%dma_wait3A_241 : memref<512x16xf32, #tpu.memory_space<hbm>>) dst(%dma_wait3A_240 : memref<512x16xf32, #tpu.memory_space<vmem>>)
    %dma_wait3A_242 = arith.constant 2 : i32
    %dma_wait3A_243 = arith.constant 0 : i32
    %dma_wait3A_244 = arith.constant 0 : i32
    %dma_wait3A_245 = tpu.memref_slice %arg6[%dma_wait3A_242, %dma_wait3A_243, %dma_wait3A_244] : memref<3x512x16xf32, #tpu.memory_space<vmem>> -> memref<1x512x16xf32, #tpu.memory_space<vmem>>
    %dma_wait3A_246 = tpu.memref_squeeze %dma_wait3A_245 : memref<1x512x16xf32, #tpu.memory_space<vmem>> -> memref<512x16xf32, #tpu.memory_space<vmem>>
    %dma_wait3A_247 = tpu.memref_slice %arg3[%add3A_141, %mul3A_34] : memref<16384x128xf32, #tpu.memory_space<hbm>> -> memref<512x16xf32, #tpu.memory_space<hbm>>
    %dma_wait3A_248 = arith.constant 0 : i32
    %dma_wait3A_249 = arith.constant 0 : i32
    %dma_wait3A_250 = tpu.memref_slice %arg6[%dma_wait3A_242, %dma_wait3A_248, %dma_wait3A_249] : memref<3x512x16xf32, #tpu.memory_space<vmem>> -> memref<1x512x16xf32, #tpu.memory_space<vmem>>
    %dma_wait3A_251 = tpu.memref_squeeze %dma_wait3A_250 : memref<1x512x16xf32, #tpu.memory_space<vmem>> -> memref<512x16xf32, #tpu.memory_space<vmem>>
    %dma_wait3A_252 = tpu.memref_slice %arg3[%add3A_141, %mul3A_34] : memref<16384x128xf32, #tpu.memory_space<hbm>> -> memref<512x16xf32, #tpu.memory_space<hbm>>
    tpu.wait_dma2 semaphore(%arg13 : memref<!tpu.dma_semaphore, #tpu.memory_space<semaphore_mem>>) src(%dma_wait3A_252 : memref<512x16xf32, #tpu.memory_space<hbm>>) dst(%dma_wait3A_251 : memref<512x16xf32, #tpu.memory_space<vmem>>)
    %parallel_loop3A_253 = arith.constant 0 : i32
    %parallel_loop3A_254 = arith.constant 512 : i32
    %parallel_loop3A_255 = arith.constant 1 : i32
    scf.for %parallel_loop3A_772 = %parallel_loop3A_253 to %parallel_loop3A_254 step %parallel_loop3A_255  : i32 {
      %parallel_loop3A_773 = arith.constant 1024 : i32
      %parallel_loop3A_774 = arith.addi %parallel_loop3A_773, %parallel_loop3A_772 : i32
      %parallel_loop3A_775 = arith.index_cast %parallel_loop3A_774 : i32 to index
      %parallel_loop3A_776 = arith.constant 0 : index
      %parallel_loop3A_777 = tpu.vector_load %arg5[%parallel_loop3A_775, %parallel_loop3A_776] {strides = array<i32>} : memref<4096x16xf32, #tpu.memory_space<vmem>>, vector<16xf32>,
      %parallel_loop3A_778 = vector.bitcast %parallel_loop3A_777 : vector<16xf32> to vector<16xi32>
      %parallel_loop3A_779 = vector.bitcast %parallel_loop3A_778 : vector<16xi32> to vector<16xi32>
      %parallel_loop3A_780 = arith.constant 31 : i32
      %parallel_loop3A_781 = vector.broadcast %parallel_loop3A_780 : i32 to vector<16xi32>
      %parallel_loop3A_782 = arith.shrsi %parallel_loop3A_778, %parallel_loop3A_781 : vector<16xi32>
      %parallel_loop3A_783 = vector.bitcast %parallel_loop3A_782 : vector<16xi32> to vector<16xi32>
      %parallel_loop3A_784 = arith.constant -2147483648 : i32
      %parallel_loop3A_785 = vector.broadcast %parallel_loop3A_784 : i32 to vector<16xi32>
      %parallel_loop3A_786 = arith.ori %parallel_loop3A_783, %parallel_loop3A_785 : vector<16xi32>
      %parallel_loop3A_787 = arith.xori %parallel_loop3A_779, %parallel_loop3A_786 : vector<16xi32>
      %parallel_loop3A_788 = arith.constant 2 : i32
      %parallel_loop3A_789 = arith.index_cast %parallel_loop3A_788 : i32 to index
      %parallel_loop3A_790 = arith.index_cast %parallel_loop3A_772 : i32 to index
      %parallel_loop3A_791 = arith.constant 0 : index
      %parallel_loop3A_792 = tpu.vector_load %arg6[%parallel_loop3A_789, %parallel_loop3A_790, %parallel_loop3A_791] {strides = array<i32>} : memref<3x512x16xf32, #tpu.memory_space<vmem>>, vector<16xf32>,
      %parallel_loop3A_793 = arith.constant 0.000000e+00 : f32
      %parallel_loop3A_794 = vector.broadcast %parallel_loop3A_793 : f32 to vector<16xf32>
      %parallel_loop3A_795 = arith.cmpf ogt, %parallel_loop3A_792, %parallel_loop3A_794 : vector<16xf32>
      %parallel_loop3A_796 = arith.constant -2 : i32
      %parallel_loop3A_797 = vector.broadcast %parallel_loop3A_796 : i32 to vector<16xi32>
      %parallel_loop3A_798 = arith.andi %parallel_loop3A_787, %parallel_loop3A_797 : vector<16xi32>
      %parallel_loop3A_799 = arith.extui %parallel_loop3A_795 : vector<16xi1> to vector<16xi32>
      %parallel_loop3A_800 = arith.ori %parallel_loop3A_798, %parallel_loop3A_799 : vector<16xi32>
      %parallel_loop3A_801 = vector.bitcast %parallel_loop3A_800 : vector<16xi32> to vector<16xf32>
      %parallel_loop3A_802 = arith.index_cast %parallel_loop3A_774 : i32 to index
      %parallel_loop3A_803 = arith.constant 0 : index
      %parallel_loop3A_804 = tpu.vector_load %arg5[%parallel_loop3A_802, %parallel_loop3A_803] {strides = array<i32>} : memref<4096x16xf32, #tpu.memory_space<vmem>>, vector<16xf32>,
      tpu.vector_store %arg5[%parallel_loop3A_802, %parallel_loop3A_803], %parallel_loop3A_801 {strides = array<i32>} : memref<4096x16xf32, #tpu.memory_space<vmem>>, vector<16xf32>,
      %parallel_loop3A_805 = arith.constant 24 : i32
      %parallel_loop3A_806 = vector.broadcast %parallel_loop3A_805 : i32 to vector<16xi32>
      %parallel_loop3A_807 = arith.shrui %parallel_loop3A_800, %parallel_loop3A_806 : vector<16xi32>
      %parallel_loop3A_808 = vector.bitcast %parallel_loop3A_807 : vector<16xi32> to vector<16xi32>
      %parallel_loop3A_809 = arith.constant 65537 : i32
      %parallel_loop3A_810 = arith.constant 65536 : i32
      %parallel_loop3A_811 = vector.broadcast %parallel_loop3A_809 : i32 to vector<16xi32>
      %parallel_loop3A_812 = vector.broadcast %parallel_loop3A_810 : i32 to vector<16xi32>
      %parallel_loop3A_813 = arith.select %parallel_loop3A_795, %parallel_loop3A_811, %parallel_loop3A_812 : vector<16xi1>, vector<16xi32>
      tpu.vector_store_idx %arg7[%parallel_loop3A_808, %iota3A], %parallel_loop3A_813 {add = true} : memref<256x16xi32, #tpu.memory_space<vmem>>[vector<16xi32>, vector<16xi32>], vector<16xi32>,
    } {sc.loop_unroll_factor = 4 : i64, sc.parallel_access}
    %add3A_256 = arith.constant 2560 : i32
    %add3A_257 = arith.addi %mul3A_32, %add3A_256 : i32
    %dma_start3A_258 = arith.constant 2 : i32
    %dma_start3A_259 = arith.constant 0 : i32
    %dma_start3A_260 = arith.constant 0 : i32
    %dma_start3A_261 = tpu.memref_slice %arg6[%dma_start3A_258, %dma_start3A_259, %dma_start3A_260] : memref<3x512x16xf32, #tpu.memory_space<vmem>> -> memref<1x512x16xf32, #tpu.memory_space<vmem>>
    %dma_start3A_262 = tpu.memref_squeeze %dma_start3A_261 : memref<1x512x16xf32, #tpu.memory_space<vmem>> -> memref<512x16xf32, #tpu.memory_space<vmem>>
    %dma_start3A_263 = tpu.memref_slice %arg3[%add3A_257, %mul3A_34] : memref<16384x128xf32, #tpu.memory_space<hbm>> -> memref<512x16xf32, #tpu.memory_space<hbm>>
    %dma_start3A_264 = arith.constant 0 : i32
    %dma_start3A_265 = arith.constant 0 : i32
    %dma_start3A_266 = tpu.memref_slice %arg6[%dma_start3A_258, %dma_start3A_264, %dma_start3A_265] : memref<3x512x16xf32, #tpu.memory_space<vmem>> -> memref<1x512x16xf32, #tpu.memory_space<vmem>>
    %dma_start3A_267 = tpu.memref_squeeze %dma_start3A_266 : memref<1x512x16xf32, #tpu.memory_space<vmem>> -> memref<512x16xf32, #tpu.memory_space<vmem>>
    %dma_start3A_268 = tpu.memref_slice %arg3[%add3A_257, %mul3A_34] : memref<16384x128xf32, #tpu.memory_space<hbm>> -> memref<512x16xf32, #tpu.memory_space<hbm>>
    tpu.enqueue_dma source(%dma_start3A_268 : memref<512x16xf32, #tpu.memory_space<hbm>>) target(%dma_start3A_267 : memref<512x16xf32, #tpu.memory_space<vmem>>) target_semaphore(%arg13 : memref<!tpu.dma_semaphore, #tpu.memory_space<semaphore_mem>>)
    %dma_wait3A_269 = arith.constant 1536 : i32
    %dma_wait3A_270 = arith.constant 0 : i32
    %dma_wait3A_271 = tpu.memref_slice %arg5[%dma_wait3A_269, %dma_wait3A_270] : memref<4096x16xf32, #tpu.memory_space<vmem>> -> memref<512x16xf32, #tpu.memory_space<vmem>>
    %dma_wait3A_272 = tpu.memref_slice %arg2[%add3A_65, %mul3A_34] : memref<16384x128xf32, #tpu.memory_space<hbm>> -> memref<512x16xf32, #tpu.memory_space<hbm>>
    %dma_wait3A_273 = arith.constant 1536 : i32
    %dma_wait3A_274 = arith.constant 0 : i32
    %dma_wait3A_275 = tpu.memref_slice %arg5[%dma_wait3A_273, %dma_wait3A_274] : memref<4096x16xf32, #tpu.memory_space<vmem>> -> memref<512x16xf32, #tpu.memory_space<vmem>>
    %dma_wait3A_276 = tpu.memref_slice %arg2[%add3A_65, %mul3A_34] : memref<16384x128xf32, #tpu.memory_space<hbm>> -> memref<512x16xf32, #tpu.memory_space<hbm>>
    tpu.wait_dma2 semaphore(%arg12 : memref<!tpu.dma_semaphore, #tpu.memory_space<semaphore_mem>>) src(%dma_wait3A_276 : memref<512x16xf32, #tpu.memory_space<hbm>>) dst(%dma_wait3A_275 : memref<512x16xf32, #tpu.memory_space<vmem>>)
    %dma_wait3A_277 = arith.constant 0 : i32
    %dma_wait3A_278 = arith.constant 0 : i32
    %dma_wait3A_279 = arith.constant 0 : i32
    %dma_wait3A_280 = tpu.memref_slice %arg6[%dma_wait3A_277, %dma_wait3A_278, %dma_wait3A_279] : memref<3x512x16xf32, #tpu.memory_space<vmem>> -> memref<1x512x16xf32, #tpu.memory_space<vmem>>
    %dma_wait3A_281 = tpu.memref_squeeze %dma_wait3A_280 : memref<1x512x16xf32, #tpu.memory_space<vmem>> -> memref<512x16xf32, #tpu.memory_space<vmem>>
    %dma_wait3A_282 = tpu.memref_slice %arg3[%add3A_187, %mul3A_34] : memref<16384x128xf32, #tpu.memory_space<hbm>> -> memref<512x16xf32, #tpu.memory_space<hbm>>
    %dma_wait3A_283 = arith.constant 0 : i32
    %dma_wait3A_284 = arith.constant 0 : i32
    %dma_wait3A_285 = tpu.memref_slice %arg6[%dma_wait3A_277, %dma_wait3A_283, %dma_wait3A_284] : memref<3x512x16xf32, #tpu.memory_space<vmem>> -> memref<1x512x16xf32, #tpu.memory_space<vmem>>
    %dma_wait3A_286 = tpu.memref_squeeze %dma_wait3A_285 : memref<1x512x16xf32, #tpu.memory_space<vmem>> -> memref<512x16xf32, #tpu.memory_space<vmem>>
    %dma_wait3A_287 = tpu.memref_slice %arg3[%add3A_187, %mul3A_34] : memref<16384x128xf32, #tpu.memory_space<hbm>> -> memref<512x16xf32, #tpu.memory_space<hbm>>
    tpu.wait_dma2 semaphore(%arg13 : memref<!tpu.dma_semaphore, #tpu.memory_space<semaphore_mem>>) src(%dma_wait3A_287 : memref<512x16xf32, #tpu.memory_space<hbm>>) dst(%dma_wait3A_286 : memref<512x16xf32, #tpu.memory_space<vmem>>)
    %parallel_loop3A_288 = arith.constant 0 : i32
    %parallel_loop3A_289 = arith.constant 512 : i32
    %parallel_loop3A_290 = arith.constant 1 : i32
    scf.for %parallel_loop3A_772 = %parallel_loop3A_288 to %parallel_loop3A_289 step %parallel_loop3A_290  : i32 {
      %parallel_loop3A_773 = arith.constant 1536 : i32
      %parallel_loop3A_774 = arith.addi %parallel_loop3A_773, %parallel_loop3A_772 : i32
      %parallel_loop3A_775 = arith.index_cast %parallel_loop3A_774 : i32 to index
      %parallel_loop3A_776 = arith.constant 0 : index
      %parallel_loop3A_777 = tpu.vector_load %arg5[%parallel_loop3A_775, %parallel_loop3A_776] {strides = array<i32>} : memref<4096x16xf32, #tpu.memory_space<vmem>>, vector<16xf32>,
      %parallel_loop3A_778 = vector.bitcast %parallel_loop3A_777 : vector<16xf32> to vector<16xi32>
      %parallel_loop3A_779 = vector.bitcast %parallel_loop3A_778 : vector<16xi32> to vector<16xi32>
      %parallel_loop3A_780 = arith.constant 31 : i32
      %parallel_loop3A_781 = vector.broadcast %parallel_loop3A_780 : i32 to vector<16xi32>
      %parallel_loop3A_782 = arith.shrsi %parallel_loop3A_778, %parallel_loop3A_781 : vector<16xi32>
      %parallel_loop3A_783 = vector.bitcast %parallel_loop3A_782 : vector<16xi32> to vector<16xi32>
      %parallel_loop3A_784 = arith.constant -2147483648 : i32
      %parallel_loop3A_785 = vector.broadcast %parallel_loop3A_784 : i32 to vector<16xi32>
      %parallel_loop3A_786 = arith.ori %parallel_loop3A_783, %parallel_loop3A_785 : vector<16xi32>
      %parallel_loop3A_787 = arith.xori %parallel_loop3A_779, %parallel_loop3A_786 : vector<16xi32>
      %parallel_loop3A_788 = arith.constant 0 : i32
      %parallel_loop3A_789 = arith.index_cast %parallel_loop3A_788 : i32 to index
      %parallel_loop3A_790 = arith.index_cast %parallel_loop3A_772 : i32 to index
      %parallel_loop3A_791 = arith.constant 0 : index
      %parallel_loop3A_792 = tpu.vector_load %arg6[%parallel_loop3A_789, %parallel_loop3A_790, %parallel_loop3A_791] {strides = array<i32>} : memref<3x512x16xf32, #tpu.memory_space<vmem>>, vector<16xf32>,
      %parallel_loop3A_793 = arith.constant 0.000000e+00 : f32
      %parallel_loop3A_794 = vector.broadcast %parallel_loop3A_793 : f32 to vector<16xf32>
      %parallel_loop3A_795 = arith.cmpf ogt, %parallel_loop3A_792, %parallel_loop3A_794 : vector<16xf32>
      %parallel_loop3A_796 = arith.constant -2 : i32
      %parallel_loop3A_797 = vector.broadcast %parallel_loop3A_796 : i32 to vector<16xi32>
      %parallel_loop3A_798 = arith.andi %parallel_loop3A_787, %parallel_loop3A_797 : vector<16xi32>
      %parallel_loop3A_799 = arith.extui %parallel_loop3A_795 : vector<16xi1> to vector<16xi32>
      %parallel_loop3A_800 = arith.ori %parallel_loop3A_798, %parallel_loop3A_799 : vector<16xi32>
      %parallel_loop3A_801 = vector.bitcast %parallel_loop3A_800 : vector<16xi32> to vector<16xf32>
      %parallel_loop3A_802 = arith.index_cast %parallel_loop3A_774 : i32 to index
      %parallel_loop3A_803 = arith.constant 0 : index
      %parallel_loop3A_804 = tpu.vector_load %arg5[%parallel_loop3A_802, %parallel_loop3A_803] {strides = array<i32>} : memref<4096x16xf32, #tpu.memory_space<vmem>>, vector<16xf32>,
      tpu.vector_store %arg5[%parallel_loop3A_802, %parallel_loop3A_803], %parallel_loop3A_801 {strides = array<i32>} : memref<4096x16xf32, #tpu.memory_space<vmem>>, vector<16xf32>,
      %parallel_loop3A_805 = arith.constant 24 : i32
      %parallel_loop3A_806 = vector.broadcast %parallel_loop3A_805 : i32 to vector<16xi32>
      %parallel_loop3A_807 = arith.shrui %parallel_loop3A_800, %parallel_loop3A_806 : vector<16xi32>
      %parallel_loop3A_808 = vector.bitcast %parallel_loop3A_807 : vector<16xi32> to vector<16xi32>
      %parallel_loop3A_809 = arith.constant 65537 : i32
      %parallel_loop3A_810 = arith.constant 65536 : i32
      %parallel_loop3A_811 = vector.broadcast %parallel_loop3A_809 : i32 to vector<16xi32>
      %parallel_loop3A_812 = vector.broadcast %parallel_loop3A_810 : i32 to vector<16xi32>
      %parallel_loop3A_813 = arith.select %parallel_loop3A_795, %parallel_loop3A_811, %parallel_loop3A_812 : vector<16xi1>, vector<16xi32>
      tpu.vector_store_idx %arg7[%parallel_loop3A_808, %iota3A], %parallel_loop3A_813 {add = true} : memref<256x16xi32, #tpu.memory_space<vmem>>[vector<16xi32>, vector<16xi32>], vector<16xi32>,
    } {sc.loop_unroll_factor = 4 : i64, sc.parallel_access}
    %add3A_291 = arith.constant 3072 : i32
    %add3A_292 = arith.addi %mul3A_32, %add3A_291 : i32
    %dma_start3A_293 = arith.constant 0 : i32
    %dma_start3A_294 = arith.constant 0 : i32
    %dma_start3A_295 = arith.constant 0 : i32
    %dma_start3A_296 = tpu.memref_slice %arg6[%dma_start3A_293, %dma_start3A_294, %dma_start3A_295] : memref<3x512x16xf32, #tpu.memory_space<vmem>> -> memref<1x512x16xf32, #tpu.memory_space<vmem>>
    %dma_start3A_297 = tpu.memref_squeeze %dma_start3A_296 : memref<1x512x16xf32, #tpu.memory_space<vmem>> -> memref<512x16xf32, #tpu.memory_space<vmem>>
    %dma_start3A_298 = tpu.memref_slice %arg3[%add3A_292, %mul3A_34] : memref<16384x128xf32, #tpu.memory_space<hbm>> -> memref<512x16xf32, #tpu.memory_space<hbm>>
    %dma_start3A_299 = arith.constant 0 : i32
    %dma_start3A_300 = arith.constant 0 : i32
    %dma_start3A_301 = tpu.memref_slice %arg6[%dma_start3A_293, %dma_start3A_299, %dma_start3A_300] : memref<3x512x16xf32, #tpu.memory_space<vmem>> -> memref<1x512x16xf32, #tpu.memory_space<vmem>>
    %dma_start3A_302 = tpu.memref_squeeze %dma_start3A_301 : memref<1x512x16xf32, #tpu.memory_space<vmem>> -> memref<512x16xf32, #tpu.memory_space<vmem>>
    %dma_start3A_303 = tpu.memref_slice %arg3[%add3A_292, %mul3A_34] : memref<16384x128xf32, #tpu.memory_space<hbm>> -> memref<512x16xf32, #tpu.memory_space<hbm>>
    tpu.enqueue_dma source(%dma_start3A_303 : memref<512x16xf32, #tpu.memory_space<hbm>>) target(%dma_start3A_302 : memref<512x16xf32, #tpu.memory_space<vmem>>) target_semaphore(%arg13 : memref<!tpu.dma_semaphore, #tpu.memory_space<semaphore_mem>>)
    %dma_wait3A_304 = arith.constant 2048 : i32
    %dma_wait3A_305 = arith.constant 0 : i32
    %dma_wait3A_306 = tpu.memref_slice %arg5[%dma_wait3A_304, %dma_wait3A_305] : memref<4096x16xf32, #tpu.memory_space<vmem>> -> memref<512x16xf32, #tpu.memory_space<vmem>>
    %dma_wait3A_307 = tpu.memref_slice %arg2[%add3A_75, %mul3A_34] : memref<16384x128xf32, #tpu.memory_space<hbm>> -> memref<512x16xf32, #tpu.memory_space<hbm>>
    %dma_wait3A_308 = arith.constant 2048 : i32
    %dma_wait3A_309 = arith.constant 0 : i32
    %dma_wait3A_310 = tpu.memref_slice %arg5[%dma_wait3A_308, %dma_wait3A_309] : memref<4096x16xf32, #tpu.memory_space<vmem>> -> memref<512x16xf32, #tpu.memory_space<vmem>>
    %dma_wait3A_311 = tpu.memref_slice %arg2[%add3A_75, %mul3A_34] : memref<16384x128xf32, #tpu.memory_space<hbm>> -> memref<512x16xf32, #tpu.memory_space<hbm>>
    tpu.wait_dma2 semaphore(%arg12 : memref<!tpu.dma_semaphore, #tpu.memory_space<semaphore_mem>>) src(%dma_wait3A_311 : memref<512x16xf32, #tpu.memory_space<hbm>>) dst(%dma_wait3A_310 : memref<512x16xf32, #tpu.memory_space<vmem>>)
    %dma_wait3A_312 = arith.constant 1 : i32
    %dma_wait3A_313 = arith.constant 0 : i32
    %dma_wait3A_314 = arith.constant 0 : i32
    %dma_wait3A_315 = tpu.memref_slice %arg6[%dma_wait3A_312, %dma_wait3A_313, %dma_wait3A_314] : memref<3x512x16xf32, #tpu.memory_space<vmem>> -> memref<1x512x16xf32, #tpu.memory_space<vmem>>
    %dma_wait3A_316 = tpu.memref_squeeze %dma_wait3A_315 : memref<1x512x16xf32, #tpu.memory_space<vmem>> -> memref<512x16xf32, #tpu.memory_space<vmem>>
    %dma_wait3A_317 = tpu.memref_slice %arg3[%add3A_222, %mul3A_34] : memref<16384x128xf32, #tpu.memory_space<hbm>> -> memref<512x16xf32, #tpu.memory_space<hbm>>
    %dma_wait3A_318 = arith.constant 0 : i32
    %dma_wait3A_319 = arith.constant 0 : i32
    %dma_wait3A_320 = tpu.memref_slice %arg6[%dma_wait3A_312, %dma_wait3A_318, %dma_wait3A_319] : memref<3x512x16xf32, #tpu.memory_space<vmem>> -> memref<1x512x16xf32, #tpu.memory_space<vmem>>
    %dma_wait3A_321 = tpu.memref_squeeze %dma_wait3A_320 : memref<1x512x16xf32, #tpu.memory_space<vmem>> -> memref<512x16xf32, #tpu.memory_space<vmem>>
    %dma_wait3A_322 = tpu.memref_slice %arg3[%add3A_222, %mul3A_34] : memref<16384x128xf32, #tpu.memory_space<hbm>> -> memref<512x16xf32, #tpu.memory_space<hbm>>
    tpu.wait_dma2 semaphore(%arg13 : memref<!tpu.dma_semaphore, #tpu.memory_space<semaphore_mem>>) src(%dma_wait3A_322 : memref<512x16xf32, #tpu.memory_space<hbm>>) dst(%dma_wait3A_321 : memref<512x16xf32, #tpu.memory_space<vmem>>)
    %parallel_loop3A_323 = arith.constant 0 : i32
    %parallel_loop3A_324 = arith.constant 512 : i32
    %parallel_loop3A_325 = arith.constant 1 : i32
    scf.for %parallel_loop3A_772 = %parallel_loop3A_323 to %parallel_loop3A_324 step %parallel_loop3A_325  : i32 {
      %parallel_loop3A_773 = arith.constant 2048 : i32
      %parallel_loop3A_774 = arith.addi %parallel_loop3A_773, %parallel_loop3A_772 : i32
      %parallel_loop3A_775 = arith.index_cast %parallel_loop3A_774 : i32 to index
      %parallel_loop3A_776 = arith.constant 0 : index
      %parallel_loop3A_777 = tpu.vector_load %arg5[%parallel_loop3A_775, %parallel_loop3A_776] {strides = array<i32>} : memref<4096x16xf32, #tpu.memory_space<vmem>>, vector<16xf32>,
      %parallel_loop3A_778 = vector.bitcast %parallel_loop3A_777 : vector<16xf32> to vector<16xi32>
      %parallel_loop3A_779 = vector.bitcast %parallel_loop3A_778 : vector<16xi32> to vector<16xi32>
      %parallel_loop3A_780 = arith.constant 31 : i32
      %parallel_loop3A_781 = vector.broadcast %parallel_loop3A_780 : i32 to vector<16xi32>
      %parallel_loop3A_782 = arith.shrsi %parallel_loop3A_778, %parallel_loop3A_781 : vector<16xi32>
      %parallel_loop3A_783 = vector.bitcast %parallel_loop3A_782 : vector<16xi32> to vector<16xi32>
      %parallel_loop3A_784 = arith.constant -2147483648 : i32
      %parallel_loop3A_785 = vector.broadcast %parallel_loop3A_784 : i32 to vector<16xi32>
      %parallel_loop3A_786 = arith.ori %parallel_loop3A_783, %parallel_loop3A_785 : vector<16xi32>
      %parallel_loop3A_787 = arith.xori %parallel_loop3A_779, %parallel_loop3A_786 : vector<16xi32>
      %parallel_loop3A_788 = arith.constant 1 : i32
      %parallel_loop3A_789 = arith.index_cast %parallel_loop3A_788 : i32 to index
      %parallel_loop3A_790 = arith.index_cast %parallel_loop3A_772 : i32 to index
      %parallel_loop3A_791 = arith.constant 0 : index
      %parallel_loop3A_792 = tpu.vector_load %arg6[%parallel_loop3A_789, %parallel_loop3A_790, %parallel_loop3A_791] {strides = array<i32>} : memref<3x512x16xf32, #tpu.memory_space<vmem>>, vector<16xf32>,
      %parallel_loop3A_793 = arith.constant 0.000000e+00 : f32
      %parallel_loop3A_794 = vector.broadcast %parallel_loop3A_793 : f32 to vector<16xf32>
      %parallel_loop3A_795 = arith.cmpf ogt, %parallel_loop3A_792, %parallel_loop3A_794 : vector<16xf32>
      %parallel_loop3A_796 = arith.constant -2 : i32
      %parallel_loop3A_797 = vector.broadcast %parallel_loop3A_796 : i32 to vector<16xi32>
      %parallel_loop3A_798 = arith.andi %parallel_loop3A_787, %parallel_loop3A_797 : vector<16xi32>
      %parallel_loop3A_799 = arith.extui %parallel_loop3A_795 : vector<16xi1> to vector<16xi32>
      %parallel_loop3A_800 = arith.ori %parallel_loop3A_798, %parallel_loop3A_799 : vector<16xi32>
      %parallel_loop3A_801 = vector.bitcast %parallel_loop3A_800 : vector<16xi32> to vector<16xf32>
      %parallel_loop3A_802 = arith.index_cast %parallel_loop3A_774 : i32 to index
      %parallel_loop3A_803 = arith.constant 0 : index
      %parallel_loop3A_804 = tpu.vector_load %arg5[%parallel_loop3A_802, %parallel_loop3A_803] {strides = array<i32>} : memref<4096x16xf32, #tpu.memory_space<vmem>>, vector<16xf32>,
      tpu.vector_store %arg5[%parallel_loop3A_802, %parallel_loop3A_803], %parallel_loop3A_801 {strides = array<i32>} : memref<4096x16xf32, #tpu.memory_space<vmem>>, vector<16xf32>,
      %parallel_loop3A_805 = arith.constant 24 : i32
      %parallel_loop3A_806 = vector.broadcast %parallel_loop3A_805 : i32 to vector<16xi32>
      %parallel_loop3A_807 = arith.shrui %parallel_loop3A_800, %parallel_loop3A_806 : vector<16xi32>
      %parallel_loop3A_808 = vector.bitcast %parallel_loop3A_807 : vector<16xi32> to vector<16xi32>
      %parallel_loop3A_809 = arith.constant 65537 : i32
      %parallel_loop3A_810 = arith.constant 65536 : i32
      %parallel_loop3A_811 = vector.broadcast %parallel_loop3A_809 : i32 to vector<16xi32>
      %parallel_loop3A_812 = vector.broadcast %parallel_loop3A_810 : i32 to vector<16xi32>
      %parallel_loop3A_813 = arith.select %parallel_loop3A_795, %parallel_loop3A_811, %parallel_loop3A_812 : vector<16xi1>, vector<16xi32>
      tpu.vector_store_idx %arg7[%parallel_loop3A_808, %iota3A], %parallel_loop3A_813 {add = true} : memref<256x16xi32, #tpu.memory_space<vmem>>[vector<16xi32>, vector<16xi32>], vector<16xi32>,
    } {sc.loop_unroll_factor = 4 : i64, sc.parallel_access}
    %add3A_326 = arith.constant 3584 : i32
    %add3A_327 = arith.addi %mul3A_32, %add3A_326 : i32
    %dma_start3A_328 = arith.constant 1 : i32
    %dma_start3A_329 = arith.constant 0 : i32
    %dma_start3A_330 = arith.constant 0 : i32
    %dma_start3A_331 = tpu.memref_slice %arg6[%dma_start3A_328, %dma_start3A_329, %dma_start3A_330] : memref<3x512x16xf32, #tpu.memory_space<vmem>> -> memref<1x512x16xf32, #tpu.memory_space<vmem>>
    %dma_start3A_332 = tpu.memref_squeeze %dma_start3A_331 : memref<1x512x16xf32, #tpu.memory_space<vmem>> -> memref<512x16xf32, #tpu.memory_space<vmem>>
    %dma_start3A_333 = tpu.memref_slice %arg3[%add3A_327, %mul3A_34] : memref<16384x128xf32, #tpu.memory_space<hbm>> -> memref<512x16xf32, #tpu.memory_space<hbm>>
    %dma_start3A_334 = arith.constant 0 : i32
    %dma_start3A_335 = arith.constant 0 : i32
    %dma_start3A_336 = tpu.memref_slice %arg6[%dma_start3A_328, %dma_start3A_334, %dma_start3A_335] : memref<3x512x16xf32, #tpu.memory_space<vmem>> -> memref<1x512x16xf32, #tpu.memory_space<vmem>>
    %dma_start3A_337 = tpu.memref_squeeze %dma_start3A_336 : memref<1x512x16xf32, #tpu.memory_space<vmem>> -> memref<512x16xf32, #tpu.memory_space<vmem>>
    %dma_start3A_338 = tpu.memref_slice %arg3[%add3A_327, %mul3A_34] : memref<16384x128xf32, #tpu.memory_space<hbm>> -> memref<512x16xf32, #tpu.memory_space<hbm>>
    tpu.enqueue_dma source(%dma_start3A_338 : memref<512x16xf32, #tpu.memory_space<hbm>>) target(%dma_start3A_337 : memref<512x16xf32, #tpu.memory_space<vmem>>) target_semaphore(%arg13 : memref<!tpu.dma_semaphore, #tpu.memory_space<semaphore_mem>>)
    %dma_wait3A_339 = arith.constant 2560 : i32
    %dma_wait3A_340 = arith.constant 0 : i32
    %dma_wait3A_341 = tpu.memref_slice %arg5[%dma_wait3A_339, %dma_wait3A_340] : memref<4096x16xf32, #tpu.memory_space<vmem>> -> memref<512x16xf32, #tpu.memory_space<vmem>>
    %dma_wait3A_342 = tpu.memref_slice %arg2[%add3A_85, %mul3A_34] : memref<16384x128xf32, #tpu.memory_space<hbm>> -> memref<512x16xf32, #tpu.memory_space<hbm>>
    %dma_wait3A_343 = arith.constant 2560 : i32
    %dma_wait3A_344 = arith.constant 0 : i32
    %dma_wait3A_345 = tpu.memref_slice %arg5[%dma_wait3A_343, %dma_wait3A_344] : memref<4096x16xf32, #tpu.memory_space<vmem>> -> memref<512x16xf32, #tpu.memory_space<vmem>>
    %dma_wait3A_346 = tpu.memref_slice %arg2[%add3A_85, %mul3A_34] : memref<16384x128xf32, #tpu.memory_space<hbm>> -> memref<512x16xf32, #tpu.memory_space<hbm>>
    tpu.wait_dma2 semaphore(%arg12 : memref<!tpu.dma_semaphore, #tpu.memory_space<semaphore_mem>>) src(%dma_wait3A_346 : memref<512x16xf32, #tpu.memory_space<hbm>>) dst(%dma_wait3A_345 : memref<512x16xf32, #tpu.memory_space<vmem>>)
    %dma_wait3A_347 = arith.constant 2 : i32
    %dma_wait3A_348 = arith.constant 0 : i32
    %dma_wait3A_349 = arith.constant 0 : i32
    %dma_wait3A_350 = tpu.memref_slice %arg6[%dma_wait3A_347, %dma_wait3A_348, %dma_wait3A_349] : memref<3x512x16xf32, #tpu.memory_space<vmem>> -> memref<1x512x16xf32, #tpu.memory_space<vmem>>
    %dma_wait3A_351 = tpu.memref_squeeze %dma_wait3A_350 : memref<1x512x16xf32, #tpu.memory_space<vmem>> -> memref<512x16xf32, #tpu.memory_space<vmem>>
    %dma_wait3A_352 = tpu.memref_slice %arg3[%add3A_257, %mul3A_34] : memref<16384x128xf32, #tpu.memory_space<hbm>> -> memref<512x16xf32, #tpu.memory_space<hbm>>
    %dma_wait3A_353 = arith.constant 0 : i32
    %dma_wait3A_354 = arith.constant 0 : i32
    %dma_wait3A_355 = tpu.memref_slice %arg6[%dma_wait3A_347, %dma_wait3A_353, %dma_wait3A_354] : memref<3x512x16xf32, #tpu.memory_space<vmem>> -> memref<1x512x16xf32, #tpu.memory_space<vmem>>
    %dma_wait3A_356 = tpu.memref_squeeze %dma_wait3A_355 : memref<1x512x16xf32, #tpu.memory_space<vmem>> -> memref<512x16xf32, #tpu.memory_space<vmem>>
    %dma_wait3A_357 = tpu.memref_slice %arg3[%add3A_257, %mul3A_34] : memref<16384x128xf32, #tpu.memory_space<hbm>> -> memref<512x16xf32, #tpu.memory_space<hbm>>
    tpu.wait_dma2 semaphore(%arg13 : memref<!tpu.dma_semaphore, #tpu.memory_space<semaphore_mem>>) src(%dma_wait3A_357 : memref<512x16xf32, #tpu.memory_space<hbm>>) dst(%dma_wait3A_356 : memref<512x16xf32, #tpu.memory_space<vmem>>)
    %parallel_loop3A_358 = arith.constant 0 : i32
    %parallel_loop3A_359 = arith.constant 512 : i32
    %parallel_loop3A_360 = arith.constant 1 : i32
    scf.for %parallel_loop3A_772 = %parallel_loop3A_358 to %parallel_loop3A_359 step %parallel_loop3A_360  : i32 {
      %parallel_loop3A_773 = arith.constant 2560 : i32
      %parallel_loop3A_774 = arith.addi %parallel_loop3A_773, %parallel_loop3A_772 : i32
      %parallel_loop3A_775 = arith.index_cast %parallel_loop3A_774 : i32 to index
      %parallel_loop3A_776 = arith.constant 0 : index
      %parallel_loop3A_777 = tpu.vector_load %arg5[%parallel_loop3A_775, %parallel_loop3A_776] {strides = array<i32>} : memref<4096x16xf32, #tpu.memory_space<vmem>>, vector<16xf32>,
      %parallel_loop3A_778 = vector.bitcast %parallel_loop3A_777 : vector<16xf32> to vector<16xi32>
      %parallel_loop3A_779 = vector.bitcast %parallel_loop3A_778 : vector<16xi32> to vector<16xi32>
      %parallel_loop3A_780 = arith.constant 31 : i32
      %parallel_loop3A_781 = vector.broadcast %parallel_loop3A_780 : i32 to vector<16xi32>
      %parallel_loop3A_782 = arith.shrsi %parallel_loop3A_778, %parallel_loop3A_781 : vector<16xi32>
      %parallel_loop3A_783 = vector.bitcast %parallel_loop3A_782 : vector<16xi32> to vector<16xi32>
      %parallel_loop3A_784 = arith.constant -2147483648 : i32
      %parallel_loop3A_785 = vector.broadcast %parallel_loop3A_784 : i32 to vector<16xi32>
      %parallel_loop3A_786 = arith.ori %parallel_loop3A_783, %parallel_loop3A_785 : vector<16xi32>
      %parallel_loop3A_787 = arith.xori %parallel_loop3A_779, %parallel_loop3A_786 : vector<16xi32>
      %parallel_loop3A_788 = arith.constant 2 : i32
      %parallel_loop3A_789 = arith.index_cast %parallel_loop3A_788 : i32 to index
      %parallel_loop3A_790 = arith.index_cast %parallel_loop3A_772 : i32 to index
      %parallel_loop3A_791 = arith.constant 0 : index
      %parallel_loop3A_792 = tpu.vector_load %arg6[%parallel_loop3A_789, %parallel_loop3A_790, %parallel_loop3A_791] {strides = array<i32>} : memref<3x512x16xf32, #tpu.memory_space<vmem>>, vector<16xf32>,
      %parallel_loop3A_793 = arith.constant 0.000000e+00 : f32
      %parallel_loop3A_794 = vector.broadcast %parallel_loop3A_793 : f32 to vector<16xf32>
      %parallel_loop3A_795 = arith.cmpf ogt, %parallel_loop3A_792, %parallel_loop3A_794 : vector<16xf32>
      %parallel_loop3A_796 = arith.constant -2 : i32
      %parallel_loop3A_797 = vector.broadcast %parallel_loop3A_796 : i32 to vector<16xi32>
      %parallel_loop3A_798 = arith.andi %parallel_loop3A_787, %parallel_loop3A_797 : vector<16xi32>
      %parallel_loop3A_799 = arith.extui %parallel_loop3A_795 : vector<16xi1> to vector<16xi32>
      %parallel_loop3A_800 = arith.ori %parallel_loop3A_798, %parallel_loop3A_799 : vector<16xi32>
      %parallel_loop3A_801 = vector.bitcast %parallel_loop3A_800 : vector<16xi32> to vector<16xf32>
      %parallel_loop3A_802 = arith.index_cast %parallel_loop3A_774 : i32 to index
      %parallel_loop3A_803 = arith.constant 0 : index
      %parallel_loop3A_804 = tpu.vector_load %arg5[%parallel_loop3A_802, %parallel_loop3A_803] {strides = array<i32>} : memref<4096x16xf32, #tpu.memory_space<vmem>>, vector<16xf32>,
      tpu.vector_store %arg5[%parallel_loop3A_802, %parallel_loop3A_803], %parallel_loop3A_801 {strides = array<i32>} : memref<4096x16xf32, #tpu.memory_space<vmem>>, vector<16xf32>,
      %parallel_loop3A_805 = arith.constant 24 : i32
      %parallel_loop3A_806 = vector.broadcast %parallel_loop3A_805 : i32 to vector<16xi32>
      %parallel_loop3A_807 = arith.shrui %parallel_loop3A_800, %parallel_loop3A_806 : vector<16xi32>
      %parallel_loop3A_808 = vector.bitcast %parallel_loop3A_807 : vector<16xi32> to vector<16xi32>
      %parallel_loop3A_809 = arith.constant 65537 : i32
      %parallel_loop3A_810 = arith.constant 65536 : i32
      %parallel_loop3A_811 = vector.broadcast %parallel_loop3A_809 : i32 to vector<16xi32>
      %parallel_loop3A_812 = vector.broadcast %parallel_loop3A_810 : i32 to vector<16xi32>
      %parallel_loop3A_813 = arith.select %parallel_loop3A_795, %parallel_loop3A_811, %parallel_loop3A_812 : vector<16xi1>, vector<16xi32>
      tpu.vector_store_idx %arg7[%parallel_loop3A_808, %iota3A], %parallel_loop3A_813 {add = true} : memref<256x16xi32, #tpu.memory_space<vmem>>[vector<16xi32>, vector<16xi32>], vector<16xi32>,
    } {sc.loop_unroll_factor = 4 : i64, sc.parallel_access}
    %dma_wait3A_361 = arith.constant 3072 : i32
    %dma_wait3A_362 = arith.constant 0 : i32
    %dma_wait3A_363 = tpu.memref_slice %arg5[%dma_wait3A_361, %dma_wait3A_362] : memref<4096x16xf32, #tpu.memory_space<vmem>> -> memref<512x16xf32, #tpu.memory_space<vmem>>
    %dma_wait3A_364 = tpu.memref_slice %arg2[%add3A_95, %mul3A_34] : memref<16384x128xf32, #tpu.memory_space<hbm>> -> memref<512x16xf32, #tpu.memory_space<hbm>>
    %dma_wait3A_365 = arith.constant 3072 : i32
    %dma_wait3A_366 = arith.constant 0 : i32
    %dma_wait3A_367 = tpu.memref_slice %arg5[%dma_wait3A_365, %dma_wait3A_366] : memref<4096x16xf32, #tpu.memory_space<vmem>> -> memref<512x16xf32, #tpu.memory_space<vmem>>
    %dma_wait3A_368 = tpu.memref_slice %arg2[%add3A_95, %mul3A_34] : memref<16384x128xf32, #tpu.memory_space<hbm>> -> memref<512x16xf32, #tpu.memory_space<hbm>>
    tpu.wait_dma2 semaphore(%arg12 : memref<!tpu.dma_semaphore, #tpu.memory_space<semaphore_mem>>) src(%dma_wait3A_368 : memref<512x16xf32, #tpu.memory_space<hbm>>) dst(%dma_wait3A_367 : memref<512x16xf32, #tpu.memory_space<vmem>>)
    %dma_wait3A_369 = arith.constant 0 : i32
    %dma_wait3A_370 = arith.constant 0 : i32
    %dma_wait3A_371 = arith.constant 0 : i32
    %dma_wait3A_372 = tpu.memref_slice %arg6[%dma_wait3A_369, %dma_wait3A_370, %dma_wait3A_371] : memref<3x512x16xf32, #tpu.memory_space<vmem>> -> memref<1x512x16xf32, #tpu.memory_space<vmem>>
    %dma_wait3A_373 = tpu.memref_squeeze %dma_wait3A_372 : memref<1x512x16xf32, #tpu.memory_space<vmem>> -> memref<512x16xf32, #tpu.memory_space<vmem>>
    %dma_wait3A_374 = tpu.memref_slice %arg3[%add3A_292, %mul3A_34] : memref<16384x128xf32, #tpu.memory_space<hbm>> -> memref<512x16xf32, #tpu.memory_space<hbm>>
    %dma_wait3A_375 = arith.constant 0 : i32
    %dma_wait3A_376 = arith.constant 0 : i32
    %dma_wait3A_377 = tpu.memref_slice %arg6[%dma_wait3A_369, %dma_wait3A_375, %dma_wait3A_376] : memref<3x512x16xf32, #tpu.memory_space<vmem>> -> memref<1x512x16xf32, #tpu.memory_space<vmem>>
    %dma_wait3A_378 = tpu.memref_squeeze %dma_wait3A_377 : memref<1x512x16xf32, #tpu.memory_space<vmem>> -> memref<512x16xf32, #tpu.memory_space<vmem>>
    %dma_wait3A_379 = tpu.memref_slice %arg3[%add3A_292, %mul3A_34] : memref<16384x128xf32, #tpu.memory_space<hbm>> -> memref<512x16xf32, #tpu.memory_space<hbm>>
    tpu.wait_dma2 semaphore(%arg13 : memref<!tpu.dma_semaphore, #tpu.memory_space<semaphore_mem>>) src(%dma_wait3A_379 : memref<512x16xf32, #tpu.memory_space<hbm>>) dst(%dma_wait3A_378 : memref<512x16xf32, #tpu.memory_space<vmem>>)
    %parallel_loop3A_380 = arith.constant 0 : i32
    %parallel_loop3A_381 = arith.constant 512 : i32
    %parallel_loop3A_382 = arith.constant 1 : i32
    scf.for %parallel_loop3A_772 = %parallel_loop3A_380 to %parallel_loop3A_381 step %parallel_loop3A_382  : i32 {
      %parallel_loop3A_773 = arith.constant 3072 : i32
      %parallel_loop3A_774 = arith.addi %parallel_loop3A_773, %parallel_loop3A_772 : i32
      %parallel_loop3A_775 = arith.index_cast %parallel_loop3A_774 : i32 to index
      %parallel_loop3A_776 = arith.constant 0 : index
      %parallel_loop3A_777 = tpu.vector_load %arg5[%parallel_loop3A_775, %parallel_loop3A_776] {strides = array<i32>} : memref<4096x16xf32, #tpu.memory_space<vmem>>, vector<16xf32>,
      %parallel_loop3A_778 = vector.bitcast %parallel_loop3A_777 : vector<16xf32> to vector<16xi32>
      %parallel_loop3A_779 = vector.bitcast %parallel_loop3A_778 : vector<16xi32> to vector<16xi32>
      %parallel_loop3A_780 = arith.constant 31 : i32
      %parallel_loop3A_781 = vector.broadcast %parallel_loop3A_780 : i32 to vector<16xi32>
      %parallel_loop3A_782 = arith.shrsi %parallel_loop3A_778, %parallel_loop3A_781 : vector<16xi32>
      %parallel_loop3A_783 = vector.bitcast %parallel_loop3A_782 : vector<16xi32> to vector<16xi32>
      %parallel_loop3A_784 = arith.constant -2147483648 : i32
      %parallel_loop3A_785 = vector.broadcast %parallel_loop3A_784 : i32 to vector<16xi32>
      %parallel_loop3A_786 = arith.ori %parallel_loop3A_783, %parallel_loop3A_785 : vector<16xi32>
      %parallel_loop3A_787 = arith.xori %parallel_loop3A_779, %parallel_loop3A_786 : vector<16xi32>
      %parallel_loop3A_788 = arith.constant 0 : i32
      %parallel_loop3A_789 = arith.index_cast %parallel_loop3A_788 : i32 to index
      %parallel_loop3A_790 = arith.index_cast %parallel_loop3A_772 : i32 to index
      %parallel_loop3A_791 = arith.constant 0 : index
      %parallel_loop3A_792 = tpu.vector_load %arg6[%parallel_loop3A_789, %parallel_loop3A_790, %parallel_loop3A_791] {strides = array<i32>} : memref<3x512x16xf32, #tpu.memory_space<vmem>>, vector<16xf32>,
      %parallel_loop3A_793 = arith.constant 0.000000e+00 : f32
      %parallel_loop3A_794 = vector.broadcast %parallel_loop3A_793 : f32 to vector<16xf32>
      %parallel_loop3A_795 = arith.cmpf ogt, %parallel_loop3A_792, %parallel_loop3A_794 : vector<16xf32>
      %parallel_loop3A_796 = arith.constant -2 : i32
      %parallel_loop3A_797 = vector.broadcast %parallel_loop3A_796 : i32 to vector<16xi32>
      %parallel_loop3A_798 = arith.andi %parallel_loop3A_787, %parallel_loop3A_797 : vector<16xi32>
      %parallel_loop3A_799 = arith.extui %parallel_loop3A_795 : vector<16xi1> to vector<16xi32>
      %parallel_loop3A_800 = arith.ori %parallel_loop3A_798, %parallel_loop3A_799 : vector<16xi32>
      %parallel_loop3A_801 = vector.bitcast %parallel_loop3A_800 : vector<16xi32> to vector<16xf32>
      %parallel_loop3A_802 = arith.index_cast %parallel_loop3A_774 : i32 to index
      %parallel_loop3A_803 = arith.constant 0 : index
      %parallel_loop3A_804 = tpu.vector_load %arg5[%parallel_loop3A_802, %parallel_loop3A_803] {strides = array<i32>} : memref<4096x16xf32, #tpu.memory_space<vmem>>, vector<16xf32>,
      tpu.vector_store %arg5[%parallel_loop3A_802, %parallel_loop3A_803], %parallel_loop3A_801 {strides = array<i32>} : memref<4096x16xf32, #tpu.memory_space<vmem>>, vector<16xf32>,
      %parallel_loop3A_805 = arith.constant 24 : i32
      %parallel_loop3A_806 = vector.broadcast %parallel_loop3A_805 : i32 to vector<16xi32>
      %parallel_loop3A_807 = arith.shrui %parallel_loop3A_800, %parallel_loop3A_806 : vector<16xi32>
      %parallel_loop3A_808 = vector.bitcast %parallel_loop3A_807 : vector<16xi32> to vector<16xi32>
      %parallel_loop3A_809 = arith.constant 65537 : i32
      %parallel_loop3A_810 = arith.constant 65536 : i32
      %parallel_loop3A_811 = vector.broadcast %parallel_loop3A_809 : i32 to vector<16xi32>
      %parallel_loop3A_812 = vector.broadcast %parallel_loop3A_810 : i32 to vector<16xi32>
      %parallel_loop3A_813 = arith.select %parallel_loop3A_795, %parallel_loop3A_811, %parallel_loop3A_812 : vector<16xi1>, vector<16xi32>
      tpu.vector_store_idx %arg7[%parallel_loop3A_808, %iota3A], %parallel_loop3A_813 {add = true} : memref<256x16xi32, #tpu.memory_space<vmem>>[vector<16xi32>, vector<16xi32>], vector<16xi32>,
    } {sc.loop_unroll_factor = 4 : i64, sc.parallel_access}
    %dma_wait3A_383 = arith.constant 3584 : i32
    %dma_wait3A_384 = arith.constant 0 : i32
    %dma_wait3A_385 = tpu.memref_slice %arg5[%dma_wait3A_383, %dma_wait3A_384] : memref<4096x16xf32, #tpu.memory_space<vmem>> -> memref<512x16xf32, #tpu.memory_space<vmem>>
    %dma_wait3A_386 = tpu.memref_slice %arg2[%add3A_105, %mul3A_34] : memref<16384x128xf32, #tpu.memory_space<hbm>> -> memref<512x16xf32, #tpu.memory_space<hbm>>
    %dma_wait3A_387 = arith.constant 3584 : i32
    %dma_wait3A_388 = arith.constant 0 : i32
    %dma_wait3A_389 = tpu.memref_slice %arg5[%dma_wait3A_387, %dma_wait3A_388] : memref<4096x16xf32, #tpu.memory_space<vmem>> -> memref<512x16xf32, #tpu.memory_space<vmem>>
    %dma_wait3A_390 = tpu.memref_slice %arg2[%add3A_105, %mul3A_34] : memref<16384x128xf32, #tpu.memory_space<hbm>> -> memref<512x16xf32, #tpu.memory_space<hbm>>
    tpu.wait_dma2 semaphore(%arg12 : memref<!tpu.dma_semaphore, #tpu.memory_space<semaphore_mem>>) src(%dma_wait3A_390 : memref<512x16xf32, #tpu.memory_space<hbm>>) dst(%dma_wait3A_389 : memref<512x16xf32, #tpu.memory_space<vmem>>)
    %dma_wait3A_391 = arith.constant 1 : i32
    %dma_wait3A_392 = arith.constant 0 : i32
    %dma_wait3A_393 = arith.constant 0 : i32
    %dma_wait3A_394 = tpu.memref_slice %arg6[%dma_wait3A_391, %dma_wait3A_392, %dma_wait3A_393] : memref<3x512x16xf32, #tpu.memory_space<vmem>> -> memref<1x512x16xf32, #tpu.memory_space<vmem>>
    %dma_wait3A_395 = tpu.memref_squeeze %dma_wait3A_394 : memref<1x512x16xf32, #tpu.memory_space<vmem>> -> memref<512x16xf32, #tpu.memory_space<vmem>>
    %dma_wait3A_396 = tpu.memref_slice %arg3[%add3A_327, %mul3A_34] : memref<16384x128xf32, #tpu.memory_space<hbm>> -> memref<512x16xf32, #tpu.memory_space<hbm>>
    %dma_wait3A_397 = arith.constant 0 : i32
    %dma_wait3A_398 = arith.constant 0 : i32
    %dma_wait3A_399 = tpu.memref_slice %arg6[%dma_wait3A_391, %dma_wait3A_397, %dma_wait3A_398] : memref<3x512x16xf32, #tpu.memory_space<vmem>> -> memref<1x512x16xf32, #tpu.memory_space<vmem>>
    %dma_wait3A_400 = tpu.memref_squeeze %dma_wait3A_399 : memref<1x512x16xf32, #tpu.memory_space<vmem>> -> memref<512x16xf32, #tpu.memory_space<vmem>>
    %dma_wait3A_401 = tpu.memref_slice %arg3[%add3A_327, %mul3A_34] : memref<16384x128xf32, #tpu.memory_space<hbm>> -> memref<512x16xf32, #tpu.memory_space<hbm>>
    tpu.wait_dma2 semaphore(%arg13 : memref<!tpu.dma_semaphore, #tpu.memory_space<semaphore_mem>>) src(%dma_wait3A_401 : memref<512x16xf32, #tpu.memory_space<hbm>>) dst(%dma_wait3A_400 : memref<512x16xf32, #tpu.memory_space<vmem>>)
    %parallel_loop3A_402 = arith.constant 0 : i32
    %parallel_loop3A_403 = arith.constant 512 : i32
    %parallel_loop3A_404 = arith.constant 1 : i32
    scf.for %parallel_loop3A_772 = %parallel_loop3A_402 to %parallel_loop3A_403 step %parallel_loop3A_404  : i32 {
      %parallel_loop3A_773 = arith.constant 3584 : i32
      %parallel_loop3A_774 = arith.addi %parallel_loop3A_773, %parallel_loop3A_772 : i32
      %parallel_loop3A_775 = arith.index_cast %parallel_loop3A_774 : i32 to index
      %parallel_loop3A_776 = arith.constant 0 : index
      %parallel_loop3A_777 = tpu.vector_load %arg5[%parallel_loop3A_775, %parallel_loop3A_776] {strides = array<i32>} : memref<4096x16xf32, #tpu.memory_space<vmem>>, vector<16xf32>,
      %parallel_loop3A_778 = vector.bitcast %parallel_loop3A_777 : vector<16xf32> to vector<16xi32>
      %parallel_loop3A_779 = vector.bitcast %parallel_loop3A_778 : vector<16xi32> to vector<16xi32>
      %parallel_loop3A_780 = arith.constant 31 : i32
      %parallel_loop3A_781 = vector.broadcast %parallel_loop3A_780 : i32 to vector<16xi32>
      %parallel_loop3A_782 = arith.shrsi %parallel_loop3A_778, %parallel_loop3A_781 : vector<16xi32>
      %parallel_loop3A_783 = vector.bitcast %parallel_loop3A_782 : vector<16xi32> to vector<16xi32>
      %parallel_loop3A_784 = arith.constant -2147483648 : i32
      %parallel_loop3A_785 = vector.broadcast %parallel_loop3A_784 : i32 to vector<16xi32>
      %parallel_loop3A_786 = arith.ori %parallel_loop3A_783, %parallel_loop3A_785 : vector<16xi32>
      %parallel_loop3A_787 = arith.xori %parallel_loop3A_779, %parallel_loop3A_786 : vector<16xi32>
      %parallel_loop3A_788 = arith.constant 1 : i32
      %parallel_loop3A_789 = arith.index_cast %parallel_loop3A_788 : i32 to index
      %parallel_loop3A_790 = arith.index_cast %parallel_loop3A_772 : i32 to index
      %parallel_loop3A_791 = arith.constant 0 : index
      %parallel_loop3A_792 = tpu.vector_load %arg6[%parallel_loop3A_789, %parallel_loop3A_790, %parallel_loop3A_791] {strides = array<i32>} : memref<3x512x16xf32, #tpu.memory_space<vmem>>, vector<16xf32>,
      %parallel_loop3A_793 = arith.constant 0.000000e+00 : f32
      %parallel_loop3A_794 = vector.broadcast %parallel_loop3A_793 : f32 to vector<16xf32>
      %parallel_loop3A_795 = arith.cmpf ogt, %parallel_loop3A_792, %parallel_loop3A_794 : vector<16xf32>
      %parallel_loop3A_796 = arith.constant -2 : i32
      %parallel_loop3A_797 = vector.broadcast %parallel_loop3A_796 : i32 to vector<16xi32>
      %parallel_loop3A_798 = arith.andi %parallel_loop3A_787, %parallel_loop3A_797 : vector<16xi32>
      %parallel_loop3A_799 = arith.extui %parallel_loop3A_795 : vector<16xi1> to vector<16xi32>
      %parallel_loop3A_800 = arith.ori %parallel_loop3A_798, %parallel_loop3A_799 : vector<16xi32>
      %parallel_loop3A_801 = vector.bitcast %parallel_loop3A_800 : vector<16xi32> to vector<16xf32>
      %parallel_loop3A_802 = arith.index_cast %parallel_loop3A_774 : i32 to index
      %parallel_loop3A_803 = arith.constant 0 : index
      %parallel_loop3A_804 = tpu.vector_load %arg5[%parallel_loop3A_802, %parallel_loop3A_803] {strides = array<i32>} : memref<4096x16xf32, #tpu.memory_space<vmem>>, vector<16xf32>,
      tpu.vector_store %arg5[%parallel_loop3A_802, %parallel_loop3A_803], %parallel_loop3A_801 {strides = array<i32>} : memref<4096x16xf32, #tpu.memory_space<vmem>>, vector<16xf32>,
      %parallel_loop3A_805 = arith.constant 24 : i32
      %parallel_loop3A_806 = vector.broadcast %parallel_loop3A_805 : i32 to vector<16xi32>
      %parallel_loop3A_807 = arith.shrui %parallel_loop3A_800, %parallel_loop3A_806 : vector<16xi32>
      %parallel_loop3A_808 = vector.bitcast %parallel_loop3A_807 : vector<16xi32> to vector<16xi32>
      %parallel_loop3A_809 = arith.constant 65537 : i32
      %parallel_loop3A_810 = arith.constant 65536 : i32
      %parallel_loop3A_811 = vector.broadcast %parallel_loop3A_809 : i32 to vector<16xi32>
      %parallel_loop3A_812 = vector.broadcast %parallel_loop3A_810 : i32 to vector<16xi32>
      %parallel_loop3A_813 = arith.select %parallel_loop3A_795, %parallel_loop3A_811, %parallel_loop3A_812 : vector<16xi1>, vector<16xi32>
      tpu.vector_store_idx %arg7[%parallel_loop3A_808, %iota3A], %parallel_loop3A_813 {add = true} : memref<256x16xi32, #tpu.memory_space<vmem>>[vector<16xi32>, vector<16xi32>], vector<16xi32>,
    } {sc.loop_unroll_factor = 4 : i64, sc.parallel_access}
    %barrier3A = arith.constant 0 : index
    tpu.barrier barrier_id(%barrier3A)
    "tpu.region"() ({
      %run_scoped3A = tpu.sem_alloc : memref<!tpu.dma_semaphore, #tpu.memory_space<semaphore_mem>>
      %dma_start3A_772 = arith.constant 0 : i32
      %dma_start3A_773 = arith.constant 0 : i32
      %dma_start3A_774 = tpu.memref_slice %arg11[%dma_start3A_772, %dma_start3A_773] : memref<2048x16xi32, #tpu.memory_space<vmem_shared>> -> memref<2048x16xi32, #tpu.memory_space<vmem_shared>>
      tpu.enqueue_indirect_dma source(%arg7 : memref<256x16xi32, #tpu.memory_space<vmem>>) target(%dma_start3A_774 : memref<2048x16xi32, #tpu.memory_space<vmem_shared>>) offsets(%arg10 : memref<256xi32, #tpu.memory_space<vmem>>) semaphore(%run_scoped3A : memref<!tpu.dma_semaphore, #tpu.memory_space<semaphore_mem>>) {add = true}
      %dma_wait3A_775 = arith.constant 0 : i32
      %dma_wait3A_776 = arith.constant 0 : i32
      %dma_wait3A_777 = tpu.memref_slice %arg11[%dma_wait3A_775, %dma_wait3A_776] : memref<2048x16xi32, #tpu.memory_space<vmem_shared>> -> memref<2048x16xi32, #tpu.memory_space<vmem_shared>>
      tpu.wait_indirect_dma semaphore(%run_scoped3A : memref<!tpu.dma_semaphore, #tpu.memory_space<semaphore_mem>>) src(%arg7 : memref<256x16xi32, #tpu.memory_space<vmem>>) dst(%dma_wait3A_777 : memref<2048x16xi32, #tpu.memory_space<vmem_shared>>)
      tpu.yield
    }) : () -> ()
    %barrier3A_405 = arith.constant 0 : index
    tpu.barrier barrier_id(%barrier3A_405)
    %mul3A_406 = arith.constant 256 : i32
    %mul3A_407 = arith.muli %add3A, %mul3A_406 : i32
    "tpu.region"() ({
      %run_scoped3A = tpu.sem_alloc : memref<!tpu.dma_semaphore, #tpu.memory_space<semaphore_mem>>
      %dma_start3A_772 = arith.constant 0 : i32
      %dma_start3A_773 = tpu.memref_slice %arg11[%mul3A_407, %dma_start3A_772] : memref<2048x16xi32, #tpu.memory_space<vmem_shared>> -> memref<256x16xi32, #tpu.memory_space<vmem_shared>>
      %dma_start3A_774 = arith.constant 0 : i32
      %dma_start3A_775 = tpu.memref_slice %arg11[%mul3A_407, %dma_start3A_774] : memref<2048x16xi32, #tpu.memory_space<vmem_shared>> -> memref<256x16xi32, #tpu.memory_space<vmem_shared>>
      tpu.enqueue_dma source(%dma_start3A_775 : memref<256x16xi32, #tpu.memory_space<vmem_shared>>) target(%arg7 : memref<256x16xi32, #tpu.memory_space<vmem>>) target_semaphore(%run_scoped3A : memref<!tpu.dma_semaphore, #tpu.memory_space<semaphore_mem>>)
      %dma_wait3A_776 = arith.constant 0 : i32
      %dma_wait3A_777 = tpu.memref_slice %arg11[%mul3A_407, %dma_wait3A_776] : memref<2048x16xi32, #tpu.memory_space<vmem_shared>> -> memref<256x16xi32, #tpu.memory_space<vmem_shared>>
      %dma_wait3A_778 = arith.constant 0 : i32
      %dma_wait3A_779 = tpu.memref_slice %arg11[%mul3A_407, %dma_wait3A_778] : memref<2048x16xi32, #tpu.memory_space<vmem_shared>> -> memref<256x16xi32, #tpu.memory_space<vmem_shared>>
      tpu.wait_dma2 semaphore(%run_scoped3A : memref<!tpu.dma_semaphore, #tpu.memory_space<semaphore_mem>>) src(%dma_wait3A_779 : memref<256x16xi32, #tpu.memory_space<vmem_shared>>) dst(%arg7 : memref<256x16xi32, #tpu.memory_space<vmem>>)
      tpu.yield
    }) : () -> ()
    %barrier3A_408 = arith.constant 0 : index
    tpu.barrier barrier_id(%barrier3A_408)
    %broadcast_in_dim3A_409 = arith.constant 1638 : i32
    %broadcast_in_dim3A_410 = vector.broadcast %broadcast_in_dim3A_409 : i32 to vector<16xi32>
    %broadcast_in_dim3A_411 = arith.constant 0 : i32
    %broadcast_in_dim3A_412 = vector.broadcast %broadcast_in_dim3A_411 : i32 to vector<16xi32>
    %scan3A = arith.constant 0 : i32
    %scan3A_413 = arith.constant 256 : i32
    %scan3A_414 = arith.addi %scan3A, %scan3A_413 : i32
    %scan3A_415 = arith.constant 8 : i32
    %scan3A_416 = scf.for %scan3A_772 = %scan3A to %scan3A_414 step %scan3A_415 iter_args(%scan3A_773 = %broadcast_in_dim3A_412) -> (vector<16xi32>)  : i32 {
      %sub3A_774 = arith.constant 255 : i32
      %sub3A_775 = arith.subi %sub3A_774, %scan3A_772 : i32
      %get3A = arith.index_cast %sub3A_775 : i32 to index
      %get3A_776 = arith.constant 0 : index
      %get3A_777 = tpu.vector_load %arg7[%get3A, %get3A_776] {strides = array<i32>} : memref<256x16xi32, #tpu.memory_space<vmem>>, vector<16xi32>,
      %add3A_778 = arith.addi %scan3A_773, %get3A_777 : vector<16xi32>
      %swap3A_779 = arith.index_cast %sub3A_775 : i32 to index
      %swap3A_780 = arith.constant 0 : index
      %swap3A_781 = tpu.vector_load %arg8[%swap3A_779, %swap3A_780] {strides = array<i32>} : memref<257x16xi32, #tpu.memory_space<vmem>>, vector<16xi32>,
      tpu.vector_store %arg8[%swap3A_779, %swap3A_780], %add3A_778 {strides = array<i32>} : memref<257x16xi32, #tpu.memory_space<vmem>>, vector<16xi32>,
      %swap3A_782 = arith.index_cast %sub3A_775 : i32 to index
      %swap3A_783 = arith.constant 0 : index
      %swap3A_784 = tpu.vector_load %arg7[%swap3A_782, %swap3A_783] {strides = array<i32>} : memref<256x16xi32, #tpu.memory_space<vmem>>, vector<16xi32>,
      tpu.vector_store %arg7[%swap3A_782, %swap3A_783], %broadcast_in_dim3A_412 {strides = array<i32>} : memref<256x16xi32, #tpu.memory_space<vmem>>, vector<16xi32>,
      %scan3A_785 = arith.constant 1 : i32
      %scan3A_786 = arith.addi %scan3A_772, %scan3A_785 : i32
      %sub3A_787 = arith.constant 255 : i32
      %sub3A_788 = arith.subi %sub3A_787, %scan3A_786 : i32
      %get3A_789 = arith.index_cast %sub3A_788 : i32 to index
      %get3A_790 = arith.constant 0 : index
      %get3A_791 = tpu.vector_load %arg7[%get3A_789, %get3A_790] {strides = array<i32>} : memref<256x16xi32, #tpu.memory_space<vmem>>, vector<16xi32>,
      %add3A_792 = arith.addi %add3A_778, %get3A_791 : vector<16xi32>
      %swap3A_793 = arith.index_cast %sub3A_788 : i32 to index
      %swap3A_794 = arith.constant 0 : index
      %swap3A_795 = tpu.vector_load %arg8[%swap3A_793, %swap3A_794] {strides = array<i32>} : memref<257x16xi32, #tpu.memory_space<vmem>>, vector<16xi32>,
      tpu.vector_store %arg8[%swap3A_793, %swap3A_794], %add3A_792 {strides = array<i32>} : memref<257x16xi32, #tpu.memory_space<vmem>>, vector<16xi32>,
      %swap3A_796 = arith.index_cast %sub3A_788 : i32 to index
      %swap3A_797 = arith.constant 0 : index
      %swap3A_798 = tpu.vector_load %arg7[%swap3A_796, %swap3A_797] {strides = array<i32>} : memref<256x16xi32, #tpu.memory_space<vmem>>, vector<16xi32>,
      tpu.vector_store %arg7[%swap3A_796, %swap3A_797], %broadcast_in_dim3A_412 {strides = array<i32>} : memref<256x16xi32, #tpu.memory_space<vmem>>, vector<16xi32>,
      %scan3A_799 = arith.constant 2 : i32
      %scan3A_800 = arith.addi %scan3A_772, %scan3A_799 : i32
      %sub3A_801 = arith.constant 255 : i32
      %sub3A_802 = arith.subi %sub3A_801, %scan3A_800 : i32
      %get3A_803 = arith.index_cast %sub3A_802 : i32 to index
      %get3A_804 = arith.constant 0 : index
      %get3A_805 = tpu.vector_load %arg7[%get3A_803, %get3A_804] {strides = array<i32>} : memref<256x16xi32, #tpu.memory_space<vmem>>, vector<16xi32>,
      %add3A_806 = arith.addi %add3A_792, %get3A_805 : vector<16xi32>
      %swap3A_807 = arith.index_cast %sub3A_802 : i32 to index
      %swap3A_808 = arith.constant 0 : index
      %swap3A_809 = tpu.vector_load %arg8[%swap3A_807, %swap3A_808] {strides = array<i32>} : memref<257x16xi32, #tpu.memory_space<vmem>>, vector<16xi32>,
      tpu.vector_store %arg8[%swap3A_807, %swap3A_808], %add3A_806 {strides = array<i32>} : memref<257x16xi32, #tpu.memory_space<vmem>>, vector<16xi32>,
      %swap3A_810 = arith.index_cast %sub3A_802 : i32 to index
      %swap3A_811 = arith.constant 0 : index
      %swap3A_812 = tpu.vector_load %arg7[%swap3A_810, %swap3A_811] {strides = array<i32>} : memref<256x16xi32, #tpu.memory_space<vmem>>, vector<16xi32>,
      tpu.vector_store %arg7[%swap3A_810, %swap3A_811], %broadcast_in_dim3A_412 {strides = array<i32>} : memref<256x16xi32, #tpu.memory_space<vmem>>, vector<16xi32>,
      %scan3A_813 = arith.constant 3 : i32
      %scan3A_814 = arith.addi %scan3A_772, %scan3A_813 : i32
      %sub3A_815 = arith.constant 255 : i32
      %sub3A_816 = arith.subi %sub3A_815, %scan3A_814 : i32
      %get3A_817 = arith.index_cast %sub3A_816 : i32 to index
      %get3A_818 = arith.constant 0 : index
      %get3A_819 = tpu.vector_load %arg7[%get3A_817, %get3A_818] {strides = array<i32>} : memref<256x16xi32, #tpu.memory_space<vmem>>, vector<16xi32>,
      %add3A_820 = arith.addi %add3A_806, %get3A_819 : vector<16xi32>
      %swap3A_821 = arith.index_cast %sub3A_816 : i32 to index
      %swap3A_822 = arith.constant 0 : index
      %swap3A_823 = tpu.vector_load %arg8[%swap3A_821, %swap3A_822] {strides = array<i32>} : memref<257x16xi32, #tpu.memory_space<vmem>>, vector<16xi32>,
      tpu.vector_store %arg8[%swap3A_821, %swap3A_822], %add3A_820 {strides = array<i32>} : memref<257x16xi32, #tpu.memory_space<vmem>>, vector<16xi32>,
      %swap3A_824 = arith.index_cast %sub3A_816 : i32 to index
      %swap3A_825 = arith.constant 0 : index
      %swap3A_826 = tpu.vector_load %arg7[%swap3A_824, %swap3A_825] {strides = array<i32>} : memref<256x16xi32, #tpu.memory_space<vmem>>, vector<16xi32>,
      tpu.vector_store %arg7[%swap3A_824, %swap3A_825], %broadcast_in_dim3A_412 {strides = array<i32>} : memref<256x16xi32, #tpu.memory_space<vmem>>, vector<16xi32>,
      %scan3A_827 = arith.constant 4 : i32
      %scan3A_828 = arith.addi %scan3A_772, %scan3A_827 : i32
      %sub3A_829 = arith.constant 255 : i32
      %sub3A_830 = arith.subi %sub3A_829, %scan3A_828 : i32
      %get3A_831 = arith.index_cast %sub3A_830 : i32 to index
      %get3A_832 = arith.constant 0 : index
      %get3A_833 = tpu.vector_load %arg7[%get3A_831, %get3A_832] {strides = array<i32>} : memref<256x16xi32, #tpu.memory_space<vmem>>, vector<16xi32>,
      %add3A_834 = arith.addi %add3A_820, %get3A_833 : vector<16xi32>
      %swap3A_835 = arith.index_cast %sub3A_830 : i32 to index
      %swap3A_836 = arith.constant 0 : index
      %swap3A_837 = tpu.vector_load %arg8[%swap3A_835, %swap3A_836] {strides = array<i32>} : memref<257x16xi32, #tpu.memory_space<vmem>>, vector<16xi32>,
      tpu.vector_store %arg8[%swap3A_835, %swap3A_836], %add3A_834 {strides = array<i32>} : memref<257x16xi32, #tpu.memory_space<vmem>>, vector<16xi32>,
      %swap3A_838 = arith.index_cast %sub3A_830 : i32 to index
      %swap3A_839 = arith.constant 0 : index
      %swap3A_840 = tpu.vector_load %arg7[%swap3A_838, %swap3A_839] {strides = array<i32>} : memref<256x16xi32, #tpu.memory_space<vmem>>, vector<16xi32>,
      tpu.vector_store %arg7[%swap3A_838, %swap3A_839], %broadcast_in_dim3A_412 {strides = array<i32>} : memref<256x16xi32, #tpu.memory_space<vmem>>, vector<16xi32>,
      %scan3A_841 = arith.constant 5 : i32
      %scan3A_842 = arith.addi %scan3A_772, %scan3A_841 : i32
      %sub3A_843 = arith.constant 255 : i32
      %sub3A_844 = arith.subi %sub3A_843, %scan3A_842 : i32
      %get3A_845 = arith.index_cast %sub3A_844 : i32 to index
      %get3A_846 = arith.constant 0 : index
      %get3A_847 = tpu.vector_load %arg7[%get3A_845, %get3A_846] {strides = array<i32>} : memref<256x16xi32, #tpu.memory_space<vmem>>, vector<16xi32>,
      %add3A_848 = arith.addi %add3A_834, %get3A_847 : vector<16xi32>
      %swap3A_849 = arith.index_cast %sub3A_844 : i32 to index
      %swap3A_850 = arith.constant 0 : index
      %swap3A_851 = tpu.vector_load %arg8[%swap3A_849, %swap3A_850] {strides = array<i32>} : memref<257x16xi32, #tpu.memory_space<vmem>>, vector<16xi32>,
      tpu.vector_store %arg8[%swap3A_849, %swap3A_850], %add3A_848 {strides = array<i32>} : memref<257x16xi32, #tpu.memory_space<vmem>>, vector<16xi32>,
      %swap3A_852 = arith.index_cast %sub3A_844 : i32 to index
      %swap3A_853 = arith.constant 0 : index
      %swap3A_854 = tpu.vector_load %arg7[%swap3A_852, %swap3A_853] {strides = array<i32>} : memref<256x16xi32, #tpu.memory_space<vmem>>, vector<16xi32>,
      tpu.vector_store %arg7[%swap3A_852, %swap3A_853], %broadcast_in_dim3A_412 {strides = array<i32>} : memref<256x16xi32, #tpu.memory_space<vmem>>, vector<16xi32>,
      %scan3A_855 = arith.constant 6 : i32
      %scan3A_856 = arith.addi %scan3A_772, %scan3A_855 : i32
      %sub3A_857 = arith.constant 255 : i32
      %sub3A_858 = arith.subi %sub3A_857, %scan3A_856 : i32
      %get3A_859 = arith.index_cast %sub3A_858 : i32 to index
      %get3A_860 = arith.constant 0 : index
      %get3A_861 = tpu.vector_load %arg7[%get3A_859, %get3A_860] {strides = array<i32>} : memref<256x16xi32, #tpu.memory_space<vmem>>, vector<16xi32>,
      %add3A_862 = arith.addi %add3A_848, %get3A_861 : vector<16xi32>
      %swap3A_863 = arith.index_cast %sub3A_858 : i32 to index
      %swap3A_864 = arith.constant 0 : index
      %swap3A_865 = tpu.vector_load %arg8[%swap3A_863, %swap3A_864] {strides = array<i32>} : memref<257x16xi32, #tpu.memory_space<vmem>>, vector<16xi32>,
      tpu.vector_store %arg8[%swap3A_863, %swap3A_864], %add3A_862 {strides = array<i32>} : memref<257x16xi32, #tpu.memory_space<vmem>>, vector<16xi32>,
      %swap3A_866 = arith.index_cast %sub3A_858 : i32 to index
      %swap3A_867 = arith.constant 0 : index
      %swap3A_868 = tpu.vector_load %arg7[%swap3A_866, %swap3A_867] {strides = array<i32>} : memref<256x16xi32, #tpu.memory_space<vmem>>, vector<16xi32>,
      tpu.vector_store %arg7[%swap3A_866, %swap3A_867], %broadcast_in_dim3A_412 {strides = array<i32>} : memref<256x16xi32, #tpu.memory_space<vmem>>, vector<16xi32>,
      %scan3A_869 = arith.constant 7 : i32
      %scan3A_870 = arith.addi %scan3A_772, %scan3A_869 : i32
      %sub3A_871 = arith.constant 255 : i32
      %sub3A_872 = arith.subi %sub3A_871, %scan3A_870 : i32
      %get3A_873 = arith.index_cast %sub3A_872 : i32 to index
      %get3A_874 = arith.constant 0 : index
      %get3A_875 = tpu.vector_load %arg7[%get3A_873, %get3A_874] {strides = array<i32>} : memref<256x16xi32, #tpu.memory_space<vmem>>, vector<16xi32>,
      %add3A_876 = arith.addi %add3A_862, %get3A_875 : vector<16xi32>
      %swap3A_877 = arith.index_cast %sub3A_872 : i32 to index
      %swap3A_878 = arith.constant 0 : index
      %swap3A_879 = tpu.vector_load %arg8[%swap3A_877, %swap3A_878] {strides = array<i32>} : memref<257x16xi32, #tpu.memory_space<vmem>>, vector<16xi32>,
      tpu.vector_store %arg8[%swap3A_877, %swap3A_878], %add3A_876 {strides = array<i32>} : memref<257x16xi32, #tpu.memory_space<vmem>>, vector<16xi32>,
      %swap3A_880 = arith.index_cast %sub3A_872 : i32 to index
      %swap3A_881 = arith.constant 0 : index
      %swap3A_882 = tpu.vector_load %arg7[%swap3A_880, %swap3A_881] {strides = array<i32>} : memref<256x16xi32, #tpu.memory_space<vmem>>, vector<16xi32>,
      tpu.vector_store %arg7[%swap3A_880, %swap3A_881], %broadcast_in_dim3A_412 {strides = array<i32>} : memref<256x16xi32, #tpu.memory_space<vmem>>, vector<16xi32>,
      scf.yield %add3A_876 : vector<16xi32>
    }
    %scan3A_417 = arith.constant 256 : i32
    %broadcast_in_dim3A_418 = arith.constant 0 : i32
    %broadcast_in_dim3A_419 = vector.broadcast %broadcast_in_dim3A_418 : i32 to vector<16xi32>
    %broadcast_in_dim3A_420 = arith.constant 255 : i32
    %broadcast_in_dim3A_421 = vector.broadcast %broadcast_in_dim3A_420 : i32 to vector<16xi32>
    %add3A_422 = arith.addi %broadcast_in_dim3A_419, %broadcast_in_dim3A_421 : vector<16xi32>
    %add3A_423 = arith.constant 1 : i32
    %add3A_424 = vector.broadcast %add3A_423 : i32 to vector<16xi32>
    %add3A_425 = arith.addi %add3A_422, %add3A_424 : vector<16xi32>
    %shift_right_arithmetic3A = arith.constant 1 : i32
    %shift_right_arithmetic3A_426 = vector.broadcast %shift_right_arithmetic3A : i32 to vector<16xi32>
    %shift_right_arithmetic3A_427 = arith.shrsi %add3A_425, %shift_right_arithmetic3A_426 : vector<16xi32>
    %gather3A = tpu.vector_load_idx %arg8[%shift_right_arithmetic3A_427, %iota3A] : memref<257x16xi32, #tpu.memory_space<vmem>>[vector<16xi32>, vector<16xi32>], vector<16xi32>,
    %shift_right_arithmetic3A_428 = arith.constant 16 : i32
    %shift_right_arithmetic3A_429 = vector.broadcast %shift_right_arithmetic3A_428 : i32 to vector<16xi32>
    %shift_right_arithmetic3A_430 = arith.shrsi %gather3A, %shift_right_arithmetic3A_429 : vector<16xi32>
    %ge3A = arith.cmpi sge, %shift_right_arithmetic3A_430, %broadcast_in_dim3A_410 : vector<16xi32>
    %select_n3A_431 = arith.select %ge3A, %shift_right_arithmetic3A_427, %broadcast_in_dim3A_419 : vector<16xi1>, vector<16xi32>
    %sub3A_432 = arith.constant 1 : i32
    %sub3A_433 = vector.broadcast %sub3A_432 : i32 to vector<16xi32>
    %sub3A_434 = arith.subi %shift_right_arithmetic3A_427, %sub3A_433 : vector<16xi32>
    %select_n3A_435 = arith.select %ge3A, %broadcast_in_dim3A_421, %sub3A_434 : vector<16xi1>, vector<16xi32>
    %add3A_436 = arith.addi %select_n3A_431, %select_n3A_435 : vector<16xi32>
    %add3A_437 = arith.constant 1 : i32
    %add3A_438 = vector.broadcast %add3A_437 : i32 to vector<16xi32>
    %add3A_439 = arith.addi %add3A_436, %add3A_438 : vector<16xi32>
    %shift_right_arithmetic3A_440 = arith.constant 1 : i32
    %shift_right_arithmetic3A_441 = vector.broadcast %shift_right_arithmetic3A_440 : i32 to vector<16xi32>
    %shift_right_arithmetic3A_442 = arith.shrsi %add3A_439, %shift_right_arithmetic3A_441 : vector<16xi32>
    %gather3A_443 = tpu.vector_load_idx %arg8[%shift_right_arithmetic3A_442, %iota3A] : memref<257x16xi32, #tpu.memory_space<vmem>>[vector<16xi32>, vector<16xi32>], vector<16xi32>,
    %shift_right_arithmetic3A_444 = arith.constant 16 : i32
    %shift_right_arithmetic3A_445 = vector.broadcast %shift_right_arithmetic3A_444 : i32 to vector<16xi32>
    %shift_right_arithmetic3A_446 = arith.shrsi %gather3A_443, %shift_right_arithmetic3A_445 : vector<16xi32>
    %ge3A_447 = arith.cmpi sge, %shift_right_arithmetic3A_446, %broadcast_in_dim3A_410 : vector<16xi32>
    %select_n3A_448 = arith.select %ge3A_447, %shift_right_arithmetic3A_442, %select_n3A_431 : vector<16xi1>, vector<16xi32>
    %sub3A_449 = arith.constant 1 : i32
    %sub3A_450 = vector.broadcast %sub3A_449 : i32 to vector<16xi32>
    %sub3A_451 = arith.subi %shift_right_arithmetic3A_442, %sub3A_450 : vector<16xi32>
    %select_n3A_452 = arith.select %ge3A_447, %select_n3A_435, %sub3A_451 : vector<16xi1>, vector<16xi32>
    %add3A_453 = arith.addi %select_n3A_448, %select_n3A_452 : vector<16xi32>
    %add3A_454 = arith.constant 1 : i32
    %add3A_455 = vector.broadcast %add3A_454 : i32 to vector<16xi32>
    %add3A_456 = arith.addi %add3A_453, %add3A_455 : vector<16xi32>
    %shift_right_arithmetic3A_457 = arith.constant 1 : i32
    %shift_right_arithmetic3A_458 = vector.broadcast %shift_right_arithmetic3A_457 : i32 to vector<16xi32>
    %shift_right_arithmetic3A_459 = arith.shrsi %add3A_456, %shift_right_arithmetic3A_458 : vector<16xi32>
    %gather3A_460 = tpu.vector_load_idx %arg8[%shift_right_arithmetic3A_459, %iota3A] : memref<257x16xi32, #tpu.memory_space<vmem>>[vector<16xi32>, vector<16xi32>], vector<16xi32>,
    %shift_right_arithmetic3A_461 = arith.constant 16 : i32
    %shift_right_arithmetic3A_462 = vector.broadcast %shift_right_arithmetic3A_461 : i32 to vector<16xi32>
    %shift_right_arithmetic3A_463 = arith.shrsi %gather3A_460, %shift_right_arithmetic3A_462 : vector<16xi32>
    %ge3A_464 = arith.cmpi sge, %shift_right_arithmetic3A_463, %broadcast_in_dim3A_410 : vector<16xi32>
    %select_n3A_465 = arith.select %ge3A_464, %shift_right_arithmetic3A_459, %select_n3A_448 : vector<16xi1>, vector<16xi32>
    %sub3A_466 = arith.constant 1 : i32
    %sub3A_467 = vector.broadcast %sub3A_466 : i32 to vector<16xi32>
    %sub3A_468 = arith.subi %shift_right_arithmetic3A_459, %sub3A_467 : vector<16xi32>
    %select_n3A_469 = arith.select %ge3A_464, %select_n3A_452, %sub3A_468 : vector<16xi1>, vector<16xi32>
    %add3A_470 = arith.addi %select_n3A_465, %select_n3A_469 : vector<16xi32>
    %add3A_471 = arith.constant 1 : i32
    %add3A_472 = vector.broadcast %add3A_471 : i32 to vector<16xi32>
    %add3A_473 = arith.addi %add3A_470, %add3A_472 : vector<16xi32>
    %shift_right_arithmetic3A_474 = arith.constant 1 : i32
    %shift_right_arithmetic3A_475 = vector.broadcast %shift_right_arithmetic3A_474 : i32 to vector<16xi32>
    %shift_right_arithmetic3A_476 = arith.shrsi %add3A_473, %shift_right_arithmetic3A_475 : vector<16xi32>
    %gather3A_477 = tpu.vector_load_idx %arg8[%shift_right_arithmetic3A_476, %iota3A] : memref<257x16xi32, #tpu.memory_space<vmem>>[vector<16xi32>, vector<16xi32>], vector<16xi32>,
    %shift_right_arithmetic3A_478 = arith.constant 16 : i32
    %shift_right_arithmetic3A_479 = vector.broadcast %shift_right_arithmetic3A_478 : i32 to vector<16xi32>
    %shift_right_arithmetic3A_480 = arith.shrsi %gather3A_477, %shift_right_arithmetic3A_479 : vector<16xi32>
    %ge3A_481 = arith.cmpi sge, %shift_right_arithmetic3A_480, %broadcast_in_dim3A_410 : vector<16xi32>
    %select_n3A_482 = arith.select %ge3A_481, %shift_right_arithmetic3A_476, %select_n3A_465 : vector<16xi1>, vector<16xi32>
    %sub3A_483 = arith.constant 1 : i32
    %sub3A_484 = vector.broadcast %sub3A_483 : i32 to vector<16xi32>
    %sub3A_485 = arith.subi %shift_right_arithmetic3A_476, %sub3A_484 : vector<16xi32>
    %select_n3A_486 = arith.select %ge3A_481, %select_n3A_469, %sub3A_485 : vector<16xi1>, vector<16xi32>
    %add3A_487 = arith.addi %select_n3A_482, %select_n3A_486 : vector<16xi32>
    %add3A_488 = arith.constant 1 : i32
    %add3A_489 = vector.broadcast %add3A_488 : i32 to vector<16xi32>
    %add3A_490 = arith.addi %add3A_487, %add3A_489 : vector<16xi32>
    %shift_right_arithmetic3A_491 = arith.constant 1 : i32
    %shift_right_arithmetic3A_492 = vector.broadcast %shift_right_arithmetic3A_491 : i32 to vector<16xi32>
    %shift_right_arithmetic3A_493 = arith.shrsi %add3A_490, %shift_right_arithmetic3A_492 : vector<16xi32>
    %gather3A_494 = tpu.vector_load_idx %arg8[%shift_right_arithmetic3A_493, %iota3A] : memref<257x16xi32, #tpu.memory_space<vmem>>[vector<16xi32>, vector<16xi32>], vector<16xi32>,
    %shift_right_arithmetic3A_495 = arith.constant 16 : i32
    %shift_right_arithmetic3A_496 = vector.broadcast %shift_right_arithmetic3A_495 : i32 to vector<16xi32>
    %shift_right_arithmetic3A_497 = arith.shrsi %gather3A_494, %shift_right_arithmetic3A_496 : vector<16xi32>
    %ge3A_498 = arith.cmpi sge, %shift_right_arithmetic3A_497, %broadcast_in_dim3A_410 : vector<16xi32>
    %select_n3A_499 = arith.select %ge3A_498, %shift_right_arithmetic3A_493, %select_n3A_482 : vector<16xi1>, vector<16xi32>
    %sub3A_500 = arith.constant 1 : i32
    %sub3A_501 = vector.broadcast %sub3A_500 : i32 to vector<16xi32>
    %sub3A_502 = arith.subi %shift_right_arithmetic3A_493, %sub3A_501 : vector<16xi32>
    %select_n3A_503 = arith.select %ge3A_498, %select_n3A_486, %sub3A_502 : vector<16xi1>, vector<16xi32>
    %add3A_504 = arith.addi %select_n3A_499, %select_n3A_503 : vector<16xi32>
    %add3A_505 = arith.constant 1 : i32
    %add3A_506 = vector.broadcast %add3A_505 : i32 to vector<16xi32>
    %add3A_507 = arith.addi %add3A_504, %add3A_506 : vector<16xi32>
    %shift_right_arithmetic3A_508 = arith.constant 1 : i32
    %shift_right_arithmetic3A_509 = vector.broadcast %shift_right_arithmetic3A_508 : i32 to vector<16xi32>
    %shift_right_arithmetic3A_510 = arith.shrsi %add3A_507, %shift_right_arithmetic3A_509 : vector<16xi32>
    %gather3A_511 = tpu.vector_load_idx %arg8[%shift_right_arithmetic3A_510, %iota3A] : memref<257x16xi32, #tpu.memory_space<vmem>>[vector<16xi32>, vector<16xi32>], vector<16xi32>,
    %shift_right_arithmetic3A_512 = arith.constant 16 : i32
    %shift_right_arithmetic3A_513 = vector.broadcast %shift_right_arithmetic3A_512 : i32 to vector<16xi32>
    %shift_right_arithmetic3A_514 = arith.shrsi %gather3A_511, %shift_right_arithmetic3A_513 : vector<16xi32>
    %ge3A_515 = arith.cmpi sge, %shift_right_arithmetic3A_514, %broadcast_in_dim3A_410 : vector<16xi32>
    %select_n3A_516 = arith.select %ge3A_515, %shift_right_arithmetic3A_510, %select_n3A_499 : vector<16xi1>, vector<16xi32>
    %sub3A_517 = arith.constant 1 : i32
    %sub3A_518 = vector.broadcast %sub3A_517 : i32 to vector<16xi32>
    %sub3A_519 = arith.subi %shift_right_arithmetic3A_510, %sub3A_518 : vector<16xi32>
    %select_n3A_520 = arith.select %ge3A_515, %select_n3A_503, %sub3A_519 : vector<16xi1>, vector<16xi32>
    %add3A_521 = arith.addi %select_n3A_516, %select_n3A_520 : vector<16xi32>
    %add3A_522 = arith.constant 1 : i32
    %add3A_523 = vector.broadcast %add3A_522 : i32 to vector<16xi32>
    %add3A_524 = arith.addi %add3A_521, %add3A_523 : vector<16xi32>
    %shift_right_arithmetic3A_525 = arith.constant 1 : i32
    %shift_right_arithmetic3A_526 = vector.broadcast %shift_right_arithmetic3A_525 : i32 to vector<16xi32>
    %shift_right_arithmetic3A_527 = arith.shrsi %add3A_524, %shift_right_arithmetic3A_526 : vector<16xi32>
    %gather3A_528 = tpu.vector_load_idx %arg8[%shift_right_arithmetic3A_527, %iota3A] : memref<257x16xi32, #tpu.memory_space<vmem>>[vector<16xi32>, vector<16xi32>], vector<16xi32>,
    %shift_right_arithmetic3A_529 = arith.constant 16 : i32
    %shift_right_arithmetic3A_530 = vector.broadcast %shift_right_arithmetic3A_529 : i32 to vector<16xi32>
    %shift_right_arithmetic3A_531 = arith.shrsi %gather3A_528, %shift_right_arithmetic3A_530 : vector<16xi32>
    %ge3A_532 = arith.cmpi sge, %shift_right_arithmetic3A_531, %broadcast_in_dim3A_410 : vector<16xi32>
    %select_n3A_533 = arith.select %ge3A_532, %shift_right_arithmetic3A_527, %select_n3A_516 : vector<16xi1>, vector<16xi32>
    %sub3A_534 = arith.constant 1 : i32
    %sub3A_535 = vector.broadcast %sub3A_534 : i32 to vector<16xi32>
    %sub3A_536 = arith.subi %shift_right_arithmetic3A_527, %sub3A_535 : vector<16xi32>
    %select_n3A_537 = arith.select %ge3A_532, %select_n3A_520, %sub3A_536 : vector<16xi1>, vector<16xi32>
    %add3A_538 = arith.addi %select_n3A_533, %select_n3A_537 : vector<16xi32>
    %add3A_539 = arith.constant 1 : i32
    %add3A_540 = vector.broadcast %add3A_539 : i32 to vector<16xi32>
    %add3A_541 = arith.addi %add3A_538, %add3A_540 : vector<16xi32>
    %shift_right_arithmetic3A_542 = arith.constant 1 : i32
    %shift_right_arithmetic3A_543 = vector.broadcast %shift_right_arithmetic3A_542 : i32 to vector<16xi32>
    %shift_right_arithmetic3A_544 = arith.shrsi %add3A_541, %shift_right_arithmetic3A_543 : vector<16xi32>
    %gather3A_545 = tpu.vector_load_idx %arg8[%shift_right_arithmetic3A_544, %iota3A] : memref<257x16xi32, #tpu.memory_space<vmem>>[vector<16xi32>, vector<16xi32>], vector<16xi32>,
    %shift_right_arithmetic3A_546 = arith.constant 16 : i32
    %shift_right_arithmetic3A_547 = vector.broadcast %shift_right_arithmetic3A_546 : i32 to vector<16xi32>
    %shift_right_arithmetic3A_548 = arith.shrsi %gather3A_545, %shift_right_arithmetic3A_547 : vector<16xi32>
    %ge3A_549 = arith.cmpi sge, %shift_right_arithmetic3A_548, %broadcast_in_dim3A_410 : vector<16xi32>
    %select_n3A_550 = arith.select %ge3A_549, %shift_right_arithmetic3A_544, %select_n3A_533 : vector<16xi1>, vector<16xi32>
    %sub3A_551 = arith.constant 1 : i32
    %sub3A_552 = vector.broadcast %sub3A_551 : i32 to vector<16xi32>
    %sub3A_553 = arith.subi %shift_right_arithmetic3A_544, %sub3A_552 : vector<16xi32>
    %select_n3A_554 = arith.select %ge3A_549, %select_n3A_537, %sub3A_553 : vector<16xi1>, vector<16xi32>
    %gather3A_555 = tpu.vector_load_idx %arg8[%select_n3A_550, %iota3A] : memref<257x16xi32, #tpu.memory_space<vmem>>[vector<16xi32>, vector<16xi32>], vector<16xi32>,
    %add3A_556 = arith.constant 1 : i32
    %add3A_557 = vector.broadcast %add3A_556 : i32 to vector<16xi32>
    %add3A_558 = arith.addi %select_n3A_550, %add3A_557 : vector<16xi32>
    %gather3A_559 = tpu.vector_load_idx %arg8[%add3A_558, %iota3A] : memref<257x16xi32, #tpu.memory_space<vmem>>[vector<16xi32>, vector<16xi32>], vector<16xi32>,
    %shift_right_arithmetic3A_560 = arith.constant 16 : i32
    %shift_right_arithmetic3A_561 = vector.broadcast %shift_right_arithmetic3A_560 : i32 to vector<16xi32>
    %shift_right_arithmetic3A_562 = arith.shrsi %gather3A_559, %shift_right_arithmetic3A_561 : vector<16xi32>
    %and3A_563 = arith.constant 65535 : i32
    %and3A_564 = vector.broadcast %and3A_563 : i32 to vector<16xi32>
    %and3A_565 = arith.andi %gather3A_559, %and3A_564 : vector<16xi32>
    %shift_right_arithmetic3A_566 = arith.constant 16 : i32
    %shift_right_arithmetic3A_567 = vector.broadcast %shift_right_arithmetic3A_566 : i32 to vector<16xi32>
    %shift_right_arithmetic3A_568 = arith.shrsi %gather3A_555, %shift_right_arithmetic3A_567 : vector<16xi32>
    %sub3A_569 = arith.subi %shift_right_arithmetic3A_568, %shift_right_arithmetic3A_562 : vector<16xi32>
    %and3A_570 = arith.constant 65535 : i32
    %and3A_571 = vector.broadcast %and3A_570 : i32 to vector<16xi32>
    %and3A_572 = arith.andi %gather3A_555, %and3A_571 : vector<16xi32>
    %sub3A_573 = arith.subi %and3A_572, %and3A_565 : vector<16xi32>
    %sub3A_574 = arith.subi %broadcast_in_dim3A_410, %shift_right_arithmetic3A_562 : vector<16xi32>
    %eq3A_575 = arith.constant 0 : i32
    %eq3A_576 = arith.cmpi eq, %select_n3A_30, %eq3A_575 : i32
    %convert_element_type3A_577 = arith.extui %eq3A_576 : i1 to i32
    %cond3A_578 = arith.constant 0 : i32
    %cond3A_579 = arith.cmpi ne, %convert_element_type3A_577, %cond3A_578 : i32
    scf.if %cond3A_579 {
      %mul3A_772 = arith.constant 256 : i32
      %mul3A_773 = arith.muli %add3A, %mul3A_772 : i32
      "tpu.region"() ({
        %run_scoped3A = tpu.sem_alloc : memref<!tpu.dma_semaphore, #tpu.memory_space<semaphore_mem>>
        %dma_start3A_774 = arith.constant 0 : i32
        %dma_start3A_775 = tpu.memref_slice %arg11[%mul3A_773, %dma_start3A_774] : memref<2048x16xi32, #tpu.memory_space<vmem_shared>> -> memref<256x16xi32, #tpu.memory_space<vmem_shared>>
        %dma_start3A_776 = arith.constant 0 : i32
        %dma_start3A_777 = tpu.memref_slice %arg11[%mul3A_773, %dma_start3A_776] : memref<2048x16xi32, #tpu.memory_space<vmem_shared>> -> memref<256x16xi32, #tpu.memory_space<vmem_shared>>
        tpu.enqueue_dma source(%arg7 : memref<256x16xi32, #tpu.memory_space<vmem>>) target(%dma_start3A_777 : memref<256x16xi32, #tpu.memory_space<vmem_shared>>) target_semaphore(%run_scoped3A : memref<!tpu.dma_semaphore, #tpu.memory_space<semaphore_mem>>)
        %dma_wait3A_778 = arith.constant 0 : i32
        %dma_wait3A_779 = tpu.memref_slice %arg11[%mul3A_773, %dma_wait3A_778] : memref<2048x16xi32, #tpu.memory_space<vmem_shared>> -> memref<256x16xi32, #tpu.memory_space<vmem_shared>>
        %dma_wait3A_780 = arith.constant 0 : i32
        %dma_wait3A_781 = tpu.memref_slice %arg11[%mul3A_773, %dma_wait3A_780] : memref<2048x16xi32, #tpu.memory_space<vmem_shared>> -> memref<256x16xi32, #tpu.memory_space<vmem_shared>>
        tpu.wait_dma2 semaphore(%run_scoped3A : memref<!tpu.dma_semaphore, #tpu.memory_space<semaphore_mem>>) src(%arg7 : memref<256x16xi32, #tpu.memory_space<vmem>>) dst(%dma_wait3A_781 : memref<256x16xi32, #tpu.memory_space<vmem_shared>>)
        tpu.yield
      }) : () -> ()
    } else {
    }
    %bitcast3A = vector.bitcast %select_n3A_550 : vector<16xi32> to vector<16xi32>
    %parallel_loop3A_580 = arith.constant 0 : i32
    %parallel_loop3A_581 = arith.constant 4096 : i32
    %parallel_loop3A_582 = arith.constant 1 : i32
    scf.for %parallel_loop3A_772 = %parallel_loop3A_580 to %parallel_loop3A_581 step %parallel_loop3A_582  : i32 {
      %parallel_loop3A_773 = arith.index_cast %parallel_loop3A_772 : i32 to index
      %parallel_loop3A_774 = arith.constant 0 : index
      %parallel_loop3A_775 = tpu.vector_load %arg5[%parallel_loop3A_773, %parallel_loop3A_774] {strides = array<i32>} : memref<4096x16xf32, #tpu.memory_space<vmem>>, vector<16xf32>,
      %parallel_loop3A_776 = vector.bitcast %parallel_loop3A_775 : vector<16xf32> to vector<16xi32>
      %parallel_loop3A_777 = arith.constant 16 : i32
      %parallel_loop3A_778 = vector.broadcast %parallel_loop3A_777 : i32 to vector<16xi32>
      %parallel_loop3A_779 = arith.shrui %parallel_loop3A_776, %parallel_loop3A_778 : vector<16xi32>
      %parallel_loop3A_780 = arith.constant 255 : i32
      %parallel_loop3A_781 = vector.broadcast %parallel_loop3A_780 : i32 to vector<16xi32>
      %parallel_loop3A_782 = arith.andi %parallel_loop3A_779, %parallel_loop3A_781 : vector<16xi32>
      %parallel_loop3A_783 = vector.bitcast %parallel_loop3A_782 : vector<16xi32> to vector<16xi32>
      %parallel_loop3A_784 = arith.constant 1 : i32
      %parallel_loop3A_785 = vector.broadcast %parallel_loop3A_784 : i32 to vector<16xi32>
      %parallel_loop3A_786 = arith.andi %parallel_loop3A_776, %parallel_loop3A_785 : vector<16xi32>
      %parallel_loop3A_787 = arith.constant 65536 : i32
      %parallel_loop3A_788 = vector.broadcast %parallel_loop3A_787 : i32 to vector<16xi32>
      %parallel_loop3A_789 = arith.ori %parallel_loop3A_786, %parallel_loop3A_788 : vector<16xi32>
      %parallel_loop3A_790 = vector.bitcast %parallel_loop3A_789 : vector<16xi32> to vector<16xi32>
      %parallel_loop3A_791 = arith.constant 24 : i32
      %parallel_loop3A_792 = vector.broadcast %parallel_loop3A_791 : i32 to vector<16xi32>
      %parallel_loop3A_793 = arith.shrui %parallel_loop3A_776, %parallel_loop3A_792 : vector<16xi32>
      %parallel_loop3A_794 = arith.cmpi eq, %parallel_loop3A_793, %bitcast3A : vector<16xi32>
      tpu.vector_store_idx %arg7[%parallel_loop3A_783, %iota3A], %parallel_loop3A_790 masked %parallel_loop3A_794 {add = true} : memref<256x16xi32, #tpu.memory_space<vmem>>[vector<16xi32>, vector<16xi32>], vector<16xi32>, vector<16xi1>
    } {sc.loop_unroll_factor = 4 : i64, sc.parallel_access}
    %barrier3A_583 = arith.constant 0 : index
    tpu.barrier barrier_id(%barrier3A_583)
    "tpu.region"() ({
      %run_scoped3A = tpu.sem_alloc : memref<!tpu.dma_semaphore, #tpu.memory_space<semaphore_mem>>
      %dma_start3A_772 = arith.constant 0 : i32
      %dma_start3A_773 = arith.constant 0 : i32
      %dma_start3A_774 = tpu.memref_slice %arg11[%dma_start3A_772, %dma_start3A_773] : memref<2048x16xi32, #tpu.memory_space<vmem_shared>> -> memref<2048x16xi32, #tpu.memory_space<vmem_shared>>
      tpu.enqueue_indirect_dma source(%arg7 : memref<256x16xi32, #tpu.memory_space<vmem>>) target(%dma_start3A_774 : memref<2048x16xi32, #tpu.memory_space<vmem_shared>>) offsets(%arg10 : memref<256xi32, #tpu.memory_space<vmem>>) semaphore(%run_scoped3A : memref<!tpu.dma_semaphore, #tpu.memory_space<semaphore_mem>>) {add = true}
      %dma_wait3A_775 = arith.constant 0 : i32
      %dma_wait3A_776 = arith.constant 0 : i32
      %dma_wait3A_777 = tpu.memref_slice %arg11[%dma_wait3A_775, %dma_wait3A_776] : memref<2048x16xi32, #tpu.memory_space<vmem_shared>> -> memref<2048x16xi32, #tpu.memory_space<vmem_shared>>
      tpu.wait_indirect_dma semaphore(%run_scoped3A : memref<!tpu.dma_semaphore, #tpu.memory_space<semaphore_mem>>) src(%arg7 : memref<256x16xi32, #tpu.memory_space<vmem>>) dst(%dma_wait3A_777 : memref<2048x16xi32, #tpu.memory_space<vmem_shared>>)
      tpu.yield
    }) : () -> ()
    %barrier3A_584 = arith.constant 0 : index
    tpu.barrier barrier_id(%barrier3A_584)
    %mul3A_585 = arith.constant 256 : i32
    %mul3A_586 = arith.muli %add3A, %mul3A_585 : i32
    "tpu.region"() ({
      %run_scoped3A = tpu.sem_alloc : memref<!tpu.dma_semaphore, #tpu.memory_space<semaphore_mem>>
      %dma_start3A_772 = arith.constant 0 : i32
      %dma_start3A_773 = tpu.memref_slice %arg11[%mul3A_586, %dma_start3A_772] : memref<2048x16xi32, #tpu.memory_space<vmem_shared>> -> memref<256x16xi32, #tpu.memory_space<vmem_shared>>
      %dma_start3A_774 = arith.constant 0 : i32
      %dma_start3A_775 = tpu.memref_slice %arg11[%mul3A_586, %dma_start3A_774] : memref<2048x16xi32, #tpu.memory_space<vmem_shared>> -> memref<256x16xi32, #tpu.memory_space<vmem_shared>>
      tpu.enqueue_dma source(%dma_start3A_775 : memref<256x16xi32, #tpu.memory_space<vmem_shared>>) target(%arg7 : memref<256x16xi32, #tpu.memory_space<vmem>>) target_semaphore(%run_scoped3A : memref<!tpu.dma_semaphore, #tpu.memory_space<semaphore_mem>>)
      %dma_wait3A_776 = arith.constant 0 : i32
      %dma_wait3A_777 = tpu.memref_slice %arg11[%mul3A_586, %dma_wait3A_776] : memref<2048x16xi32, #tpu.memory_space<vmem_shared>> -> memref<256x16xi32, #tpu.memory_space<vmem_shared>>
      %dma_wait3A_778 = arith.constant 0 : i32
      %dma_wait3A_779 = tpu.memref_slice %arg11[%mul3A_586, %dma_wait3A_778] : memref<2048x16xi32, #tpu.memory_space<vmem_shared>> -> memref<256x16xi32, #tpu.memory_space<vmem_shared>>
      tpu.wait_dma2 semaphore(%run_scoped3A : memref<!tpu.dma_semaphore, #tpu.memory_space<semaphore_mem>>) src(%dma_wait3A_779 : memref<256x16xi32, #tpu.memory_space<vmem_shared>>) dst(%arg7 : memref<256x16xi32, #tpu.memory_space<vmem>>)
      tpu.yield
    }) : () -> ()
    %broadcast_in_dim3A_587 = arith.constant 0 : i32
    %broadcast_in_dim3A_588 = vector.broadcast %broadcast_in_dim3A_587 : i32 to vector<16xi32>
    %scan3A_589 = arith.constant 0 : i32
    %scan3A_590 = arith.constant 256 : i32
    %scan3A_591 = arith.addi %scan3A_589, %scan3A_590 : i32
    %scan3A_592 = arith.constant 8 : i32
    %scan3A_593 = scf.for %scan3A_772 = %scan3A_589 to %scan3A_591 step %scan3A_592 iter_args(%scan3A_773 = %broadcast_in_dim3A_588) -> (vector<16xi32>)  : i32 {
      %sub3A_774 = arith.constant 255 : i32
      %sub3A_775 = arith.subi %sub3A_774, %scan3A_772 : i32
      %get3A = arith.index_cast %sub3A_775 : i32 to index
      %get3A_776 = arith.constant 0 : index
      %get3A_777 = tpu.vector_load %arg7[%get3A, %get3A_776] {strides = array<i32>} : memref<256x16xi32, #tpu.memory_space<vmem>>, vector<16xi32>,
      %add3A_778 = arith.addi %scan3A_773, %get3A_777 : vector<16xi32>
      %swap3A_779 = arith.index_cast %sub3A_775 : i32 to index
      %swap3A_780 = arith.constant 0 : index
      %swap3A_781 = tpu.vector_load %arg8[%swap3A_779, %swap3A_780] {strides = array<i32>} : memref<257x16xi32, #tpu.memory_space<vmem>>, vector<16xi32>,
      tpu.vector_store %arg8[%swap3A_779, %swap3A_780], %add3A_778 {strides = array<i32>} : memref<257x16xi32, #tpu.memory_space<vmem>>, vector<16xi32>,
      %swap3A_782 = arith.index_cast %sub3A_775 : i32 to index
      %swap3A_783 = arith.constant 0 : index
      %swap3A_784 = tpu.vector_load %arg7[%swap3A_782, %swap3A_783] {strides = array<i32>} : memref<256x16xi32, #tpu.memory_space<vmem>>, vector<16xi32>,
      tpu.vector_store %arg7[%swap3A_782, %swap3A_783], %broadcast_in_dim3A_588 {strides = array<i32>} : memref<256x16xi32, #tpu.memory_space<vmem>>, vector<16xi32>,
      %scan3A_785 = arith.constant 1 : i32
      %scan3A_786 = arith.addi %scan3A_772, %scan3A_785 : i32
      %sub3A_787 = arith.constant 255 : i32
      %sub3A_788 = arith.subi %sub3A_787, %scan3A_786 : i32
      %get3A_789 = arith.index_cast %sub3A_788 : i32 to index
      %get3A_790 = arith.constant 0 : index
      %get3A_791 = tpu.vector_load %arg7[%get3A_789, %get3A_790] {strides = array<i32>} : memref<256x16xi32, #tpu.memory_space<vmem>>, vector<16xi32>,
      %add3A_792 = arith.addi %add3A_778, %get3A_791 : vector<16xi32>
      %swap3A_793 = arith.index_cast %sub3A_788 : i32 to index
      %swap3A_794 = arith.constant 0 : index
      %swap3A_795 = tpu.vector_load %arg8[%swap3A_793, %swap3A_794] {strides = array<i32>} : memref<257x16xi32, #tpu.memory_space<vmem>>, vector<16xi32>,
      tpu.vector_store %arg8[%swap3A_793, %swap3A_794], %add3A_792 {strides = array<i32>} : memref<257x16xi32, #tpu.memory_space<vmem>>, vector<16xi32>,
      %swap3A_796 = arith.index_cast %sub3A_788 : i32 to index
      %swap3A_797 = arith.constant 0 : index
      %swap3A_798 = tpu.vector_load %arg7[%swap3A_796, %swap3A_797] {strides = array<i32>} : memref<256x16xi32, #tpu.memory_space<vmem>>, vector<16xi32>,
      tpu.vector_store %arg7[%swap3A_796, %swap3A_797], %broadcast_in_dim3A_588 {strides = array<i32>} : memref<256x16xi32, #tpu.memory_space<vmem>>, vector<16xi32>,
      %scan3A_799 = arith.constant 2 : i32
      %scan3A_800 = arith.addi %scan3A_772, %scan3A_799 : i32
      %sub3A_801 = arith.constant 255 : i32
      %sub3A_802 = arith.subi %sub3A_801, %scan3A_800 : i32
      %get3A_803 = arith.index_cast %sub3A_802 : i32 to index
      %get3A_804 = arith.constant 0 : index
      %get3A_805 = tpu.vector_load %arg7[%get3A_803, %get3A_804] {strides = array<i32>} : memref<256x16xi32, #tpu.memory_space<vmem>>, vector<16xi32>,
      %add3A_806 = arith.addi %add3A_792, %get3A_805 : vector<16xi32>
      %swap3A_807 = arith.index_cast %sub3A_802 : i32 to index
      %swap3A_808 = arith.constant 0 : index
      %swap3A_809 = tpu.vector_load %arg8[%swap3A_807, %swap3A_808] {strides = array<i32>} : memref<257x16xi32, #tpu.memory_space<vmem>>, vector<16xi32>,
      tpu.vector_store %arg8[%swap3A_807, %swap3A_808], %add3A_806 {strides = array<i32>} : memref<257x16xi32, #tpu.memory_space<vmem>>, vector<16xi32>,
      %swap3A_810 = arith.index_cast %sub3A_802 : i32 to index
      %swap3A_811 = arith.constant 0 : index
      %swap3A_812 = tpu.vector_load %arg7[%swap3A_810, %swap3A_811] {strides = array<i32>} : memref<256x16xi32, #tpu.memory_space<vmem>>, vector<16xi32>,
      tpu.vector_store %arg7[%swap3A_810, %swap3A_811], %broadcast_in_dim3A_588 {strides = array<i32>} : memref<256x16xi32, #tpu.memory_space<vmem>>, vector<16xi32>,
      %scan3A_813 = arith.constant 3 : i32
      %scan3A_814 = arith.addi %scan3A_772, %scan3A_813 : i32
      %sub3A_815 = arith.constant 255 : i32
      %sub3A_816 = arith.subi %sub3A_815, %scan3A_814 : i32
      %get3A_817 = arith.index_cast %sub3A_816 : i32 to index
      %get3A_818 = arith.constant 0 : index
      %get3A_819 = tpu.vector_load %arg7[%get3A_817, %get3A_818] {strides = array<i32>} : memref<256x16xi32, #tpu.memory_space<vmem>>, vector<16xi32>,
      %add3A_820 = arith.addi %add3A_806, %get3A_819 : vector<16xi32>
      %swap3A_821 = arith.index_cast %sub3A_816 : i32 to index
      %swap3A_822 = arith.constant 0 : index
      %swap3A_823 = tpu.vector_load %arg8[%swap3A_821, %swap3A_822] {strides = array<i32>} : memref<257x16xi32, #tpu.memory_space<vmem>>, vector<16xi32>,
      tpu.vector_store %arg8[%swap3A_821, %swap3A_822], %add3A_820 {strides = array<i32>} : memref<257x16xi32, #tpu.memory_space<vmem>>, vector<16xi32>,
      %swap3A_824 = arith.index_cast %sub3A_816 : i32 to index
      %swap3A_825 = arith.constant 0 : index
      %swap3A_826 = tpu.vector_load %arg7[%swap3A_824, %swap3A_825] {strides = array<i32>} : memref<256x16xi32, #tpu.memory_space<vmem>>, vector<16xi32>,
      tpu.vector_store %arg7[%swap3A_824, %swap3A_825], %broadcast_in_dim3A_588 {strides = array<i32>} : memref<256x16xi32, #tpu.memory_space<vmem>>, vector<16xi32>,
      %scan3A_827 = arith.constant 4 : i32
      %scan3A_828 = arith.addi %scan3A_772, %scan3A_827 : i32
      %sub3A_829 = arith.constant 255 : i32
      %sub3A_830 = arith.subi %sub3A_829, %scan3A_828 : i32
      %get3A_831 = arith.index_cast %sub3A_830 : i32 to index
      %get3A_832 = arith.constant 0 : index
      %get3A_833 = tpu.vector_load %arg7[%get3A_831, %get3A_832] {strides = array<i32>} : memref<256x16xi32, #tpu.memory_space<vmem>>, vector<16xi32>,
      %add3A_834 = arith.addi %add3A_820, %get3A_833 : vector<16xi32>
      %swap3A_835 = arith.index_cast %sub3A_830 : i32 to index
      %swap3A_836 = arith.constant 0 : index
      %swap3A_837 = tpu.vector_load %arg8[%swap3A_835, %swap3A_836] {strides = array<i32>} : memref<257x16xi32, #tpu.memory_space<vmem>>, vector<16xi32>,
      tpu.vector_store %arg8[%swap3A_835, %swap3A_836], %add3A_834 {strides = array<i32>} : memref<257x16xi32, #tpu.memory_space<vmem>>, vector<16xi32>,
      %swap3A_838 = arith.index_cast %sub3A_830 : i32 to index
      %swap3A_839 = arith.constant 0 : index
      %swap3A_840 = tpu.vector_load %arg7[%swap3A_838, %swap3A_839] {strides = array<i32>} : memref<256x16xi32, #tpu.memory_space<vmem>>, vector<16xi32>,
      tpu.vector_store %arg7[%swap3A_838, %swap3A_839], %broadcast_in_dim3A_588 {strides = array<i32>} : memref<256x16xi32, #tpu.memory_space<vmem>>, vector<16xi32>,
      %scan3A_841 = arith.constant 5 : i32
      %scan3A_842 = arith.addi %scan3A_772, %scan3A_841 : i32
      %sub3A_843 = arith.constant 255 : i32
      %sub3A_844 = arith.subi %sub3A_843, %scan3A_842 : i32
      %get3A_845 = arith.index_cast %sub3A_844 : i32 to index
      %get3A_846 = arith.constant 0 : index
      %get3A_847 = tpu.vector_load %arg7[%get3A_845, %get3A_846] {strides = array<i32>} : memref<256x16xi32, #tpu.memory_space<vmem>>, vector<16xi32>,
      %add3A_848 = arith.addi %add3A_834, %get3A_847 : vector<16xi32>
      %swap3A_849 = arith.index_cast %sub3A_844 : i32 to index
      %swap3A_850 = arith.constant 0 : index
      %swap3A_851 = tpu.vector_load %arg8[%swap3A_849, %swap3A_850] {strides = array<i32>} : memref<257x16xi32, #tpu.memory_space<vmem>>, vector<16xi32>,
      tpu.vector_store %arg8[%swap3A_849, %swap3A_850], %add3A_848 {strides = array<i32>} : memref<257x16xi32, #tpu.memory_space<vmem>>, vector<16xi32>,
      %swap3A_852 = arith.index_cast %sub3A_844 : i32 to index
      %swap3A_853 = arith.constant 0 : index
      %swap3A_854 = tpu.vector_load %arg7[%swap3A_852, %swap3A_853] {strides = array<i32>} : memref<256x16xi32, #tpu.memory_space<vmem>>, vector<16xi32>,
      tpu.vector_store %arg7[%swap3A_852, %swap3A_853], %broadcast_in_dim3A_588 {strides = array<i32>} : memref<256x16xi32, #tpu.memory_space<vmem>>, vector<16xi32>,
      %scan3A_855 = arith.constant 6 : i32
      %scan3A_856 = arith.addi %scan3A_772, %scan3A_855 : i32
      %sub3A_857 = arith.constant 255 : i32
      %sub3A_858 = arith.subi %sub3A_857, %scan3A_856 : i32
      %get3A_859 = arith.index_cast %sub3A_858 : i32 to index
      %get3A_860 = arith.constant 0 : index
      %get3A_861 = tpu.vector_load %arg7[%get3A_859, %get3A_860] {strides = array<i32>} : memref<256x16xi32, #tpu.memory_space<vmem>>, vector<16xi32>,
      %add3A_862 = arith.addi %add3A_848, %get3A_861 : vector<16xi32>
      %swap3A_863 = arith.index_cast %sub3A_858 : i32 to index
      %swap3A_864 = arith.constant 0 : index
      %swap3A_865 = tpu.vector_load %arg8[%swap3A_863, %swap3A_864] {strides = array<i32>} : memref<257x16xi32, #tpu.memory_space<vmem>>, vector<16xi32>,
      tpu.vector_store %arg8[%swap3A_863, %swap3A_864], %add3A_862 {strides = array<i32>} : memref<257x16xi32, #tpu.memory_space<vmem>>, vector<16xi32>,
      %swap3A_866 = arith.index_cast %sub3A_858 : i32 to index
      %swap3A_867 = arith.constant 0 : index
      %swap3A_868 = tpu.vector_load %arg7[%swap3A_866, %swap3A_867] {strides = array<i32>} : memref<256x16xi32, #tpu.memory_space<vmem>>, vector<16xi32>,
      tpu.vector_store %arg7[%swap3A_866, %swap3A_867], %broadcast_in_dim3A_588 {strides = array<i32>} : memref<256x16xi32, #tpu.memory_space<vmem>>, vector<16xi32>,
      %scan3A_869 = arith.constant 7 : i32
      %scan3A_870 = arith.addi %scan3A_772, %scan3A_869 : i32
      %sub3A_871 = arith.constant 255 : i32
      %sub3A_872 = arith.subi %sub3A_871, %scan3A_870 : i32
      %get3A_873 = arith.index_cast %sub3A_872 : i32 to index
      %get3A_874 = arith.constant 0 : index
      %get3A_875 = tpu.vector_load %arg7[%get3A_873, %get3A_874] {strides = array<i32>} : memref<256x16xi32, #tpu.memory_space<vmem>>, vector<16xi32>,
      %add3A_876 = arith.addi %add3A_862, %get3A_875 : vector<16xi32>
      %swap3A_877 = arith.index_cast %sub3A_872 : i32 to index
      %swap3A_878 = arith.constant 0 : index
      %swap3A_879 = tpu.vector_load %arg8[%swap3A_877, %swap3A_878] {strides = array<i32>} : memref<257x16xi32, #tpu.memory_space<vmem>>, vector<16xi32>,
      tpu.vector_store %arg8[%swap3A_877, %swap3A_878], %add3A_876 {strides = array<i32>} : memref<257x16xi32, #tpu.memory_space<vmem>>, vector<16xi32>,
      %swap3A_880 = arith.index_cast %sub3A_872 : i32 to index
      %swap3A_881 = arith.constant 0 : index
      %swap3A_882 = tpu.vector_load %arg7[%swap3A_880, %swap3A_881] {strides = array<i32>} : memref<256x16xi32, #tpu.memory_space<vmem>>, vector<16xi32>,
      tpu.vector_store %arg7[%swap3A_880, %swap3A_881], %broadcast_in_dim3A_588 {strides = array<i32>} : memref<256x16xi32, #tpu.memory_space<vmem>>, vector<16xi32>,
      scf.yield %add3A_876 : vector<16xi32>
    }
    %scan3A_594 = arith.constant 256 : i32
    %broadcast_in_dim3A_595 = arith.constant 0 : i32
    %broadcast_in_dim3A_596 = vector.broadcast %broadcast_in_dim3A_595 : i32 to vector<16xi32>
    %broadcast_in_dim3A_597 = arith.constant 255 : i32
    %broadcast_in_dim3A_598 = vector.broadcast %broadcast_in_dim3A_597 : i32 to vector<16xi32>
    %add3A_599 = arith.addi %broadcast_in_dim3A_596, %broadcast_in_dim3A_598 : vector<16xi32>
    %add3A_600 = arith.constant 1 : i32
    %add3A_601 = vector.broadcast %add3A_600 : i32 to vector<16xi32>
    %add3A_602 = arith.addi %add3A_599, %add3A_601 : vector<16xi32>
    %shift_right_arithmetic3A_603 = arith.constant 1 : i32
    %shift_right_arithmetic3A_604 = vector.broadcast %shift_right_arithmetic3A_603 : i32 to vector<16xi32>
    %shift_right_arithmetic3A_605 = arith.shrsi %add3A_602, %shift_right_arithmetic3A_604 : vector<16xi32>
    %gather3A_606 = tpu.vector_load_idx %arg8[%shift_right_arithmetic3A_605, %iota3A] : memref<257x16xi32, #tpu.memory_space<vmem>>[vector<16xi32>, vector<16xi32>], vector<16xi32>,
    %shift_right_arithmetic3A_607 = arith.constant 16 : i32
    %shift_right_arithmetic3A_608 = vector.broadcast %shift_right_arithmetic3A_607 : i32 to vector<16xi32>
    %shift_right_arithmetic3A_609 = arith.shrsi %gather3A_606, %shift_right_arithmetic3A_608 : vector<16xi32>
    %ge3A_610 = arith.cmpi sge, %shift_right_arithmetic3A_609, %sub3A_574 : vector<16xi32>
    %select_n3A_611 = arith.select %ge3A_610, %shift_right_arithmetic3A_605, %broadcast_in_dim3A_596 : vector<16xi1>, vector<16xi32>
    %sub3A_612 = arith.constant 1 : i32
    %sub3A_613 = vector.broadcast %sub3A_612 : i32 to vector<16xi32>
    %sub3A_614 = arith.subi %shift_right_arithmetic3A_605, %sub3A_613 : vector<16xi32>
    %select_n3A_615 = arith.select %ge3A_610, %broadcast_in_dim3A_598, %sub3A_614 : vector<16xi1>, vector<16xi32>
    %add3A_616 = arith.addi %select_n3A_611, %select_n3A_615 : vector<16xi32>
    %add3A_617 = arith.constant 1 : i32
    %add3A_618 = vector.broadcast %add3A_617 : i32 to vector<16xi32>
    %add3A_619 = arith.addi %add3A_616, %add3A_618 : vector<16xi32>
    %shift_right_arithmetic3A_620 = arith.constant 1 : i32
    %shift_right_arithmetic3A_621 = vector.broadcast %shift_right_arithmetic3A_620 : i32 to vector<16xi32>
    %shift_right_arithmetic3A_622 = arith.shrsi %add3A_619, %shift_right_arithmetic3A_621 : vector<16xi32>
    %gather3A_623 = tpu.vector_load_idx %arg8[%shift_right_arithmetic3A_622, %iota3A] : memref<257x16xi32, #tpu.memory_space<vmem>>[vector<16xi32>, vector<16xi32>], vector<16xi32>,
    %shift_right_arithmetic3A_624 = arith.constant 16 : i32
    %shift_right_arithmetic3A_625 = vector.broadcast %shift_right_arithmetic3A_624 : i32 to vector<16xi32>
    %shift_right_arithmetic3A_626 = arith.shrsi %gather3A_623, %shift_right_arithmetic3A_625 : vector<16xi32>
    %ge3A_627 = arith.cmpi sge, %shift_right_arithmetic3A_626, %sub3A_574 : vector<16xi32>
    %select_n3A_628 = arith.select %ge3A_627, %shift_right_arithmetic3A_622, %select_n3A_611 : vector<16xi1>, vector<16xi32>
    %sub3A_629 = arith.constant 1 : i32
    %sub3A_630 = vector.broadcast %sub3A_629 : i32 to vector<16xi32>
    %sub3A_631 = arith.subi %shift_right_arithmetic3A_622, %sub3A_630 : vector<16xi32>
    %select_n3A_632 = arith.select %ge3A_627, %select_n3A_615, %sub3A_631 : vector<16xi1>, vector<16xi32>
    %add3A_633 = arith.addi %select_n3A_628, %select_n3A_632 : vector<16xi32>
    %add3A_634 = arith.constant 1 : i32
    %add3A_635 = vector.broadcast %add3A_634 : i32 to vector<16xi32>
    %add3A_636 = arith.addi %add3A_633, %add3A_635 : vector<16xi32>
    %shift_right_arithmetic3A_637 = arith.constant 1 : i32
    %shift_right_arithmetic3A_638 = vector.broadcast %shift_right_arithmetic3A_637 : i32 to vector<16xi32>
    %shift_right_arithmetic3A_639 = arith.shrsi %add3A_636, %shift_right_arithmetic3A_638 : vector<16xi32>
    %gather3A_640 = tpu.vector_load_idx %arg8[%shift_right_arithmetic3A_639, %iota3A] : memref<257x16xi32, #tpu.memory_space<vmem>>[vector<16xi32>, vector<16xi32>], vector<16xi32>,
    %shift_right_arithmetic3A_641 = arith.constant 16 : i32
    %shift_right_arithmetic3A_642 = vector.broadcast %shift_right_arithmetic3A_641 : i32 to vector<16xi32>
    %shift_right_arithmetic3A_643 = arith.shrsi %gather3A_640, %shift_right_arithmetic3A_642 : vector<16xi32>
    %ge3A_644 = arith.cmpi sge, %shift_right_arithmetic3A_643, %sub3A_574 : vector<16xi32>
    %select_n3A_645 = arith.select %ge3A_644, %shift_right_arithmetic3A_639, %select_n3A_628 : vector<16xi1>, vector<16xi32>
    %sub3A_646 = arith.constant 1 : i32
    %sub3A_647 = vector.broadcast %sub3A_646 : i32 to vector<16xi32>
    %sub3A_648 = arith.subi %shift_right_arithmetic3A_639, %sub3A_647 : vector<16xi32>
    %select_n3A_649 = arith.select %ge3A_644, %select_n3A_632, %sub3A_648 : vector<16xi1>, vector<16xi32>
    %add3A_650 = arith.addi %select_n3A_645, %select_n3A_649 : vector<16xi32>
    %add3A_651 = arith.constant 1 : i32
    %add3A_652 = vector.broadcast %add3A_651 : i32 to vector<16xi32>
    %add3A_653 = arith.addi %add3A_650, %add3A_652 : vector<16xi32>
    %shift_right_arithmetic3A_654 = arith.constant 1 : i32
    %shift_right_arithmetic3A_655 = vector.broadcast %shift_right_arithmetic3A_654 : i32 to vector<16xi32>
    %shift_right_arithmetic3A_656 = arith.shrsi %add3A_653, %shift_right_arithmetic3A_655 : vector<16xi32>
    %gather3A_657 = tpu.vector_load_idx %arg8[%shift_right_arithmetic3A_656, %iota3A] : memref<257x16xi32, #tpu.memory_space<vmem>>[vector<16xi32>, vector<16xi32>], vector<16xi32>,
    %shift_right_arithmetic3A_658 = arith.constant 16 : i32
    %shift_right_arithmetic3A_659 = vector.broadcast %shift_right_arithmetic3A_658 : i32 to vector<16xi32>
    %shift_right_arithmetic3A_660 = arith.shrsi %gather3A_657, %shift_right_arithmetic3A_659 : vector<16xi32>
    %ge3A_661 = arith.cmpi sge, %shift_right_arithmetic3A_660, %sub3A_574 : vector<16xi32>
    %select_n3A_662 = arith.select %ge3A_661, %shift_right_arithmetic3A_656, %select_n3A_645 : vector<16xi1>, vector<16xi32>
    %sub3A_663 = arith.constant 1 : i32
    %sub3A_664 = vector.broadcast %sub3A_663 : i32 to vector<16xi32>
    %sub3A_665 = arith.subi %shift_right_arithmetic3A_656, %sub3A_664 : vector<16xi32>
    %select_n3A_666 = arith.select %ge3A_661, %select_n3A_649, %sub3A_665 : vector<16xi1>, vector<16xi32>
    %add3A_667 = arith.addi %select_n3A_662, %select_n3A_666 : vector<16xi32>
    %add3A_668 = arith.constant 1 : i32
    %add3A_669 = vector.broadcast %add3A_668 : i32 to vector<16xi32>
    %add3A_670 = arith.addi %add3A_667, %add3A_669 : vector<16xi32>
    %shift_right_arithmetic3A_671 = arith.constant 1 : i32
    %shift_right_arithmetic3A_672 = vector.broadcast %shift_right_arithmetic3A_671 : i32 to vector<16xi32>
    %shift_right_arithmetic3A_673 = arith.shrsi %add3A_670, %shift_right_arithmetic3A_672 : vector<16xi32>
    %gather3A_674 = tpu.vector_load_idx %arg8[%shift_right_arithmetic3A_673, %iota3A] : memref<257x16xi32, #tpu.memory_space<vmem>>[vector<16xi32>, vector<16xi32>], vector<16xi32>,
    %shift_right_arithmetic3A_675 = arith.constant 16 : i32
    %shift_right_arithmetic3A_676 = vector.broadcast %shift_right_arithmetic3A_675 : i32 to vector<16xi32>
    %shift_right_arithmetic3A_677 = arith.shrsi %gather3A_674, %shift_right_arithmetic3A_676 : vector<16xi32>
    %ge3A_678 = arith.cmpi sge, %shift_right_arithmetic3A_677, %sub3A_574 : vector<16xi32>
    %select_n3A_679 = arith.select %ge3A_678, %shift_right_arithmetic3A_673, %select_n3A_662 : vector<16xi1>, vector<16xi32>
    %sub3A_680 = arith.constant 1 : i32
    %sub3A_681 = vector.broadcast %sub3A_680 : i32 to vector<16xi32>
    %sub3A_682 = arith.subi %shift_right_arithmetic3A_673, %sub3A_681 : vector<16xi32>
    %select_n3A_683 = arith.select %ge3A_678, %select_n3A_666, %sub3A_682 : vector<16xi1>, vector<16xi32>
    %add3A_684 = arith.addi %select_n3A_679, %select_n3A_683 : vector<16xi32>
    %add3A_685 = arith.constant 1 : i32
    %add3A_686 = vector.broadcast %add3A_685 : i32 to vector<16xi32>
    %add3A_687 = arith.addi %add3A_684, %add3A_686 : vector<16xi32>
    %shift_right_arithmetic3A_688 = arith.constant 1 : i32
    %shift_right_arithmetic3A_689 = vector.broadcast %shift_right_arithmetic3A_688 : i32 to vector<16xi32>
    %shift_right_arithmetic3A_690 = arith.shrsi %add3A_687, %shift_right_arithmetic3A_689 : vector<16xi32>
    %gather3A_691 = tpu.vector_load_idx %arg8[%shift_right_arithmetic3A_690, %iota3A] : memref<257x16xi32, #tpu.memory_space<vmem>>[vector<16xi32>, vector<16xi32>], vector<16xi32>,
    %shift_right_arithmetic3A_692 = arith.constant 16 : i32
    %shift_right_arithmetic3A_693 = vector.broadcast %shift_right_arithmetic3A_692 : i32 to vector<16xi32>
    %shift_right_arithmetic3A_694 = arith.shrsi %gather3A_691, %shift_right_arithmetic3A_693 : vector<16xi32>
    %ge3A_695 = arith.cmpi sge, %shift_right_arithmetic3A_694, %sub3A_574 : vector<16xi32>
    %select_n3A_696 = arith.select %ge3A_695, %shift_right_arithmetic3A_690, %select_n3A_679 : vector<16xi1>, vector<16xi32>
    %sub3A_697 = arith.constant 1 : i32
    %sub3A_698 = vector.broadcast %sub3A_697 : i32 to vector<16xi32>
    %sub3A_699 = arith.subi %shift_right_arithmetic3A_690, %sub3A_698 : vector<16xi32>
    %select_n3A_700 = arith.select %ge3A_695, %select_n3A_683, %sub3A_699 : vector<16xi1>, vector<16xi32>
    %add3A_701 = arith.addi %select_n3A_696, %select_n3A_700 : vector<16xi32>
    %add3A_702 = arith.constant 1 : i32
    %add3A_703 = vector.broadcast %add3A_702 : i32 to vector<16xi32>
    %add3A_704 = arith.addi %add3A_701, %add3A_703 : vector<16xi32>
    %shift_right_arithmetic3A_705 = arith.constant 1 : i32
    %shift_right_arithmetic3A_706 = vector.broadcast %shift_right_arithmetic3A_705 : i32 to vector<16xi32>
    %shift_right_arithmetic3A_707 = arith.shrsi %add3A_704, %shift_right_arithmetic3A_706 : vector<16xi32>
    %gather3A_708 = tpu.vector_load_idx %arg8[%shift_right_arithmetic3A_707, %iota3A] : memref<257x16xi32, #tpu.memory_space<vmem>>[vector<16xi32>, vector<16xi32>], vector<16xi32>,
    %shift_right_arithmetic3A_709 = arith.constant 16 : i32
    %shift_right_arithmetic3A_710 = vector.broadcast %shift_right_arithmetic3A_709 : i32 to vector<16xi32>
    %shift_right_arithmetic3A_711 = arith.shrsi %gather3A_708, %shift_right_arithmetic3A_710 : vector<16xi32>
    %ge3A_712 = arith.cmpi sge, %shift_right_arithmetic3A_711, %sub3A_574 : vector<16xi32>
    %select_n3A_713 = arith.select %ge3A_712, %shift_right_arithmetic3A_707, %select_n3A_696 : vector<16xi1>, vector<16xi32>
    %sub3A_714 = arith.constant 1 : i32
    %sub3A_715 = vector.broadcast %sub3A_714 : i32 to vector<16xi32>
    %sub3A_716 = arith.subi %shift_right_arithmetic3A_707, %sub3A_715 : vector<16xi32>
    %select_n3A_717 = arith.select %ge3A_712, %select_n3A_700, %sub3A_716 : vector<16xi1>, vector<16xi32>
    %add3A_718 = arith.addi %select_n3A_713, %select_n3A_717 : vector<16xi32>
    %add3A_719 = arith.constant 1 : i32
    %add3A_720 = vector.broadcast %add3A_719 : i32 to vector<16xi32>
    %add3A_721 = arith.addi %add3A_718, %add3A_720 : vector<16xi32>
    %shift_right_arithmetic3A_722 = arith.constant 1 : i32
    %shift_right_arithmetic3A_723 = vector.broadcast %shift_right_arithmetic3A_722 : i32 to vector<16xi32>
    %shift_right_arithmetic3A_724 = arith.shrsi %add3A_721, %shift_right_arithmetic3A_723 : vector<16xi32>
    %gather3A_725 = tpu.vector_load_idx %arg8[%shift_right_arithmetic3A_724, %iota3A] : memref<257x16xi32, #tpu.memory_space<vmem>>[vector<16xi32>, vector<16xi32>], vector<16xi32>,
    %shift_right_arithmetic3A_726 = arith.constant 16 : i32
    %shift_right_arithmetic3A_727 = vector.broadcast %shift_right_arithmetic3A_726 : i32 to vector<16xi32>
    %shift_right_arithmetic3A_728 = arith.shrsi %gather3A_725, %shift_right_arithmetic3A_727 : vector<16xi32>
    %ge3A_729 = arith.cmpi sge, %shift_right_arithmetic3A_728, %sub3A_574 : vector<16xi32>
    %select_n3A_730 = arith.select %ge3A_729, %shift_right_arithmetic3A_724, %select_n3A_713 : vector<16xi1>, vector<16xi32>
    %sub3A_731 = arith.constant 1 : i32
    %sub3A_732 = vector.broadcast %sub3A_731 : i32 to vector<16xi32>
    %sub3A_733 = arith.subi %shift_right_arithmetic3A_724, %sub3A_732 : vector<16xi32>
    %select_n3A_734 = arith.select %ge3A_729, %select_n3A_717, %sub3A_733 : vector<16xi1>, vector<16xi32>
    %gather3A_735 = tpu.vector_load_idx %arg8[%select_n3A_730, %iota3A] : memref<257x16xi32, #tpu.memory_space<vmem>>[vector<16xi32>, vector<16xi32>], vector<16xi32>,
    %add3A_736 = arith.constant 1 : i32
    %add3A_737 = vector.broadcast %add3A_736 : i32 to vector<16xi32>
    %add3A_738 = arith.addi %select_n3A_730, %add3A_737 : vector<16xi32>
    %gather3A_739 = tpu.vector_load_idx %arg8[%add3A_738, %iota3A] : memref<257x16xi32, #tpu.memory_space<vmem>>[vector<16xi32>, vector<16xi32>], vector<16xi32>,
    %shift_right_arithmetic3A_740 = arith.constant 16 : i32
    %shift_right_arithmetic3A_741 = vector.broadcast %shift_right_arithmetic3A_740 : i32 to vector<16xi32>
    %shift_right_arithmetic3A_742 = arith.shrsi %gather3A_739, %shift_right_arithmetic3A_741 : vector<16xi32>
    %and3A_743 = arith.constant 65535 : i32
    %and3A_744 = vector.broadcast %and3A_743 : i32 to vector<16xi32>
    %and3A_745 = arith.andi %gather3A_739, %and3A_744 : vector<16xi32>
    %shift_right_arithmetic3A_746 = arith.constant 16 : i32
    %shift_right_arithmetic3A_747 = vector.broadcast %shift_right_arithmetic3A_746 : i32 to vector<16xi32>
    %shift_right_arithmetic3A_748 = arith.shrsi %gather3A_735, %shift_right_arithmetic3A_747 : vector<16xi32>
    %sub3A_749 = arith.subi %shift_right_arithmetic3A_748, %shift_right_arithmetic3A_742 : vector<16xi32>
    %and3A_750 = arith.constant 65535 : i32
    %and3A_751 = vector.broadcast %and3A_750 : i32 to vector<16xi32>
    %and3A_752 = arith.andi %gather3A_735, %and3A_751 : vector<16xi32>
    %sub3A_753 = arith.subi %and3A_752, %and3A_745 : vector<16xi32>
    %sub3A_754 = arith.subi %sub3A_574, %shift_right_arithmetic3A_742 : vector<16xi32>
    %add3A_755 = arith.addi %and3A_565, %and3A_745 : vector<16xi32>
    %mul3A_756 = arith.muli %add3A_755, %sub3A_749 : vector<16xi32>
    %mul3A_757 = arith.muli %sub3A_754, %sub3A_753 : vector<16xi32>
    %add3A_758 = arith.addi %mul3A_756, %mul3A_757 : vector<16xi32>
    %convert_element_type3A_759 = arith.sitofp %add3A_758 : vector<16xi32> to vector<16xf32>
    %mul3A_760 = arith.constant 1638 : i32
    %mul3A_761 = vector.broadcast %mul3A_760 : i32 to vector<16xi32>
    %mul3A_762 = arith.muli %sub3A_749, %mul3A_761 : vector<16xi32>
    %convert_element_type3A_763 = arith.sitofp %mul3A_762 : vector<16xi32> to vector<16xf32>
    %div3A_764 = arith.divf %convert_element_type3A_759, %convert_element_type3A_763 : vector<16xf32>
    %swap3A_765 = arith.constant 0 : index
    %swap3A_766 = tpu.vector_load %arg9[%swap3A_765] {strides = array<i32>} : memref<16xf32, #tpu.memory_space<vmem>>, vector<16xf32>,
    tpu.vector_store %arg9[%swap3A_765], %div3A_764 {strides = array<i32>} : memref<16xf32, #tpu.memory_space<vmem>>, vector<16xf32>,
    %eq3A_767 = arith.constant 0 : i32
    %eq3A_768 = arith.cmpi eq, %select_n3A_30, %eq3A_767 : i32
    %convert_element_type3A_769 = arith.extui %eq3A_768 : i1 to i32
    %cond3A_770 = arith.constant 0 : i32
    %cond3A_771 = arith.cmpi ne, %convert_element_type3A_769, %cond3A_770 : i32
    scf.if %cond3A_771 {
      "tpu.region"() ({
        %run_scoped3A = tpu.sem_alloc : memref<!tpu.dma_semaphore, #tpu.memory_space<semaphore_mem>>
        %dma_start3A_772 = arith.constant 0 : i32
        %dma_start3A_773 = tpu.memref_slice %arg4[%add3A, %dma_start3A_772] : memref<8x16xf32, #tpu.memory_space<hbm>> -> memref<1x16xf32, #tpu.memory_space<hbm>>
        %dma_start3A_774 = tpu.memref_squeeze %dma_start3A_773 : memref<1x16xf32, #tpu.memory_space<hbm>> -> memref<16xf32, #tpu.memory_space<hbm>>
        %dma_start3A_775 = arith.constant 0 : i32
        %dma_start3A_776 = tpu.memref_slice %arg4[%add3A, %dma_start3A_775] : memref<8x16xf32, #tpu.memory_space<hbm>> -> memref<1x16xf32, #tpu.memory_space<hbm>>
        %dma_start3A_777 = tpu.memref_squeeze %dma_start3A_776 : memref<1x16xf32, #tpu.memory_space<hbm>> -> memref<16xf32, #tpu.memory_space<hbm>>
        tpu.enqueue_dma source(%arg9 : memref<16xf32, #tpu.memory_space<vmem>>) target(%dma_start3A_777 : memref<16xf32, #tpu.memory_space<hbm>>) target_semaphore(%run_scoped3A : memref<!tpu.dma_semaphore, #tpu.memory_space<semaphore_mem>>)
        %dma_wait3A_778 = arith.constant 0 : i32
        %dma_wait3A_779 = tpu.memref_slice %arg4[%add3A, %dma_wait3A_778] : memref<8x16xf32, #tpu.memory_space<hbm>> -> memref<1x16xf32, #tpu.memory_space<hbm>>
        %dma_wait3A_780 = tpu.memref_squeeze %dma_wait3A_779 : memref<1x16xf32, #tpu.memory_space<hbm>> -> memref<16xf32, #tpu.memory_space<hbm>>
        %dma_wait3A_781 = arith.constant 0 : i32
        %dma_wait3A_782 = tpu.memref_slice %arg4[%add3A, %dma_wait3A_781] : memref<8x16xf32, #tpu.memory_space<hbm>> -> memref<1x16xf32, #tpu.memory_space<hbm>>
        %dma_wait3A_783 = tpu.memref_squeeze %dma_wait3A_782 : memref<1x16xf32, #tpu.memory_space<hbm>> -> memref<16xf32, #tpu.memory_space<hbm>>
        tpu.wait_dma2 semaphore(%run_scoped3A : memref<!tpu.dma_semaphore, #tpu.memory_space<semaphore_mem>>) src(%arg9 : memref<16xf32, #tpu.memory_space<vmem>>) dst(%dma_wait3A_783 : memref<16xf32, #tpu.memory_space<hbm>>)
        tpu.yield
      }) : () -> ()
    } else {
    }
    return
  }
}

</mosaic_0001>

<sc_bundles>
// kernel: _sc_topk_hitrate.3.cloned.1.call-start
scs
__scs_entry_jumppad:
0x0: {  	(pc) =	sbr.rel $0x88, $3  }
0x1: {  	(tag) =	ssettag $0x0;
	lr =	simm.s32 $0x1  }
0x2: {  	[smem:$0x3F9F] =	sst lr;
	_ =	strace $0xD0000000  }
0x3: {  	_ = 	snop  }
0x4: {  	_ = 	snop  }
0x5: {  	_ = 	snop  }
0x6: {  	_ = 	snop  }
0x7: {  	_ = 	snop  }
__scs_overlays_trampoline_lowered:
0x8: {  	[smem:$0x3FAE] =	sst s0  }
0x9: {  	[smem:$0x3FAF] =	sst s1  }
0xa: {  	[smem:$0x3FB0] =	sst s2  }
0xb: {  	[smem:$0x3FB1] =	sst s3  }
0xc: {  	[smem:$0x3FB2] =	sst s4  }
0xd: {  	[smem:$0x3FB3] =	sst s5  }
0xe: {  	[smem:$0x3FB4] =	sst s6  }
0xf: {  	[smem:$0x3FB5] =	sst s7  }
0x10: {  	[smem:$0x3FB6] =	sst s8  }
0x11: {  	[smem:$0x3FB7] =	sst s9;
	s0 =	simm.s32 @!p0 $0x0  }
0x12: {  	s1 =	sld [smem:$0x3F9D];
	s0 =	simm.s32 @p0 $0x1  }
0x13: {  	[smem:$0x3FB8] =	sst s0;
	s0 =	simm.s32 @!p1 $0x0  }
0x14: {  	s2 =	sld [smem:$0x3F9C];
	s0 =	simm.s32 @p1 $0x1  }
0x15: {  	[smem:$0x3FB9] =	sst s0;
	s0 =	simm.s32 @!p2 $0x0  }
0x16: {  	s3 =	sld [smem:$0x3FDB];
	s0 =	simm.s32 @p2 $0x1  }
0x17: {  	s4 =	simm.s32 $0x1BF5;
	[smem:$0x3FBB] =	sst s0  }
0x18: {  	s0 =	sld [smem:$0x3F9E];
	_ =	swait.ge [sflag:s4], $0x0  }
0x19: {  	s7 =	sld [smem:$0x3F9F]  }
0x1a: {  	s8 =	sadd.s32 $0xFFFFE003, lr  }
0x1b: {  	s9 =	sadd.s32 $0xFFFFFEF7, lr;
	s5 =	simm.s32 $0xFFFFFFFF;
	p2 =	slt.u32 s8, $0xFFFFF086  }
0x1c: {  	p1 =	slt.u32 s9, $0xF7A;
	s5 =	simm.s32 @!p2 $0x0  }
0x1d: {  	s5 =	simm.s32 @p1 $0x1;
	p0 =	seq.s32 s7, s2  }
0x1e: {  	s7 =	smul.u32 @!p0 $0xF7A, s2;
	p2 =	seq.s32 @!p0 s5, $0x0  }
0x1f: {  	s9 =	smul.u32 $0xF7A, s1;
	s8 =	simm.s32 @!p0 $0x1BF5;
	p2 =	por !p2, p0  }
0x20: {  	[sflag:s8] =	ssyncset.s32 @!p0 $0xFFFFF086;
	s6 =	sadd.s32 @!p0 s3, s7;
	s7 =	simm.s32 @!p0 $0x108  }
0x21: {  	s3 =	sadd.s32 s3, s9;
	s6 =	sadd.s32 @!p0 $0x88, s6;
	s7 =	simm.s32 @p2 $0x1082  }
0x22: {  	[simem:s7], [sflag:s8] =	dma.local @!p0 [hbm:s6], $0xF7A  }
0x23: {  	s9 =	sor.u32 $0xD0000000, s2;
	s6 =	simm.s32 $0x108;
	_ =	swait.ge @!p0 [sflag:s8], $0x0  }
0x24: {  	s3 =	sadd.s32 $0x88, s3;
	s6 =	simm.s32 @!p1 $0x1082;
	[sflag:s4] =	ssyncset.s32 $0xFFFFF086  }
0x25: {  	[simem:s6], [sflag:s4] =	dma.local [hbm:s3], $0xF7A  }
0x26: {  	[smem:$0x3F9F] =	sst s1;
	(tag) =	ssettag s2;
	_ =	strace s9  }
0x27: {  	s1 =	sld [smem:$0x3FAF]  }
0x28: {  	s2 =	sld [smem:$0x3FB0]  }
0x29: {  	s4 =	sld [smem:$0x3FB2]  }
0x2a: {  	p0 =	seq.s32 s5, $0x0;
	s5 =	sld [smem:$0x3FB3]  }
0x2b: {  	s6 =	sld [smem:$0x3FB4]  }
0x2c: {  	s7 =	sld [smem:$0x3FB5]  }
0x2d: {  	s3 =	simm.s32 $0x108;
	s8 =	sld [smem:$0x3FB6]  }
0x2e: {  	s3 =	simm.s32 @!p0 $0x1082;
	s9 =	sld [smem:$0x3FB7]  }
0x2f: {  	lr =	sadd.s32 s0, s3;
	s0 =	sld [smem:$0x3FAE]  }
0x30: {  	s3 =	sld [smem:$0x3FB1]  }
0x31: {  	[smem:$0x3FBA] =	sst s10  }
0x32: {  	s10 =	sld [smem:$0x3FB8];
	_ =	sdelay $0x3  }
0x33: {  	p0 =	seq.s32 s10, $0x1;
	s10 =	sld [smem:$0x3FBA];
	_ =	sdelay $0x3  }
0x34: {  	[smem:$0x3FBA] =	sst s10  }
0x35: {  	s10 =	sld [smem:$0x3FB9];
	_ =	sdelay $0x3  }
0x36: {  	p1 =	seq.s32 s10, $0x1;
	s10 =	sld [smem:$0x3FBA];
	_ =	sdelay $0x3  }
0x37: {  	[smem:$0x3FBA] =	sst s10  }
0x38: {  	s10 =	sld [smem:$0x3FBB]  }
0x39: {  	_ = 	snop;
	(pc) =	sbr.ind lr, $3  }
0x3a: {  	_ = 	snop  }
0x3b: {  	_ = 	snop  }
0x3c: {  	p2 =	seq.s32 s10, $0x1;
	s10 =	sld [smem:$0x3FBA]  }
0x3d: {  	_ =	shalt  }
0x3e: {  	_ =	shalt  }
0x3f: {  	_ =	shalt  }
0x40: {  	_ =	shalt  }
0x41: {  	_ =	shalt  }
0x42: {  	_ =	shalt  }
0x43: {  	_ =	shalt  }
0x44: {  	_ =	shalt  }
0x45: {  	_ =	shalt  }
0x46: {  	_ =	shalt  }
0x47: {  	_ =	shalt  }
0x48: {  	_ =	shalt  }
0x49: {  	_ =	shalt  }
0x4a: {  	_ =	shalt  }
0x4b: {  	_ =	shalt  }
0x4c: {  	_ =	shalt  }
0x4d: {  	_ =	shalt  }
0x4e: {  	_ =	shalt  }
0x4f: {  	_ =	shalt  }
0x50: {  	_ =	shalt  }
0x51: {  	_ =	shalt  }
0x52: {  	_ =	shalt  }
0x53: {  	_ =	shalt  }
0x54: {  	_ =	shalt  }
0x55: {  	_ =	shalt  }
0x56: {  	_ =	shalt  }
0x57: {  	_ =	shalt  }
0x58: {  	_ =	shalt  }
0x59: {  	_ =	shalt  }
0x5a: {  	_ =	shalt  }
0x5b: {  	_ =	shalt  }
0x5c: {  	_ =	shalt  }
0x5d: {  	_ =	shalt  }
0x5e: {  	_ =	shalt  }
0x5f: {  	_ =	shalt  }
0x60: {  	_ =	shalt  }
0x61: {  	_ =	shalt  }
0x62: {  	_ =	shalt  }
0x63: {  	_ =	shalt  }
0x64: {  	_ =	shalt  }
0x65: {  	_ =	shalt  }
0x66: {  	_ =	shalt  }
0x67: {  	_ =	shalt  }
0x68: {  	_ =	shalt  }
0x69: {  	_ =	shalt  }
0x6a: {  	_ =	shalt  }
0x6b: {  	_ =	shalt  }
0x6c: {  	_ =	shalt  }
0x6d: {  	_ =	shalt  }
0x6e: {  	_ =	shalt  }
0x6f: {  	_ =	shalt  }
0x70: {  	_ =	shalt  }
0x71: {  	_ =	shalt  }
0x72: {  	_ =	shalt  }
0x73: {  	_ =	shalt  }
0x74: {  	_ =	shalt  }
0x75: {  	_ =	shalt  }
0x76: {  	_ =	shalt  }
0x77: {  	_ =	shalt  }
0x78: {  	_ =	shalt  }
0x79: {  	_ =	shalt  }
0x7a: {  	_ =	shalt  }
0x7b: {  	_ =	shalt  }
0x7c: {  	_ =	shalt  }
0x7d: {  	_ =	shalt  }
0x7e: {  	_ =	shalt  }
0x7f: {  	_ =	shalt  }
0x80: {  	_ =	shalt  }
0x81: {  	_ =	shalt  }
0x82: {  	_ =	shalt  }
0x83: {  	_ =	shalt  }
0x84: {  	_ =	shalt  }
0x85: {  	_ =	shalt  }
0x86: {  	_ =	shalt  }
0x87: {  	_ =	shalt  }
.Lfunc_end0:
.L_simem_size_0:
called_computation_lowered:
.L_overlay_start_0:
0x88: {  	s2 =	sld [smem:$0x3FD9]  }
0x89: {  	s3 =	sld [smem:$0x3FFE];
	_ =	sdelay $0x1  }
0x8a: {  	s1 =	srdreg.scid  }
0x8b: {  	s0 =	sand.u32 $0x1, s1  }
0x8c: {  	s17 =	sshll.u32 s0, $0xA;
	s2 =	sadd.s32 s3, s2  }
0x8d: {  	s2 =	sadd.s32 s2, s17  }
0x8e: {  	[smem:$0x3FC6] =	sst s2  }
0x8f: {  	_ = 	snop  }
0x90: {  	s2 =	sld [smem:$0x3FC9]  }
0x91: {  	s18 =	sld [smem:$0x3FC8];
	(tm) =	ssettm $0x1  }
0x92: {  	s4 =	sld [smem:$0x3FFB];
	_ =	sdelay $0x3  }
0x93: {  	_ =	strace s4  }
0x94: {  	s4 =	sld [smem:$0x3FFC];
	_ =	sdelay $0x3  }
0x95: {  	_ =	strace s4  }
0x96: {  	s4 =	sld [smem:$0x3FFD];
	_ =	sdelay $0x3  }
0x97: {  	_ =	strace s4  }
0x98: {  	_ =	strace $0x8FFFFFFF  }
0x99: {  	s19 =	sld [smem:$0x3FDB];
	_ =	sdelay $0x1  }
0x9a: {  	s5 =	simm.s32 $_scs_section_size  }
0x9b: {  	s6 =	simm.s32 $_size__tile_overlayer_lowered;
	s7 =	simm.s32 $_tile_overlayer_lowered  }
0x9c: {  	s22 =	simm.s32 $0x1BFF;
	s21 =	sshll.u32 s7, $0x1;
	s4 =	sadd.s32 s5, s19  }
0x9d: {  	s8 =	simm.s32 $0x0;
	s20 =	sshll.u32 s6, $0x1;
	s6 =	sadd.s32 s21, s4  }
0x9e: {  	[timem:s8], [sflag:s22] =	dma.local [hbm:s6], s20  }
0x9f: {  	_ =	swait.ge [sflag:s22], s20  }
0xa0: {  	s5 =	ssub.s32 $0x0, s20;
	[sflag:s22] =	ssyncset.done $0x0  }
0xa1: {  	[sflag:s22] =	ssyncadd.s32 s5;
	_ =	sdelay $0x1  }
0xa2: {  	s23 =	simm.s32 $0x1B8B  }
0xa3: {  	_ =	swait.ge [sflag:s23], $0x1  }
0xa4: {  	[sflag:s23] =	ssyncset.done $0x0  }
0xa5: {  	s25 =	simm.s32 $0x1B8E;
	s24 =	sld [smem:$0x3FFE];
	[sflag:s23] =	ssyncadd.s32 $0xFFFFFFFF  }
0xa6: {  	s26 =	simm.s32 $execute0_lowered;
	[smem:$0x3FD2] =	sst s25  }
0xa7: {  	s6 =	sshll.u32 s26, $0x1;
	_ =	strace $0x80000046;
	[dreg:$0x1] =	wrdreg $0xFFFFFFFF  }
0xa8: {  	s28 =	simm.s32 $_size_execute0_lowered;
	s4 =	sadd.s32 s4, s6;
	[dreg:$0x0] =	wrdreg $0x0  }
0xa9: {  	s6 =	sshll.u32 s28, $0x1;
	[dreg:$0x2] =	wrdreg s4  }
0xaa: {  	[dreg:$0x3] =	wrdreg s6  }
0xab: {  	[dreg:$0x4] =	wrdreg $0xC0  }
0xac: {  	_ =	task [dreg:s8], $0x5FFFF  }
0xad: {  	[dreg:$0x1] =	wrdreg $0xFFFFFFFF  }
0xae: {  	[dreg:$0x0] =	wrdreg $0x60  }
0xaf: {  	[dreg:$0x2] =	wrdreg s2  }
0xb0: {  	[dreg:$0x3] =	wrdreg s18  }
0xb1: {  	[dreg:$0x4] =	wrdreg s24  }
0xb2: {  	[dreg:$0x5] =	wrdreg $0x181200  }
0xb3: {  	[dreg:$0x6] =	wrdreg $0x9  }
0xb4: {  	_ =	task.clear_ibuf [dreg:s8], $0x7FFFF;
	_ =	strace $0x90000046  }
0xb5: {  	s29 =	simm.s32 $0x9;
	_ =	strace $0x80000048  }
0xb6: {  	_ =	swait.ge [sflag:s29], $0x1  }
0xb7: {  	[sflag:s29] =	ssyncadd.s32 $0xFFFFFFFF  }
0xb8: {  	_ =	strace $0x90000048  }
0xb9: {  	_ =	sfence  }
0xba: {  	s30 =	sld [smem:$0x0];
	_ =	sdelay $0x2  }
0xbb: {  	s31 =	sshll.u32 s1, $0xD;
	s1 =	sshrl.u32 s1, $0x2  }
0xbc: {  	s3 =	sand.u32 $0x4000, s31;
	s1 =	sadd.s32 s1, s30  }
0xbd: {  	s0 =	sor.u32 s3, s0;
	s1 =	sshll.u32 s1, $0x11  }
0xbe: {  	s0 =	sor.u32 s1, s0  }
0xbf: {  	s0 =	sadd.s32 $0x8F2B, s0  }
0xc0: {  	[sflag:s0] =	ssyncadd.remote.s32 $0x1  }
0xc1: {  	_ =	sfence.sel $0xFFFF  }
0xc2: {  	[dreg:$0x0] =	wrdreg $0xFFFFFFFF;
	(pc) =	sbr.abs _section_cstart, $3  }
0xc3: {  	[dreg:$0x1] =	wrdreg $0xFFFFFFFF  }
0xc4: {  	_ =	task.clear_ibuf [dreg:s8], $0x2FFFF;
	_ =	strace $0x9FFFFFFF  }
0xc5: {  	(tm) =	ssettm $0x7FFFFFFF  }
tec
execute0_lowered:
.L_overlay_start_1:
0x0: {  	(tag) =	ssettag $0x1  }
0x1: {  	s0 =	rddreg [dreg:$0x0]  }
0x2: {  	s1 =	rddreg [dreg:$0x1]  }
0x3: {  	s2 =	rddreg [dreg:$0x2]  }
0x4: {  	s16 =	rddreg [dreg:$0x3]  }
0x5: {  	s3 =	srdreg.scid;
	s6 =	stileid.u32  }
0x6: {  	s7 =	simm.s32 $0x0;
	s28 =	simm.s32 $0x12000;
	s29 =	simm.s32 $0x14000  }
0x7: {  	s30 =	simm.s32 $0x1;
	s31 =	simm.s32 $0x2;
	s3 =	sand.u32 $0x1, s3  }
0x8: {  	s5 =	sshrl.u32 s6, $0x2;
	[smem:$0x7FF] =	sst s7;
	s4 =	sshll.u32 s3, $0x2  }
0x9: {  	s3 =	ssub.s32 $0x2, s3;
	_ =	strace $0x80000047;
	s4 =	sor.u32 s5, s4  }
0xa: {  	s5 =	sand.u32 $0x3, s6;
	s8 =	sshrl.u32 s3, $0x1;
	s14 =	sshll.u32 s4, $0x1  }
0xb: {  	s15 =	sshll.u32 s5, $0x10;
	s3 =	ssub.s32 s3, s8;
	s26 =	sshll.u32 s4, $0xC  }
0xc: {  	p0 =	sne.s32 s5, $0x0;
	s5 =	simm.s32 $0x0;
	s7 =	sor.u32 s15, s14  }
0xd: {  	s2 =	sadd.s32 s14, s2;
	s15 =	sshll.u32 s4, $0x8;
	s16 =	sadd.s32 s26, s16  }
0xe: {  	s26 =	simm.s32 $0x10000;
	s4 =	simm.s32 $0x17000;
	s17 =	sor.u32 $0x2000, s7  }
0xf: {  	s20 =	sadd.s32 s0, s7;
	s22 =	sor.u32 $0x4000, s7;
	s23 =	sor.u32 $0x6000, s7  }
0x10: {  	s18 =	sor.u32 $0x8000, s7;
	s19 =	sor.u32 $0xA000, s7;
	s12 =	sadd.s32 s1, s7  }
0x11: {  	[dreg:$0x5] =	wrdreg s20;
	s21 =	sadd.s32 s0, s17;
	s9 =	sadd.s32 s0, s22  }
0x12: {  	s10 =	sadd.s32 s0, s23;
	s24 =	sadd.s32 s0, s18;
	s25 =	sadd.s32 s0, s19  }
0x13: {  	s20 =	sor.u32 $0xC000, s7;
	s13 =	sadd.s32 s1, s17;
	[dreg:$0x6] =	wrdreg s21  }
0x14: {  	s14 =	sadd.s32 s1, s22;
	s17 =	sadd.s32 s1, s23;
	[dreg:$0x7] =	wrdreg s9  }
0x15: {  	s18 =	sadd.s32 s1, s18;
	s19 =	sadd.s32 s1, s19;
	[dreg:$0x8] =	wrdreg s10  }
0x16: {  	s22 =	sadd.s32 $0x400, s2;
	s23 =	smax.u32 s3, $0x1;
	[dreg:$0x9] =	wrdreg s24  }
0x17: {  	s3 =	simm.s32 $0x18020;
	s2 =	simm.s32 $0x3;
	[dreg:$0xa] =	wrdreg s25  }
0x18: {  	v0 =	vimm.s32 $0x0;
	v1 =	vlaneseq.u32;
	s21 =	sor.u32 $0xE000, s7;
	s10 =	sadd.s32 s0, s20;
	s20 =	sadd.s32 s1, s20  }
0x19: {  	v2 =	vimm.s32 $0x10000;
	v3 =	vimm.s32 $0x7F;
	v4 =	vimm.s32 $0x40;
	s24 =	simm.s32 $0x10;
	s25 =	simm.s32 $0x80;
	s11 =	sadd.s32 s0, s21  }
0x1a: {  	v5 =	vimm.s32 $0x80;
	v6 =	vimm.s32 $0xFF;
	v7 =	vimm.s32 $0xC0;
	s21 =	sadd.s32 s1, s21;
	s0 =	simm.s32 $0x16000;
	s1 =	simm.s32 $0x100  }
.LBB2_1:
0x1b: {  	s6 =	simm.s32 $0x0;
	s7 =	rddreg [dreg:$0x5]  }
0x1c: {  	[tilespmem:s6], [sflag:$0x1] =	stream.strided.gather [hbm4b:s7+s24], $0x2000, s25, s24, $0x38;
	[tilespmem:$0x18920] =	vst v63  }
0x1d: {  	s8 =	rddreg [dreg:$0x6];
	s9 =	simm.s32 $0x2000  }
0x1e: {  	[tilespmem:s9], [sflag:$0x1] =	stream.strided.gather [hbm4b:s8+s24], $0x2000, s25, s24, $0x38;
	[tilespmem:$0x18920] =	vst v63  }
0x1f: {  	s8 =	rddreg [dreg:$0x7];
	s9 =	simm.s32 $0x4000  }
0x20: {  	[tilespmem:s9], [sflag:$0x1] =	stream.strided.gather [hbm4b:s8+s24], $0x2000, s25, s24, $0x38;
	[tilespmem:$0x18920] =	vst v63  }
0x21: {  	s8 =	rddreg [dreg:$0x8];
	s9 =	simm.s32 $0x6000  }
0x22: {  	[tilespmem:s9], [sflag:$0x1] =	stream.strided.gather [hbm4b:s8+s24], $0x2000, s25, s24, $0x38;
	[tilespmem:$0x18920] =	vst v63  }
0x23: {  	s8 =	rddreg [dreg:$0x9];
	s9 =	simm.s32 $0x8000  }
0x24: {  	[tilespmem:s9], [sflag:$0x1] =	stream.strided.gather [hbm4b:s8+s24], $0x2000, s25, s24, $0x38;
	[tilespmem:$0x18920] =	vst v63  }
0x25: {  	s8 =	rddreg [dreg:$0xa];
	s9 =	simm.s32 $0xA000  }
0x26: {  	[tilespmem:s9], [sflag:$0x1] =	stream.strided.gather [hbm4b:s8+s24], $0x2000, s25, s24, $0x38;
	[tilespmem:$0x18920] =	vst v63  }
0x27: {  	s8 =	simm.s32 $0xC000  }
0x28: {  	[tilespmem:s8], [sflag:$0x1] =	stream.strided.gather [hbm4b:s10+s24], $0x2000, s25, s24, $0x38;
	[tilespmem:$0x18920] =	vst v63  }
0x29: {  	s9 =	simm.s32 $0xE000  }
0x2a: {  	[tilespmem:s9], [sflag:$0x1] =	stream.strided.gather [hbm4b:s11+s24], $0x2000, s25, s24, $0x38;
	[tilespmem:$0x18920] =	vst v63  }
0x2b: {  	_ = 	snop  }
0x2c: {  	[tilespmem:s26], [sflag:$0x2] =	stream.strided.gather [hbm4b:s12+s24], $0x2000, s25, s24, $0x38;
	[tilespmem:$0x18920] =	vst v63  }
0x2d: {  	_ = 	snop  }
0x2e: {  	[tilespmem:s28], [sflag:$0x2] =	stream.strided.gather [hbm4b:s13+s24], $0x2000, s25, s24, $0x38;
	[tilespmem:$0x18920] =	vst v63  }
0x2f: {  	s6 =	simm.s32 $0x16040  }
0x30: {  	[tilespmem:s29], [sflag:$0x2] =	stream.strided.gather [hbm4b:s14+s24], $0x2000, s25, s24, $0x38;
	[tilespmem:$0x18920] =	vst v63  }
0x31: {  	[tilespmem:s6+$0xFFFFFFC0] =	vst v0  }
0x32: {  	[tilespmem:s6+$0x30] =	vst v0  }
0x33: {  	[tilespmem:s6+$0x20] =	vst v0  }
0x34: {  	[tilespmem:s6+$0x10] =	vst v0  }
0x35: {  	[tilespmem:s6+$0x0] =	vst v0  }
0x36: {  	[tilespmem:s6+$0xFFFFFFF0] =	vst v0  }
0x37: {  	s7 =	simm.s32 $0x0;
	[tilespmem:s6+$0xFFFFFFE0] =	vst v0  }
.LBB2_2:
0x38: {  	s7 =	sadd.s32 $0x8, s7;
	[tilespmem:s6+$0xFFFFFFD0] =	vst v0;
	s6 =	sadd.s32 $0x80, s6  }
0x39: {  	[tilespmem:s6+$0xFFFFFFC0] =	vst v0;
	p1 =	slt.u32 s7, $0xF8  }
0x3a: {  	[tilespmem:s6+$0x30] =	vst v0  }
.Ltmp0:
0x3b: {  	[tilespmem:s6+$0x20] =	vst v0;
	(pc) =	sbr.rel @p1 .LBB2_2-.Ltmp0, $4  }
0x3c: {  	[tilespmem:s6+$0x10] =	vst v0  }
0x3d: {  	[tilespmem:s6+$0x0] =	vst v0  }
0x3e: {  	[tilespmem:s6+$0xFFFFFFF0] =	vst v0  }
0x3f: {  	[tilespmem:s6+$0xFFFFFFE0] =	vst v0  }
0x40: {  	[tilespmem:s6+$0xFFFFFFD0] =	vst v0  }
0x41: {  	s6 =	simm.s32 $0x0;
	p1 =	por $0x1, $0x1;
	[tilespmem:$0x18000] =	vst v0  }
.LBB2_4:
0x42: {  	s7 =	sor.u32 s15, s6  }
0x43: {  	v8 =	vor.u32 s7, v1;
	s8 =	sor.u32 $0x10, s7  }
0x44: {  	s9 =	sor.u32 $0x20, s7;
	[tilespmem:s6+$0x18020] =	vst v8;
	v8 =	vor.u32 s8, v1  }
0x45: {  	[tilespmem:s6+$0x18030] =	vst v8;
	v8 =	vor.u32 s9, v1;
	s9 =	sor.u32 $0x30, s7  }
0x46: {  	p2 =	por p1, p1;
	[tilespmem:s6+$0x18040] =	vst v8;
	v8 =	vor.u32 s9, v1;
	s9 =	sor.u32 $0x40, s7  }
.Ltmp1:
0x47: {  	[tilespmem:s6+$0x18050] =	vst v8;
	v8 =	vor.u32 s9, v1;
	s9 =	sor.u32 $0x50, s7;
	(pc) =	sbr.rel @p2 .LBB2_4-.Ltmp1, $4  }
0x48: {  	[tilespmem:s6+$0x18060] =	vst v8;
	v8 =	vor.u32 s9, v1;
	s9 =	sor.u32 $0x60, s7  }
0x49: {  	s7 =	sor.u32 $0x70, s7;
	[tilespmem:s6+$0x18070] =	vst v8;
	v8 =	vor.u32 s9, v1  }
0x4a: {  	[tilespmem:s6+$0x18080] =	vst v8;
	v8 =	vor.u32 s7, v1  }
0x4b: {  	p1 =	por $0x0, $0x0;
	[tilespmem:s6+$0x18090] =	vst v8;
	s6 =	simm.s32 $0x80  }
0x4c: {  	s6 =	simm.s32 @!p0 $0x16000  }
0x4d: {  	[spmem:s16] =	stream.linear.scatter @!p0 [tilespmem:s6], [sflag:$0x3], $0x1000, $0x38;
	[tilespmem:$0x18920] =	vst v63  }
0x4e: {  	s6 =	simm.s32 @!p0 $0x3  }
0x4f: {  	_ =	swait.ge @!p0 [sflag:s6], $0x1000  }
0x50: {  	[sflag:s6] =	ssyncset.done @!p0 $0x0  }
0x51: {  	[sflag:s6] =	ssyncadd.s32 @!p0 $0xFFFFF000  }
0x52: {  	_ =	swait.ge [sflag:s30], $0x2000  }
0x53: {  	[sflag:s30] =	ssyncset.done $0x0  }
0x54: {  	[sflag:s30] =	ssyncadd.s32 $0xFFFFE000  }
0x55: {  	_ =	swait.ge [sflag:s31], $0x2000  }
0x56: {  	[sflag:s31] =	ssyncset.done $0x0  }
0x57: {  	s6 =	simm.s32 $0x20;
	[sflag:s31] =	ssyncadd.s32 $0xFFFFE000  }
0x58: {  	v8 =	vld [tilespmem:s6+$0x10]  }
0x59: {  	v9 =	vld [tilespmem:s6+$0xFFFFFFF0]  }
0x5a: {  	s7 =	simm.s32 $0x10020;
	v10 =	vld [tilespmem:s6+$0x0]  }
0x5b: {  	v14 =	vld [tilespmem:s7+$0x10]  }
0x5c: {  	v11 =	vld [tilespmem:s6+$0xFFFFFFE0];
	_ =	sdelay $0x1  }
0x5d: {  	v16 =	vld [tilespmem:s7+$0xFFFFFFE0];
	v12 =	vshra.s32 v8, $0x1F  }
0x5e: {  	v18 =	vld [tilespmem:s7+$0xFFFFFFF0];
	v13 =	vshra.s32 v9, $0x1F;
	v15 =	vshra.s32 v10, $0x1F;
	v12 =	vor.u32 $0x80000000, v12  }
0x5f: {  	vm3 =	vgt.f32 v14, $0.0e+00;
	v13 =	vor.u32 $0x80000000, v13;
	v17 =	vxor.u32 v8, v12  }
0x60: {  	v8 =	vshra.s32 v11, $0x1F;
	v12 =	vor.u32 $0x80000000, v15;
	v15 =	vshrl.u32 v17, $0x14  }
0x61: {  	v14 =	vld [tilespmem:s7+$0x0];
	v19 =	vor.u32 $0x80000000, v8;
	v8 =	vxor.u32 v9, v13;
	v13 =	vand.u32 $0xFF0, v15  }
0x62: {  	v9 =	vxor.u32 v10, v12;
	v10 =	vor.u32 v1, v13  }
0x63: {  	vm1 =	vgt.f32 v16, $0.0e+00;
	vm0 =	vgt.f32 v18, $0.0e+00;
	v17 =	vand.u32 $0xFFFFFFFE, v17  }
0x64: {  	v11 =	vxor.u32 v11, v19;
	v12 =	vshrl.u32 v8, $0x14;
	v19 =	vsel vm3, $0x1, v0  }
0x65: {  	s8 =	simm.s32 $0x0;
	s9 =	simm.s32 $0x60;
	v15 =	vshrl.u32 v11, $0x14;
	v13 =	vshrl.u32 v9, $0x14;
	v16 =	vor.u32 v19, v17  }
.LBB2_6:
0x66: {  	v17 =	vld [tilespmem:s9+$0x10];
	v15 =	vand.u32 $0xFF0, v15;
	vm2 =	vgt.f32 v14, $0.0e+00;
	[tilespmem:s6+$0x10] =	vst v16;
	v14 =	vsel vm3, $0x10001, v2  }
0x67: {  	s8 =	sadd.s32 $0x4, s8;
	v11 =	vand.u32 $0xFFFFFFFE, v11;
	v12 =	vand.u32 $0xFF0, v12;
	v13 =	vand.u32 $0xFF0, v13;
	[tilespmem:v10+s0+$0x0] =	vst.idx.add.s32.msk $0xffff, v14  }
0x68: {  	v8 =	vand.u32 $0xFFFFFFFE, v8;
	v9 =	vand.u32 $0xFFFFFFFE, v9;
	p1 =	slt.u32 s8, $0x1FC;
	v14 =	vsel vm1, $0x1, v0;
	v10 =	vld [tilespmem:s9+$0xFFFFFFF0]  }
0x69: {  	v18 =	vor.u32 v1, v15;
	v15 =	vsel vm0, $0x1, v0;
	v19 =	vsel vm2, $0x1, v0;
	v16 =	vld [tilespmem:s9+$0x0]  }
0x6a: {  	v21 =	vor.u32 v1, v12;
	v22 =	vor.u32 v1, v13;
	v11 =	vor.u32 v14, v11;
	v20 =	vld [tilespmem:s9+$0xFFFFFFE0]  }
0x6b: {  	v13 =	vsel vm1, $0x10001, v2;
	v8 =	vor.u32 v15, v8;
	v9 =	vor.u32 v19, v9;
	[tilespmem:s6+$0xFFFFFFE0] =	vst v11  }
0x6c: {  	s7 =	sadd.s32 $0x40, s7;
	v23 =	vsel vm2, $0x10001, v2;
	v19 =	vsel vm0, $0x10001, v2;
	v11 =	vshra.s32 v17, $0x1F;
	[tilespmem:s6+$0xFFFFFFF0] =	vst v8  }
0x6d: {  	v11 =	vor.u32 $0x80000000, v11;
	v8 =	vshra.s32 v10, $0x1F;
	v24 =	vld [tilespmem:s7+$0x10];
	[tilespmem:s6+$0x0] =	vst v9;
	s6 =	smov.u32 s9  }
0x6e: {  	v17 =	vxor.u32 v17, v11;
	v25 =	vld [tilespmem:s7+$0xFFFFFFE0];
	v8 =	vor.u32 $0x80000000, v8;
	v9 =	vshra.s32 v16, $0x1F  }
0x6f: {  	v12 =	vshrl.u32 v17, $0x14;
	v11 =	vshra.s32 v20, $0x1F;
	v26 =	vld [tilespmem:s7+$0xFFFFFFF0];
	v9 =	vor.u32 $0x80000000, v9  }
.Ltmp2:
0x70: {  	v8 =	vxor.u32 v10, v8;
	v10 =	vand.u32 $0xFF0, v12;
	v11 =	vor.u32 $0x80000000, v11;
	v14 =	vld [tilespmem:s7+$0x0];
	(pc) =	sbr.rel @p1 .LBB2_6-.Ltmp2, $4  }
0x71: {  	v9 =	vxor.u32 v16, v9;
	v10 =	vor.u32 v1, v10;
	v11 =	vxor.u32 v20, v11  }
0x72: {  	v12 =	vshrl.u32 v8, $0x14;
	v15 =	vshrl.u32 v11, $0x14;
	vm3 =	vgt.f32 v24, $0.0e+00;
	[tilespmem:v18+s0+$0x0] =	vst.idx.add.s32.msk $0xffff, v13  }
0x73: {  	v16 =	vand.u32 $0xFFFFFFFE, v17;
	v13 =	vshrl.u32 v9, $0x14;
	v17 =	vsel vm3, $0x1, v0;
	[tilespmem:v21+s0+$0x0] =	vst.idx.add.s32.msk $0xffff, v19  }
0x74: {  	s9 =	sadd.s32 $0x40, s9;
	vm1 =	vgt.f32 v25, $0.0e+00;
	vm0 =	vgt.f32 v26, $0.0e+00;
	v16 =	vor.u32 v17, v16;
	[tilespmem:v22+s0+$0x0] =	vst.idx.add.s32.msk $0xffff, v23  }
0x75: {  	v15 =	vand.u32 $0xFF0, v15  }
0x76: {  	vm2 =	vgt.f32 v14, $0.0e+00;
	v14 =	vsel vm3, $0x10001, v2;
	v11 =	vand.u32 $0xFFFFFFFE, v11  }
0x77: {  	v12 =	vand.u32 $0xFF0, v12;
	v13 =	vand.u32 $0xFF0, v13;
	v17 =	vsel vm1, $0x1, v0  }
0x78: {  	[tilespmem:s6+$0x10] =	vst v16;
	v8 =	vand.u32 $0xFFFFFFFE, v8;
	v9 =	vand.u32 $0xFFFFFFFE, v9;
	v15 =	vor.u32 v1, v15  }
0x79: {  	[tilespmem:v10+s0+$0x0] =	vst.idx.add.s32.msk $0xffff, v14;
	v10 =	vsel vm0, $0x1, v0;
	v11 =	vor.u32 v17, v11;
	v12 =	vor.u32 v1, v12  }
0x7a: {  	v14 =	vsel vm2, $0x1, v0;
	v13 =	vor.u32 v1, v13;
	[tilespmem:s6+$0xFFFFFFE0] =	vst v11;
	v8 =	vor.u32 v10, v8  }
0x7b: {  	v9 =	vor.u32 v14, v9;
	[tilespmem:s6+$0xFFFFFFF0] =	vst v8  }
0x7c: {  	v8 =	vsel vm1, $0x10001, v2;
	[tilespmem:s6+$0x0] =	vst v9  }
0x7d: {  	v9 =	vsel vm0, $0x10001, v2;
	[tilespmem:v15+s0+$0x0] =	vst.idx.add.s32.msk $0xffff, v8  }
0x7e: {  	v8 =	vsel vm2, $0x10001, v2;
	[tilespmem:v12+s0+$0x0] =	vst.idx.add.s32.msk $0xffff, v9  }
0x7f: {  	[tilespmem:v13+s0+$0x0] =	vst.idx.add.s32.msk $0xffff, v8  }
0x80: {  	[tilespmem:s26], [sflag:$0x2] =	stream.strided.gather [hbm4b:s17+s24], $0x2000, s25, s24, $0x38;
	[tilespmem:$0x18920] =	vst v63  }
0x81: {  	_ =	swait.ge [sflag:s30], $0x2000  }
0x82: {  	[sflag:s30] =	ssyncset.done $0x0  }
0x83: {  	[sflag:s30] =	ssyncadd.s32 $0xFFFFE000  }
0x84: {  	_ =	swait.ge [sflag:s31], $0x2000  }
0x85: {  	[sflag:s31] =	ssyncset.done $0x0  }
0x86: {  	s6 =	simm.s32 $0x2030;
	[sflag:s31] =	ssyncadd.s32 $0xFFFFE000  }
0x87: {  	v8 =	vld [tilespmem:s6+$0x0]  }
0x88: {  	v9 =	vld [tilespmem:s6+$0xFFFFFFE0]  }
0x89: {  	s7 =	simm.s32 $0x12030;
	v10 =	vld [tilespmem:s6+$0xFFFFFFF0]  }
0x8a: {  	v14 =	vld [tilespmem:s7+$0x0]  }
0x8b: {  	v11 =	vld [tilespmem:s6+$0xFFFFFFD0];
	_ =	sdelay $0x1  }
0x8c: {  	v16 =	vld [tilespmem:s7+$0xFFFFFFD0];
	v12 =	vshra.s32 v8, $0x1F  }
0x8d: {  	v18 =	vld [tilespmem:s7+$0xFFFFFFE0];
	v13 =	vshra.s32 v9, $0x1F;
	v15 =	vshra.s32 v10, $0x1F;
	v12 =	vor.u32 $0x80000000, v12  }
0x8e: {  	vm3 =	vgt.f32 v14, $0.0e+00;
	v13 =	vor.u32 $0x80000000, v13;
	v17 =	vxor.u32 v8, v12  }
0x8f: {  	v8 =	vshra.s32 v11, $0x1F;
	v12 =	vor.u32 $0x80000000, v15;
	v15 =	vshrl.u32 v17, $0x14  }
0x90: {  	v14 =	vld [tilespmem:s7+$0xFFFFFFF0];
	v19 =	vor.u32 $0x80000000, v8;
	v8 =	vxor.u32 v9, v13;
	v13 =	vand.u32 $0xFF0, v15  }
0x91: {  	v9 =	vxor.u32 v10, v12;
	v10 =	vor.u32 v1, v13  }
0x92: {  	vm1 =	vgt.f32 v16, $0.0e+00;
	vm0 =	vgt.f32 v18, $0.0e+00;
	v17 =	vand.u32 $0xFFFFFFFE, v17  }
0x93: {  	v11 =	vxor.u32 v11, v19;
	v12 =	vshrl.u32 v8, $0x14;
	v19 =	vsel vm3, $0x1, v0  }
0x94: {  	s8 =	simm.s32 $0x0;
	s9 =	simm.s32 $0x2070;
	v15 =	vshrl.u32 v11, $0x14;
	v13 =	vshrl.u32 v9, $0x14;
	v16 =	vor.u32 v19, v17  }
.LBB2_8:
0x95: {  	v17 =	vld [tilespmem:s9+$0x0];
	v15 =	vand.u32 $0xFF0, v15;
	vm2 =	vgt.f32 v14, $0.0e+00;
	[tilespmem:s6+$0x0] =	vst v16;
	v14 =	vsel vm3, $0x10001, v2  }
0x96: {  	s8 =	sadd.s32 $0x4, s8;
	v11 =	vand.u32 $0xFFFFFFFE, v11;
	v12 =	vand.u32 $0xFF0, v12;
	v13 =	vand.u32 $0xFF0, v13;
	[tilespmem:v10+s0+$0x0] =	vst.idx.add.s32.msk $0xffff, v14  }
0x97: {  	v8 =	vand.u32 $0xFFFFFFFE, v8;
	v9 =	vand.u32 $0xFFFFFFFE, v9;
	p1 =	slt.u32 s8, $0x1FC;
	v14 =	vsel vm1, $0x1, v0;
	v10 =	vld [tilespmem:s9+$0xFFFFFFE0]  }
0x98: {  	v18 =	vor.u32 v1, v15;
	v15 =	vsel vm0, $0x1, v0;
	v19 =	vsel vm2, $0x1, v0;
	v16 =	vld [tilespmem:s9+$0xFFFFFFF0]  }
0x99: {  	v21 =	vor.u32 v1, v12;
	v22 =	vor.u32 v1, v13;
	v11 =	vor.u32 v14, v11;
	v20 =	vld [tilespmem:s9+$0xFFFFFFD0]  }
0x9a: {  	v13 =	vsel vm1, $0x10001, v2;
	v8 =	vor.u32 v15, v8;
	v9 =	vor.u32 v19, v9;
	[tilespmem:s6+$0xFFFFFFD0] =	vst v11  }
0x9b: {  	s7 =	sadd.s32 $0x40, s7;
	v23 =	vsel vm2, $0x10001, v2;
	v19 =	vsel vm0, $0x10001, v2;
	v11 =	vshra.s32 v17, $0x1F;
	[tilespmem:s6+$0xFFFFFFE0] =	vst v8  }
0x9c: {  	v11 =	vor.u32 $0x80000000, v11;
	v8 =	vshra.s32 v10, $0x1F;
	v24 =	vld [tilespmem:s7+$0x0];
	[tilespmem:s6+$0xFFFFFFF0] =	vst v9;
	s6 =	smov.u32 s9  }
0x9d: {  	v17 =	vxor.u32 v17, v11;
	v25 =	vld [tilespmem:s7+$0xFFFFFFD0];
	v8 =	vor.u32 $0x80000000, v8;
	v9 =	vshra.s32 v16, $0x1F  }
0x9e: {  	v12 =	vshrl.u32 v17, $0x14;
	v11 =	vshra.s32 v20, $0x1F;
	v26 =	vld [tilespmem:s7+$0xFFFFFFE0];
	v9 =	vor.u32 $0x80000000, v9  }
.Ltmp3:
0x9f: {  	v8 =	vxor.u32 v10, v8;
	v10 =	vand.u32 $0xFF0, v12;
	v11 =	vor.u32 $0x80000000, v11;
	v14 =	vld [tilespmem:s7+$0xFFFFFFF0];
	(pc) =	sbr.rel @p1 .LBB2_8-.Ltmp3, $4  }
0xa0: {  	v9 =	vxor.u32 v16, v9;
	v10 =	vor.u32 v1, v10;
	v11 =	vxor.u32 v20, v11  }
0xa1: {  	v12 =	vshrl.u32 v8, $0x14;
	v15 =	vshrl.u32 v11, $0x14;
	vm3 =	vgt.f32 v24, $0.0e+00;
	[tilespmem:v18+s0+$0x0] =	vst.idx.add.s32.msk $0xffff, v13  }
0xa2: {  	v16 =	vand.u32 $0xFFFFFFFE, v17;
	v13 =	vshrl.u32 v9, $0x14;
	v17 =	vsel vm3, $0x1, v0;
	[tilespmem:v21+s0+$0x0] =	vst.idx.add.s32.msk $0xffff, v19  }
0xa3: {  	s9 =	sadd.s32 $0x40, s9;
	vm1 =	vgt.f32 v25, $0.0e+00;
	vm0 =	vgt.f32 v26, $0.0e+00;
	v16 =	vor.u32 v17, v16;
	[tilespmem:v22+s0+$0x0] =	vst.idx.add.s32.msk $0xffff, v23  }
0xa4: {  	v15 =	vand.u32 $0xFF0, v15  }
0xa5: {  	vm2 =	vgt.f32 v14, $0.0e+00;
	v14 =	vsel vm3, $0x10001, v2;
	v11 =	vand.u32 $0xFFFFFFFE, v11  }
0xa6: {  	v12 =	vand.u32 $0xFF0, v12;
	v13 =	vand.u32 $0xFF0, v13;
	v17 =	vsel vm1, $0x1, v0  }
0xa7: {  	[tilespmem:s6+$0x0] =	vst v16;
	v8 =	vand.u32 $0xFFFFFFFE, v8;
	v9 =	vand.u32 $0xFFFFFFFE, v9;
	v15 =	vor.u32 v1, v15  }
0xa8: {  	[tilespmem:v10+s0+$0x0] =	vst.idx.add.s32.msk $0xffff, v14;
	v10 =	vsel vm0, $0x1, v0;
	v11 =	vor.u32 v17, v11;
	v12 =	vor.u32 v1, v12  }
0xa9: {  	v14 =	vsel vm2, $0x1, v0;
	v13 =	vor.u32 v1, v13;
	[tilespmem:s6+$0xFFFFFFD0] =	vst v11;
	v8 =	vor.u32 v10, v8  }
0xaa: {  	v9 =	vor.u32 v14, v9;
	[tilespmem:s6+$0xFFFFFFE0] =	vst v8  }
0xab: {  	v8 =	vsel vm1, $0x10001, v2;
	[tilespmem:s6+$0xFFFFFFF0] =	vst v9  }
0xac: {  	v9 =	vsel vm0, $0x10001, v2;
	[tilespmem:v15+s0+$0x0] =	vst.idx.add.s32.msk $0xffff, v8  }
0xad: {  	v8 =	vsel vm2, $0x10001, v2;
	[tilespmem:v12+s0+$0x0] =	vst.idx.add.s32.msk $0xffff, v9  }
0xae: {  	[tilespmem:v13+s0+$0x0] =	vst.idx.add.s32.msk $0xffff, v8  }
0xaf: {  	[tilespmem:s28], [sflag:$0x2] =	stream.strided.gather [hbm4b:s18+s24], $0x2000, s25, s24, $0x38;
	[tilespmem:$0x18920] =	vst v63  }
0xb0: {  	_ =	swait.ge [sflag:s30], $0x2000  }
0xb1: {  	[sflag:s30] =	ssyncset.done $0x0  }
0xb2: {  	[sflag:s30] =	ssyncadd.s32 $0xFFFFE000  }
0xb3: {  	_ =	swait.ge [sflag:s31], $0x2000  }
0xb4: {  	[sflag:s31] =	ssyncset.done $0x0  }
0xb5: {  	s6 =	simm.s32 $0x0;
	[sflag:s31] =	ssyncadd.s32 $0xFFFFE000  }
0xb6: {  	v8 =	vld [tilespmem:s6+$0x4030]  }
0xb7: {  	v9 =	vld [tilespmem:s6+$0x4000]  }
0xb8: {  	v10 =	vld [tilespmem:s6+$0x4010]  }
0xb9: {  	v12 =	vld [tilespmem:s6+$0x4020];
	_ =	sdelay $0x2  }
0xba: {  	v14 =	vld [tilespmem:s6+$0x14030];
	v11 =	vshra.s32 v8, $0x1F  }
0xbb: {  	v13 =	vshra.s32 v9, $0x1F;
	v15 =	vshra.s32 v10, $0x1F;
	v11 =	vor.u32 $0x80000000, v11  }
0xbc: {  	v13 =	vor.u32 $0x80000000, v13;
	v18 =	vxor.u32 v8, v11;
	v8 =	vshra.s32 v12, $0x1F  }
0xbd: {  	v15 =	vor.u32 $0x80000000, v15;
	v11 =	vxor.u32 v9, v13;
	v13 =	vor.u32 $0x80000000, v8;
	v8 =	vld [tilespmem:s6+$0x14000]  }
0xbe: {  	v9 =	vxor.u32 v10, v15;
	v16 =	vshrl.u32 v18, $0x14;
	v10 =	vxor.u32 v12, v13;
	v12 =	vld [tilespmem:s6+$0x14010]  }
0xbf: {  	vm3 =	vgt.f32 v14, $0.0e+00;
	v14 =	vld [tilespmem:s6+$0x14020];
	v16 =	vand.u32 $0xFF0, v16  }
0xc0: {  	v13 =	vor.u32 v1, v16  }
0xc1: {  	v19 =	vsel vm3, $0x1, v0;
	v17 =	vshrl.u32 v11, $0x14  }
0xc2: {  	s7 =	simm.s32 $0x0;
	s8 =	simm.s32 $0x100;
	v15 =	vshrl.u32 v9, $0x14;
	v18 =	vand.u32 $0xFFFFFFFE, v18;
	v16 =	vshrl.u32 v10, $0x14  }
.LBB2_10:
0xc3: {  	s9 =	sshra.s32 s8, $0x2;
	vm2 =	vgt.f32 v8, $0.0e+00;
	vm0 =	vgt.f32 v12, $0.0e+00;
	v8 =	vor.u32 v19, v18  }
0xc4: {  	s7 =	sadd.s32 $0x4, s7;
	v12 =	vand.u32 $0xFF0, v17;
	vm1 =	vgt.f32 v14, $0.0e+00;
	v18 =	vld [tilespmem:s9+$0x4030];
	[tilespmem:s6+$0x4030] =	vst v8;
	v8 =	vsel vm3, $0x10001, v2  }
0xc5: {  	v11 =	vand.u32 $0xFFFFFFFE, v11;
	v14 =	vand.u32 $0xFF0, v15;
	v15 =	vand.u32 $0xFF0, v16;
	p1 =	slt.u32 s7, $0x1FC;
	[tilespmem:v13+s0+$0x0] =	vst.idx.add.s32.msk $0xffff, v8  }
0xc6: {  	v9 =	vand.u32 $0xFFFFFFFE, v9;
	v10 =	vand.u32 $0xFFFFFFFE, v10;
	v8 =	vsel vm2, $0x1, v0;
	v13 =	vld [tilespmem:s9+$0x4000]  }
0xc7: {  	v17 =	vor.u32 v1, v12;
	v12 =	vsel vm0, $0x1, v0;
	v19 =	vsel vm1, $0x1, v0;
	v16 =	vld [tilespmem:s9+$0x4010]  }
0xc8: {  	v21 =	vor.u32 v1, v14;
	v22 =	vor.u32 v1, v15;
	v11 =	vor.u32 v8, v11;
	v20 =	vld [tilespmem:s9+$0x4020]  }
0xc9: {  	v9 =	vor.u32 v12, v9;
	v10 =	vor.u32 v19, v10;
	v8 =	vld [tilespmem:s9+$0x14000];
	[tilespmem:s6+$0x4000] =	vst v11;
	v11 =	vsel vm2, $0x10001, v2  }
0xca: {  	v19 =	vsel vm1, $0x10001, v2;
	v14 =	vshra.s32 v18, $0x1F;
	v12 =	vld [tilespmem:s9+$0x14010];
	[tilespmem:s6+$0x4010] =	vst v9;
	v9 =	vsel vm0, $0x10001, v2  }
0xcb: {  	v23 =	vor.u32 $0x80000000, v14;
	v15 =	vshra.s32 v13, $0x1F;
	v24 =	vld [tilespmem:s9+$0x14030];
	[tilespmem:s6+$0x4020] =	vst v10;
	s6 =	smov.u32 s9  }
0xcc: {  	v18 =	vxor.u32 v18, v23;
	v10 =	vor.u32 $0x80000000, v15;
	v15 =	vshra.s32 v16, $0x1F;
	v14 =	vld [tilespmem:s6+$0x14020]  }
.Ltmp4:
0xcd: {  	v25 =	vshrl.u32 v18, $0x14;
	v15 =	vor.u32 $0x80000000, v15;
	v23 =	vshra.s32 v20, $0x1F;
	[tilespmem:v17+s0+$0x0] =	vst.idx.add.s32.msk $0xffff, v11;
	(pc) =	sbr.rel @p1 .LBB2_10-.Ltmp4, $4  }
0xce: {  	v11 =	vxor.u32 v13, v10;
	v13 =	vand.u32 $0xFF0, v25;
	v10 =	vor.u32 $0x80000000, v23;
	[tilespmem:v21+s0+$0x0] =	vst.idx.add.s32.msk $0xffff, v9  }
0xcf: {  	v9 =	vxor.u32 v16, v15;
	v13 =	vor.u32 v1, v13;
	v10 =	vxor.u32 v20, v10  }
0xd0: {  	v17 =	vshrl.u32 v11, $0x14;
	v15 =	vshrl.u32 v9, $0x14;
	vm3 =	vgt.f32 v24, $0.0e+00;
	[tilespmem:v22+s0+$0x0] =	vst.idx.add.s32.msk $0xffff, v19  }
0xd1: {  	s8 =	sadd.s32 $0x100, s8;
	v18 =	vand.u32 $0xFFFFFFFE, v18;
	v16 =	vshrl.u32 v10, $0x14;
	v19 =	vsel vm3, $0x1, v0  }
0xd2: {  	vm0 =	vgt.f32 v8, $0.0e+00  }
0xd3: {  	vm1 =	vgt.f32 v12, $0.0e+00;
	v8 =	vor.u32 v19, v18;
	v12 =	vand.u32 $0xFF0, v17  }
0xd4: {  	vm2 =	vgt.f32 v14, $0.0e+00;
	v14 =	vsel vm3, $0x10001, v2;
	v11 =	vand.u32 $0xFFFFFFFE, v11  }
0xd5: {  	v15 =	vand.u32 $0xFF0, v15;
	v16 =	vand.u32 $0xFF0, v16;
	v17 =	vsel vm0, $0x1, v0  }
0xd6: {  	[tilespmem:s6+$0x4030] =	vst v8;
	v8 =	vand.u32 $0xFFFFFFFE, v9;
	v9 =	vand.u32 $0xFFFFFFFE, v10;
	v10 =	vor.u32 v1, v12  }
0xd7: {  	v12 =	vsel vm1, $0x1, v0;
	[tilespmem:v13+s0+$0x0] =	vst.idx.add.s32.msk $0xffff, v14;
	v11 =	vor.u32 v17, v11;
	v13 =	vor.u32 v1, v15  }
0xd8: {  	v14 =	vsel vm2, $0x1, v0;
	v15 =	vor.u32 v1, v16;
	v8 =	vor.u32 v12, v8;
	[tilespmem:s6+$0x4000] =	vst v11  }
0xd9: {  	v9 =	vor.u32 v14, v9;
	[tilespmem:s6+$0x4010] =	vst v8  }
0xda: {  	v8 =	vsel vm0, $0x10001, v2;
	[tilespmem:s6+$0x4020] =	vst v9  }
0xdb: {  	v9 =	vsel vm1, $0x10001, v2;
	[tilespmem:v10+s0+$0x0] =	vst.idx.add.s32.msk $0xffff, v8  }
0xdc: {  	v8 =	vsel vm2, $0x10001, v2;
	[tilespmem:v13+s0+$0x0] =	vst.idx.add.s32.msk $0xffff, v9  }
0xdd: {  	[tilespmem:v15+s0+$0x0] =	vst.idx.add.s32.msk $0xffff, v8  }
0xde: {  	[tilespmem:s29], [sflag:$0x2] =	stream.strided.gather [hbm4b:s19+s24], $0x2000, s25, s24, $0x38;
	[tilespmem:$0x18920] =	vst v63  }
0xdf: {  	_ =	swait.ge [sflag:s30], $0x2000  }
0xe0: {  	[sflag:s30] =	ssyncset.done $0x0  }
0xe1: {  	[sflag:s30] =	ssyncadd.s32 $0xFFFFE000  }
0xe2: {  	_ =	swait.ge [sflag:s31], $0x2000  }
0xe3: {  	[sflag:s31] =	ssyncset.done $0x0  }
0xe4: {  	s6 =	simm.s32 $0x6000;
	[sflag:s31] =	ssyncadd.s32 $0xFFFFE000  }
0xe5: {  	v8 =	vld [tilespmem:s6+$0x30]  }
0xe6: {  	v9 =	vld [tilespmem:s6+$0x10]  }
0xe7: {  	s7 =	simm.s32 $0x10020;
	v10 =	vld [tilespmem:s6+$0x20]  }
0xe8: {  	v14 =	vld [tilespmem:s7+$0x10]  }
0xe9: {  	v11 =	vld [tilespmem:s6+$0x0];
	_ =	sdelay $0x1  }
0xea: {  	v16 =	vld [tilespmem:s7+$0xFFFFFFE0];
	v12 =	vshra.s32 v8, $0x1F  }
0xeb: {  	v18 =	vld [tilespmem:s7+$0xFFFFFFF0];
	v13 =	vshra.s32 v9, $0x1F;
	v15 =	vshra.s32 v10, $0x1F;
	v12 =	vor.u32 $0x80000000, v12  }
0xec: {  	vm3 =	vgt.f32 v14, $0.0e+00;
	v13 =	vor.u32 $0x80000000, v13;
	v17 =	vxor.u32 v8, v12  }
0xed: {  	v8 =	vshra.s32 v11, $0x1F;
	v12 =	vor.u32 $0x80000000, v15;
	v15 =	vshrl.u32 v17, $0x14  }
0xee: {  	v14 =	vld [tilespmem:s7+$0x0];
	v19 =	vor.u32 $0x80000000, v8;
	v8 =	vxor.u32 v9, v13;
	v13 =	vand.u32 $0xFF0, v15  }
0xef: {  	v9 =	vxor.u32 v10, v12;
	v10 =	vor.u32 v1, v13  }
0xf0: {  	vm1 =	vgt.f32 v16, $0.0e+00;
	vm0 =	vgt.f32 v18, $0.0e+00;
	v17 =	vand.u32 $0xFFFFFFFE, v17  }
0xf1: {  	v11 =	vxor.u32 v11, v19;
	v12 =	vshrl.u32 v8, $0x14;
	v19 =	vsel vm3, $0x1, v0  }
0xf2: {  	s8 =	simm.s32 $0x0;
	s9 =	simm.s32 $0x6040;
	v15 =	vshrl.u32 v11, $0x14;
	v13 =	vshrl.u32 v9, $0x14;
	v16 =	vor.u32 v19, v17  }
.LBB2_12:
0xf3: {  	v17 =	vld [tilespmem:s9+$0x30];
	v15 =	vand.u32 $0xFF0, v15;
	vm2 =	vgt.f32 v14, $0.0e+00;
	[tilespmem:s6+$0x30] =	vst v16;
	v14 =	vsel vm3, $0x10001, v2  }
0xf4: {  	s8 =	sadd.s32 $0x4, s8;
	v11 =	vand.u32 $0xFFFFFFFE, v11;
	v12 =	vand.u32 $0xFF0, v12;
	v13 =	vand.u32 $0xFF0, v13;
	[tilespmem:v10+s0+$0x0] =	vst.idx.add.s32.msk $0xffff, v14  }
0xf5: {  	v8 =	vand.u32 $0xFFFFFFFE, v8;
	v9 =	vand.u32 $0xFFFFFFFE, v9;
	p1 =	slt.u32 s8, $0x1FC;
	v14 =	vsel vm1, $0x1, v0;
	v10 =	vld [tilespmem:s9+$0x10]  }
0xf6: {  	v18 =	vor.u32 v1, v15;
	v15 =	vsel vm0, $0x1, v0;
	v19 =	vsel vm2, $0x1, v0;
	v16 =	vld [tilespmem:s9+$0x20]  }
0xf7: {  	v21 =	vor.u32 v1, v12;
	v22 =	vor.u32 v1, v13;
	v11 =	vor.u32 v14, v11;
	v20 =	vld [tilespmem:s9+$0x0]  }
0xf8: {  	v13 =	vsel vm1, $0x10001, v2;
	v8 =	vor.u32 v15, v8;
	v9 =	vor.u32 v19, v9;
	[tilespmem:s6+$0x0] =	vst v11  }
0xf9: {  	s7 =	sadd.s32 $0x40, s7;
	v23 =	vsel vm2, $0x10001, v2;
	v19 =	vsel vm0, $0x10001, v2;
	v11 =	vshra.s32 v17, $0x1F;
	[tilespmem:s6+$0x10] =	vst v8  }
0xfa: {  	v11 =	vor.u32 $0x80000000, v11;
	v8 =	vshra.s32 v10, $0x1F;
	v24 =	vld [tilespmem:s7+$0x10];
	[tilespmem:s6+$0x20] =	vst v9;
	s6 =	smov.u32 s9  }
0xfb: {  	v17 =	vxor.u32 v17, v11;
	v25 =	vld [tilespmem:s7+$0xFFFFFFE0];
	v8 =	vor.u32 $0x80000000, v8;
	v9 =	vshra.s32 v16, $0x1F  }
0xfc: {  	v12 =	vshrl.u32 v17, $0x14;
	v11 =	vshra.s32 v20, $0x1F;
	v26 =	vld [tilespmem:s7+$0xFFFFFFF0];
	v9 =	vor.u32 $0x80000000, v9  }
.Ltmp5:
0xfd: {  	v8 =	vxor.u32 v10, v8;
	v10 =	vand.u32 $0xFF0, v12;
	v11 =	vor.u32 $0x80000000, v11;
	v14 =	vld [tilespmem:s7+$0x0];
	(pc) =	sbr.rel @p1 .LBB2_12-.Ltmp5, $4  }
0xfe: {  	v9 =	vxor.u32 v16, v9;
	v10 =	vor.u32 v1, v10;
	v11 =	vxor.u32 v20, v11  }
0xff: {  	v12 =	vshrl.u32 v8, $0x14;
	v15 =	vshrl.u32 v11, $0x14;
	vm3 =	vgt.f32 v24, $0.0e+00;
	[tilespmem:v18+s0+$0x0] =	vst.idx.add.s32.msk $0xffff, v13  }
0x100: {  	v16 =	vand.u32 $0xFFFFFFFE, v17;
	v13 =	vshrl.u32 v9, $0x14;
	v17 =	vsel vm3, $0x1, v0;
	[tilespmem:v22+s0+$0x0] =	vst.idx.add.s32.msk $0xffff, v23  }
0x101: {  	s9 =	sadd.s32 $0x40, s9;
	vm1 =	vgt.f32 v25, $0.0e+00;
	vm0 =	vgt.f32 v26, $0.0e+00;
	v16 =	vor.u32 v17, v16;
	[tilespmem:v21+s0+$0x0] =	vst.idx.add.s32.msk $0xffff, v19  }
0x102: {  	v15 =	vand.u32 $0xFF0, v15  }
0x103: {  	vm2 =	vgt.f32 v14, $0.0e+00;
	v14 =	vsel vm3, $0x10001, v2;
	v11 =	vand.u32 $0xFFFFFFFE, v11  }
0x104: {  	v12 =	vand.u32 $0xFF0, v12;
	v13 =	vand.u32 $0xFF0, v13;
	v17 =	vsel vm1, $0x1, v0  }
0x105: {  	[tilespmem:s6+$0x30] =	vst v16;
	v8 =	vand.u32 $0xFFFFFFFE, v8;
	v9 =	vand.u32 $0xFFFFFFFE, v9;
	v15 =	vor.u32 v1, v15  }
0x106: {  	[tilespmem:v10+s0+$0x0] =	vst.idx.add.s32.msk $0xffff, v14;
	v10 =	vsel vm0, $0x1, v0;
	v11 =	vor.u32 v17, v11;
	v13 =	vor.u32 v1, v13  }
0x107: {  	v14 =	vsel vm2, $0x1, v0;
	v12 =	vor.u32 v1, v12;
	[tilespmem:s6+$0x0] =	vst v11;
	v8 =	vor.u32 v10, v8  }
0x108: {  	v9 =	vor.u32 v14, v9;
	[tilespmem:s6+$0x10] =	vst v8  }
0x109: {  	v8 =	vsel vm1, $0x10001, v2;
	[tilespmem:s6+$0x20] =	vst v9  }
0x10a: {  	v9 =	vsel vm2, $0x10001, v2;
	[tilespmem:v15+s0+$0x0] =	vst.idx.add.s32.msk $0xffff, v8  }
0x10b: {  	v8 =	vsel vm0, $0x10001, v2;
	[tilespmem:v13+s0+$0x0] =	vst.idx.add.s32.msk $0xffff, v9  }
0x10c: {  	[tilespmem:v12+s0+$0x0] =	vst.idx.add.s32.msk $0xffff, v8  }
0x10d: {  	[tilespmem:s26], [sflag:$0x2] =	stream.strided.gather [hbm4b:s20+s24], $0x2000, s25, s24, $0x38;
	[tilespmem:$0x18920] =	vst v63  }
0x10e: {  	_ =	swait.ge [sflag:s30], $0x2000  }
0x10f: {  	[sflag:s30] =	ssyncset.done $0x0  }
0x110: {  	[sflag:s30] =	ssyncadd.s32 $0xFFFFE000  }
0x111: {  	_ =	swait.ge [sflag:s31], $0x2000  }
0x112: {  	[sflag:s31] =	ssyncset.done $0x0  }
0x113: {  	s6 =	simm.s32 $0x8000;
	[sflag:s31] =	ssyncadd.s32 $0xFFFFE000  }
0x114: {  	v8 =	vld [tilespmem:s6+$0x30]  }
0x115: {  	v9 =	vld [tilespmem:s6+$0x10]  }
0x116: {  	s7 =	simm.s32 $0x12030;
	v10 =	vld [tilespmem:s6+$0x20]  }
0x117: {  	v14 =	vld [tilespmem:s7+$0x0]  }
0x118: {  	v11 =	vld [tilespmem:s6+$0x0];
	_ =	sdelay $0x1  }
0x119: {  	v16 =	vld [tilespmem:s7+$0xFFFFFFD0];
	v12 =	vshra.s32 v8, $0x1F  }
0x11a: {  	v18 =	vld [tilespmem:s7+$0xFFFFFFE0];
	v13 =	vshra.s32 v9, $0x1F;
	v15 =	vshra.s32 v10, $0x1F;
	v12 =	vor.u32 $0x80000000, v12  }
0x11b: {  	vm3 =	vgt.f32 v14, $0.0e+00;
	v13 =	vor.u32 $0x80000000, v13;
	v17 =	vxor.u32 v8, v12  }
0x11c: {  	v8 =	vshra.s32 v11, $0x1F;
	v12 =	vor.u32 $0x80000000, v15;
	v15 =	vshrl.u32 v17, $0x14  }
0x11d: {  	v14 =	vld [tilespmem:s7+$0xFFFFFFF0];
	v19 =	vor.u32 $0x80000000, v8;
	v8 =	vxor.u32 v9, v13;
	v13 =	vand.u32 $0xFF0, v15  }
0x11e: {  	v9 =	vxor.u32 v10, v12;
	v10 =	vor.u32 v1, v13  }
0x11f: {  	vm1 =	vgt.f32 v16, $0.0e+00;
	vm0 =	vgt.f32 v18, $0.0e+00;
	v17 =	vand.u32 $0xFFFFFFFE, v17  }
0x120: {  	v11 =	vxor.u32 v11, v19;
	v12 =	vshrl.u32 v8, $0x14;
	v19 =	vsel vm3, $0x1, v0  }
0x121: {  	s8 =	simm.s32 $0x0;
	s9 =	simm.s32 $0x8040;
	v15 =	vshrl.u32 v11, $0x14;
	v13 =	vshrl.u32 v9, $0x14;
	v16 =	vor.u32 v19, v17  }
.LBB2_14:
0x122: {  	v17 =	vld [tilespmem:s9+$0x30];
	v15 =	vand.u32 $0xFF0, v15;
	vm2 =	vgt.f32 v14, $0.0e+00;
	[tilespmem:s6+$0x30] =	vst v16;
	v14 =	vsel vm3, $0x10001, v2  }
0x123: {  	s8 =	sadd.s32 $0x4, s8;
	v11 =	vand.u32 $0xFFFFFFFE, v11;
	v12 =	vand.u32 $0xFF0, v12;
	v13 =	vand.u32 $0xFF0, v13;
	[tilespmem:v10+s0+$0x0] =	vst.idx.add.s32.msk $0xffff, v14  }
0x124: {  	v8 =	vand.u32 $0xFFFFFFFE, v8;
	v9 =	vand.u32 $0xFFFFFFFE, v9;
	p1 =	slt.u32 s8, $0x1FC;
	v14 =	vsel vm1, $0x1, v0;
	v10 =	vld [tilespmem:s9+$0x10]  }
0x125: {  	v18 =	vor.u32 v1, v15;
	v15 =	vsel vm0, $0x1, v0;
	v19 =	vsel vm2, $0x1, v0;
	v16 =	vld [tilespmem:s9+$0x20]  }
0x126: {  	v21 =	vor.u32 v1, v12;
	v22 =	vor.u32 v1, v13;
	v11 =	vor.u32 v14, v11;
	v20 =	vld [tilespmem:s9+$0x0]  }
0x127: {  	v13 =	vsel vm1, $0x10001, v2;
	v8 =	vor.u32 v15, v8;
	v9 =	vor.u32 v19, v9;
	[tilespmem:s6+$0x0] =	vst v11  }
0x128: {  	s7 =	sadd.s32 $0x40, s7;
	v23 =	vsel vm2, $0x10001, v2;
	v19 =	vsel vm0, $0x10001, v2;
	v11 =	vshra.s32 v17, $0x1F;
	[tilespmem:s6+$0x10] =	vst v8  }
0x129: {  	v11 =	vor.u32 $0x80000000, v11;
	v8 =	vshra.s32 v10, $0x1F;
	v24 =	vld [tilespmem:s7+$0x0];
	[tilespmem:s6+$0x20] =	vst v9;
	s6 =	smov.u32 s9  }
0x12a: {  	v17 =	vxor.u32 v17, v11;
	v25 =	vld [tilespmem:s7+$0xFFFFFFD0];
	v8 =	vor.u32 $0x80000000, v8;
	v9 =	vshra.s32 v16, $0x1F  }
0x12b: {  	v12 =	vshrl.u32 v17, $0x14;
	v11 =	vshra.s32 v20, $0x1F;
	v26 =	vld [tilespmem:s7+$0xFFFFFFE0];
	v9 =	vor.u32 $0x80000000, v9  }
.Ltmp6:
0x12c: {  	v8 =	vxor.u32 v10, v8;
	v10 =	vand.u32 $0xFF0, v12;
	v11 =	vor.u32 $0x80000000, v11;
	v14 =	vld [tilespmem:s7+$0xFFFFFFF0];
	(pc) =	sbr.rel @p1 .LBB2_14-.Ltmp6, $4  }
0x12d: {  	v9 =	vxor.u32 v16, v9;
	v10 =	vor.u32 v1, v10;
	v11 =	vxor.u32 v20, v11  }
0x12e: {  	v12 =	vshrl.u32 v8, $0x14;
	v15 =	vshrl.u32 v11, $0x14;
	vm3 =	vgt.f32 v24, $0.0e+00;
	[tilespmem:v18+s0+$0x0] =	vst.idx.add.s32.msk $0xffff, v13  }
0x12f: {  	v16 =	vand.u32 $0xFFFFFFFE, v17;
	v13 =	vshrl.u32 v9, $0x14;
	v17 =	vsel vm3, $0x1, v0;
	[tilespmem:v22+s0+$0x0] =	vst.idx.add.s32.msk $0xffff, v23  }
0x130: {  	s9 =	sadd.s32 $0x40, s9;
	vm1 =	vgt.f32 v25, $0.0e+00;
	vm0 =	vgt.f32 v26, $0.0e+00;
	v16 =	vor.u32 v17, v16;
	[tilespmem:v21+s0+$0x0] =	vst.idx.add.s32.msk $0xffff, v19  }
0x131: {  	v15 =	vand.u32 $0xFF0, v15  }
0x132: {  	vm2 =	vgt.f32 v14, $0.0e+00;
	v14 =	vsel vm3, $0x10001, v2;
	v11 =	vand.u32 $0xFFFFFFFE, v11  }
0x133: {  	v12 =	vand.u32 $0xFF0, v12;
	v13 =	vand.u32 $0xFF0, v13;
	v17 =	vsel vm1, $0x1, v0  }
0x134: {  	[tilespmem:s6+$0x30] =	vst v16;
	v8 =	vand.u32 $0xFFFFFFFE, v8;
	v9 =	vand.u32 $0xFFFFFFFE, v9;
	v15 =	vor.u32 v1, v15  }
0x135: {  	[tilespmem:v10+s0+$0x0] =	vst.idx.add.s32.msk $0xffff, v14;
	v10 =	vsel vm0, $0x1, v0;
	v11 =	vor.u32 v17, v11;
	v13 =	vor.u32 v1, v13  }
0x136: {  	v14 =	vsel vm2, $0x1, v0;
	v12 =	vor.u32 v1, v12;
	[tilespmem:s6+$0x0] =	vst v11;
	v8 =	vor.u32 v10, v8  }
0x137: {  	v9 =	vor.u32 v14, v9;
	[tilespmem:s6+$0x10] =	vst v8  }
0x138: {  	v8 =	vsel vm1, $0x10001, v2;
	[tilespmem:s6+$0x20] =	vst v9  }
0x139: {  	v9 =	vsel vm2, $0x10001, v2;
	[tilespmem:v15+s0+$0x0] =	vst.idx.add.s32.msk $0xffff, v8  }
0x13a: {  	v8 =	vsel vm0, $0x10001, v2;
	[tilespmem:v13+s0+$0x0] =	vst.idx.add.s32.msk $0xffff, v9  }
0x13b: {  	[tilespmem:v12+s0+$0x0] =	vst.idx.add.s32.msk $0xffff, v8  }
0x13c: {  	[tilespmem:s28], [sflag:$0x2] =	stream.strided.gather [hbm4b:s21+s24], $0x2000, s25, s24, $0x38;
	[tilespmem:$0x18920] =	vst v63  }
0x13d: {  	_ =	swait.ge [sflag:s30], $0x2000  }
0x13e: {  	[sflag:s30] =	ssyncset.done $0x0  }
0x13f: {  	[sflag:s30] =	ssyncadd.s32 $0xFFFFE000  }
0x140: {  	_ =	swait.ge [sflag:s31], $0x2000  }
0x141: {  	[sflag:s31] =	ssyncset.done $0x0  }
0x142: {  	s6 =	simm.s32 $0x0;
	[sflag:s31] =	ssyncadd.s32 $0xFFFFE000  }
0x143: {  	v8 =	vld [tilespmem:s6+$0xA030]  }
0x144: {  	v9 =	vld [tilespmem:s6+$0xA000]  }
0x145: {  	v10 =	vld [tilespmem:s6+$0xA010]  }
0x146: {  	v12 =	vld [tilespmem:s6+$0xA020];
	_ =	sdelay $0x2  }
0x147: {  	v14 =	vld [tilespmem:s6+$0x14030];
	v11 =	vshra.s32 v8, $0x1F  }
0x148: {  	v13 =	vshra.s32 v9, $0x1F;
	v15 =	vshra.s32 v10, $0x1F;
	v11 =	vor.u32 $0x80000000, v11  }
0x149: {  	v13 =	vor.u32 $0x80000000, v13;
	v18 =	vxor.u32 v8, v11;
	v8 =	vshra.s32 v12, $0x1F  }
0x14a: {  	v15 =	vor.u32 $0x80000000, v15;
	v11 =	vxor.u32 v9, v13;
	v13 =	vor.u32 $0x80000000, v8;
	v8 =	vld [tilespmem:s6+$0x14000]  }
0x14b: {  	v9 =	vxor.u32 v10, v15;
	v16 =	vshrl.u32 v18, $0x14;
	v10 =	vxor.u32 v12, v13;
	v12 =	vld [tilespmem:s6+$0x14010]  }
0x14c: {  	vm3 =	vgt.f32 v14, $0.0e+00;
	v14 =	vld [tilespmem:s6+$0x14020];
	v16 =	vand.u32 $0xFF0, v16  }
0x14d: {  	v13 =	vor.u32 v1, v16  }
0x14e: {  	v19 =	vsel vm3, $0x1, v0;
	v17 =	vshrl.u32 v11, $0x14  }
0x14f: {  	s7 =	simm.s32 $0x0;
	s8 =	simm.s32 $0x100;
	v15 =	vshrl.u32 v9, $0x14;
	v18 =	vand.u32 $0xFFFFFFFE, v18;
	v16 =	vshrl.u32 v10, $0x14  }
.LBB2_16:
0x150: {  	s9 =	sshra.s32 s8, $0x2;
	vm2 =	vgt.f32 v8, $0.0e+00;
	vm0 =	vgt.f32 v12, $0.0e+00;
	v8 =	vor.u32 v19, v18  }
0x151: {  	s7 =	sadd.s32 $0x4, s7;
	v12 =	vand.u32 $0xFF0, v17;
	vm1 =	vgt.f32 v14, $0.0e+00;
	v18 =	vld [tilespmem:s9+$0xA030];
	[tilespmem:s6+$0xA030] =	vst v8;
	v8 =	vsel vm3, $0x10001, v2  }
0x152: {  	v11 =	vand.u32 $0xFFFFFFFE, v11;
	v14 =	vand.u32 $0xFF0, v15;
	v15 =	vand.u32 $0xFF0, v16;
	p1 =	slt.u32 s7, $0x1FC;
	[tilespmem:v13+s0+$0x0] =	vst.idx.add.s32.msk $0xffff, v8  }
0x153: {  	v9 =	vand.u32 $0xFFFFFFFE, v9;
	v10 =	vand.u32 $0xFFFFFFFE, v10;
	v8 =	vsel vm2, $0x1, v0;
	v13 =	vld [tilespmem:s9+$0xA000]  }
0x154: {  	v17 =	vor.u32 v1, v12;
	v12 =	vsel vm0, $0x1, v0;
	v19 =	vsel vm1, $0x1, v0;
	v16 =	vld [tilespmem:s9+$0xA010]  }
0x155: {  	v21 =	vor.u32 v1, v14;
	v22 =	vor.u32 v1, v15;
	v11 =	vor.u32 v8, v11;
	v20 =	vld [tilespmem:s9+$0xA020]  }
0x156: {  	v9 =	vor.u32 v12, v9;
	v10 =	vor.u32 v19, v10;
	v8 =	vld [tilespmem:s9+$0x14000];
	[tilespmem:s6+$0xA000] =	vst v11;
	v11 =	vsel vm2, $0x10001, v2  }
0x157: {  	v19 =	vsel vm1, $0x10001, v2;
	v14 =	vshra.s32 v18, $0x1F;
	v12 =	vld [tilespmem:s9+$0x14010];
	[tilespmem:s6+$0xA010] =	vst v9;
	v9 =	vsel vm0, $0x10001, v2  }
0x158: {  	v23 =	vor.u32 $0x80000000, v14;
	v15 =	vshra.s32 v13, $0x1F;
	v24 =	vld [tilespmem:s9+$0x14030];
	[tilespmem:s6+$0xA020] =	vst v10;
	s6 =	smov.u32 s9  }
0x159: {  	v18 =	vxor.u32 v18, v23;
	v10 =	vor.u32 $0x80000000, v15;
	v15 =	vshra.s32 v16, $0x1F;
	v14 =	vld [tilespmem:s6+$0x14020]  }
.Ltmp7:
0x15a: {  	v25 =	vshrl.u32 v18, $0x14;
	v15 =	vor.u32 $0x80000000, v15;
	v23 =	vshra.s32 v20, $0x1F;
	[tilespmem:v17+s0+$0x0] =	vst.idx.add.s32.msk $0xffff, v11;
	(pc) =	sbr.rel @p1 .LBB2_16-.Ltmp7, $4  }
0x15b: {  	v11 =	vxor.u32 v13, v10;
	v13 =	vand.u32 $0xFF0, v25;
	v10 =	vor.u32 $0x80000000, v23;
	[tilespmem:v21+s0+$0x0] =	vst.idx.add.s32.msk $0xffff, v9  }
0x15c: {  	v9 =	vxor.u32 v16, v15;
	v13 =	vor.u32 v1, v13;
	v10 =	vxor.u32 v20, v10  }
0x15d: {  	v17 =	vshrl.u32 v11, $0x14;
	v15 =	vshrl.u32 v9, $0x14;
	vm3 =	vgt.f32 v24, $0.0e+00;
	[tilespmem:v22+s0+$0x0] =	vst.idx.add.s32.msk $0xffff, v19  }
0x15e: {  	s8 =	sadd.s32 $0x100, s8;
	v18 =	vand.u32 $0xFFFFFFFE, v18;
	v16 =	vshrl.u32 v10, $0x14;
	v19 =	vsel vm3, $0x1, v0  }
0x15f: {  	vm0 =	vgt.f32 v8, $0.0e+00  }
0x160: {  	vm1 =	vgt.f32 v12, $0.0e+00;
	v8 =	vor.u32 v19, v18;
	v12 =	vand.u32 $0xFF0, v17  }
0x161: {  	vm2 =	vgt.f32 v14, $0.0e+00;
	v14 =	vsel vm3, $0x10001, v2;
	v11 =	vand.u32 $0xFFFFFFFE, v11  }
0x162: {  	v15 =	vand.u32 $0xFF0, v15;
	v16 =	vand.u32 $0xFF0, v16;
	v17 =	vsel vm0, $0x1, v0  }
0x163: {  	[tilespmem:s6+$0xA030] =	vst v8;
	v8 =	vand.u32 $0xFFFFFFFE, v9;
	v9 =	vand.u32 $0xFFFFFFFE, v10;
	v10 =	vor.u32 v1, v12  }
0x164: {  	v12 =	vsel vm1, $0x1, v0;
	[tilespmem:v13+s0+$0x0] =	vst.idx.add.s32.msk $0xffff, v14;
	v11 =	vor.u32 v17, v11;
	v13 =	vor.u32 v1, v15  }
0x165: {  	v14 =	vsel vm2, $0x1, v0;
	v15 =	vor.u32 v1, v16;
	v8 =	vor.u32 v12, v8;
	[tilespmem:s6+$0xA000] =	vst v11  }
0x166: {  	v9 =	vor.u32 v14, v9;
	[tilespmem:s6+$0xA010] =	vst v8  }
0x167: {  	v8 =	vsel vm0, $0x10001, v2;
	[tilespmem:s6+$0xA020] =	vst v9  }
0x168: {  	v9 =	vsel vm1, $0x10001, v2;
	[tilespmem:v10+s0+$0x0] =	vst.idx.add.s32.msk $0xffff, v8  }
0x169: {  	v8 =	vsel vm2, $0x10001, v2;
	[tilespmem:v13+s0+$0x0] =	vst.idx.add.s32.msk $0xffff, v9  }
0x16a: {  	[tilespmem:v15+s0+$0x0] =	vst.idx.add.s32.msk $0xffff, v8  }
0x16b: {  	_ =	swait.ge [sflag:s30], $0x2000  }
0x16c: {  	[sflag:s30] =	ssyncset.done $0x0  }
0x16d: {  	[sflag:s30] =	ssyncadd.s32 $0xFFFFE000  }
0x16e: {  	_ =	swait.ge [sflag:s31], $0x2000  }
0x16f: {  	[sflag:s31] =	ssyncset.done $0x0  }
0x170: {  	s6 =	simm.s32 $0xC000;
	[sflag:s31] =	ssyncadd.s32 $0xFFFFE000  }
0x171: {  	v8 =	vld [tilespmem:s6+$0x30]  }
0x172: {  	v9 =	vld [tilespmem:s6+$0x10]  }
0x173: {  	s7 =	simm.s32 $0x10020;
	v10 =	vld [tilespmem:s6+$0x20]  }
0x174: {  	v14 =	vld [tilespmem:s7+$0x10]  }
0x175: {  	v11 =	vld [tilespmem:s6+$0x0];
	_ =	sdelay $0x1  }
0x176: {  	v16 =	vld [tilespmem:s7+$0xFFFFFFE0];
	v12 =	vshra.s32 v8, $0x1F  }
0x177: {  	v18 =	vld [tilespmem:s7+$0xFFFFFFF0];
	v13 =	vshra.s32 v9, $0x1F;
	v15 =	vshra.s32 v10, $0x1F;
	v12 =	vor.u32 $0x80000000, v12  }
0x178: {  	vm3 =	vgt.f32 v14, $0.0e+00;
	v13 =	vor.u32 $0x80000000, v13;
	v17 =	vxor.u32 v8, v12  }
0x179: {  	v8 =	vshra.s32 v11, $0x1F;
	v12 =	vor.u32 $0x80000000, v15;
	v15 =	vshrl.u32 v17, $0x14  }
0x17a: {  	v14 =	vld [tilespmem:s7+$0x0];
	v19 =	vor.u32 $0x80000000, v8;
	v8 =	vxor.u32 v9, v13;
	v13 =	vand.u32 $0xFF0, v15  }
0x17b: {  	v9 =	vxor.u32 v10, v12;
	v10 =	vor.u32 v1, v13  }
0x17c: {  	vm1 =	vgt.f32 v16, $0.0e+00;
	vm0 =	vgt.f32 v18, $0.0e+00;
	v17 =	vand.u32 $0xFFFFFFFE, v17  }
0x17d: {  	v11 =	vxor.u32 v11, v19;
	v12 =	vshrl.u32 v8, $0x14;
	v19 =	vsel vm3, $0x1, v0  }
0x17e: {  	s8 =	simm.s32 $0x0;
	s9 =	simm.s32 $0xC040;
	v15 =	vshrl.u32 v11, $0x14;
	v13 =	vshrl.u32 v9, $0x14;
	v16 =	vor.u32 v19, v17  }
.LBB2_18:
0x17f: {  	v17 =	vld [tilespmem:s9+$0x30];
	v15 =	vand.u32 $0xFF0, v15;
	vm2 =	vgt.f32 v14, $0.0e+00;
	[tilespmem:s6+$0x30] =	vst v16;
	v14 =	vsel vm3, $0x10001, v2  }
0x180: {  	s8 =	sadd.s32 $0x4, s8;
	v11 =	vand.u32 $0xFFFFFFFE, v11;
	v12 =	vand.u32 $0xFF0, v12;
	v13 =	vand.u32 $0xFF0, v13;
	[tilespmem:v10+s0+$0x0] =	vst.idx.add.s32.msk $0xffff, v14  }
0x181: {  	v8 =	vand.u32 $0xFFFFFFFE, v8;
	v9 =	vand.u32 $0xFFFFFFFE, v9;
	p1 =	slt.u32 s8, $0x1FC;
	v14 =	vsel vm1, $0x1, v0;
	v10 =	vld [tilespmem:s9+$0x10]  }
0x182: {  	v18 =	vor.u32 v1, v15;
	v15 =	vsel vm0, $0x1, v0;
	v19 =	vsel vm2, $0x1, v0;
	v16 =	vld [tilespmem:s9+$0x20]  }
0x183: {  	v21 =	vor.u32 v1, v12;
	v22 =	vor.u32 v1, v13;
	v11 =	vor.u32 v14, v11;
	v20 =	vld [tilespmem:s9+$0x0]  }
0x184: {  	v13 =	vsel vm1, $0x10001, v2;
	v8 =	vor.u32 v15, v8;
	v9 =	vor.u32 v19, v9;
	[tilespmem:s6+$0x0] =	vst v11  }
0x185: {  	s7 =	sadd.s32 $0x40, s7;
	v23 =	vsel vm2, $0x10001, v2;
	v19 =	vsel vm0, $0x10001, v2;
	v11 =	vshra.s32 v17, $0x1F;
	[tilespmem:s6+$0x10] =	vst v8  }
0x186: {  	v11 =	vor.u32 $0x80000000, v11;
	v8 =	vshra.s32 v10, $0x1F;
	v24 =	vld [tilespmem:s7+$0x10];
	[tilespmem:s6+$0x20] =	vst v9;
	s6 =	smov.u32 s9  }
0x187: {  	v17 =	vxor.u32 v17, v11;
	v25 =	vld [tilespmem:s7+$0xFFFFFFE0];
	v8 =	vor.u32 $0x80000000, v8;
	v9 =	vshra.s32 v16, $0x1F  }
0x188: {  	v12 =	vshrl.u32 v17, $0x14;
	v11 =	vshra.s32 v20, $0x1F;
	v26 =	vld [tilespmem:s7+$0xFFFFFFF0];
	v9 =	vor.u32 $0x80000000, v9  }
.Ltmp8:
0x189: {  	v8 =	vxor.u32 v10, v8;
	v10 =	vand.u32 $0xFF0, v12;
	v11 =	vor.u32 $0x80000000, v11;
	v14 =	vld [tilespmem:s7+$0x0];
	(pc) =	sbr.rel @p1 .LBB2_18-.Ltmp8, $4  }
0x18a: {  	v9 =	vxor.u32 v16, v9;
	v10 =	vor.u32 v1, v10;
	v11 =	vxor.u32 v20, v11  }
0x18b: {  	v12 =	vshrl.u32 v8, $0x14;
	v15 =	vshrl.u32 v11, $0x14;
	vm3 =	vgt.f32 v24, $0.0e+00;
	[tilespmem:v18+s0+$0x0] =	vst.idx.add.s32.msk $0xffff, v13  }
0x18c: {  	v16 =	vand.u32 $0xFFFFFFFE, v17;
	v13 =	vshrl.u32 v9, $0x14;
	v17 =	vsel vm3, $0x1, v0;
	[tilespmem:v22+s0+$0x0] =	vst.idx.add.s32.msk $0xffff, v23  }
0x18d: {  	s9 =	sadd.s32 $0x40, s9;
	vm1 =	vgt.f32 v25, $0.0e+00;
	vm0 =	vgt.f32 v26, $0.0e+00;
	v16 =	vor.u32 v17, v16;
	[tilespmem:v21+s0+$0x0] =	vst.idx.add.s32.msk $0xffff, v19  }
0x18e: {  	v15 =	vand.u32 $0xFF0, v15  }
0x18f: {  	vm2 =	vgt.f32 v14, $0.0e+00;
	v14 =	vsel vm3, $0x10001, v2;
	v11 =	vand.u32 $0xFFFFFFFE, v11  }
0x190: {  	v12 =	vand.u32 $0xFF0, v12;
	v13 =	vand.u32 $0xFF0, v13;
	v17 =	vsel vm1, $0x1, v0  }
0x191: {  	[tilespmem:s6+$0x30] =	vst v16;
	v8 =	vand.u32 $0xFFFFFFFE, v8;
	v9 =	vand.u32 $0xFFFFFFFE, v9;
	v15 =	vor.u32 v1, v15  }
0x192: {  	[tilespmem:v10+s0+$0x0] =	vst.idx.add.s32.msk $0xffff, v14;
	v10 =	vsel vm0, $0x1, v0;
	v11 =	vor.u32 v17, v11;
	v13 =	vor.u32 v1, v13  }
0x193: {  	v14 =	vsel vm2, $0x1, v0;
	v12 =	vor.u32 v1, v12;
	[tilespmem:s6+$0x0] =	vst v11;
	v8 =	vor.u32 v10, v8  }
0x194: {  	v9 =	vor.u32 v14, v9;
	[tilespmem:s6+$0x10] =	vst v8  }
0x195: {  	v8 =	vsel vm1, $0x10001, v2;
	[tilespmem:s6+$0x20] =	vst v9  }
0x196: {  	v9 =	vsel vm2, $0x10001, v2;
	[tilespmem:v15+s0+$0x0] =	vst.idx.add.s32.msk $0xffff, v8  }
0x197: {  	v8 =	vsel vm0, $0x10001, v2;
	[tilespmem:v13+s0+$0x0] =	vst.idx.add.s32.msk $0xffff, v9  }
0x198: {  	[tilespmem:v12+s0+$0x0] =	vst.idx.add.s32.msk $0xffff, v8  }
0x199: {  	_ =	swait.ge [sflag:s30], $0x2000  }
0x19a: {  	[sflag:s30] =	ssyncset.done $0x0  }
0x19b: {  	[sflag:s30] =	ssyncadd.s32 $0xFFFFE000  }
0x19c: {  	_ =	swait.ge [sflag:s31], $0x2000  }
0x19d: {  	[sflag:s31] =	ssyncset.done $0x0  }
0x19e: {  	s6 =	simm.s32 $0xE000;
	[sflag:s31] =	ssyncadd.s32 $0xFFFFE000  }
0x19f: {  	v8 =	vld [tilespmem:s6+$0x30]  }
0x1a0: {  	v9 =	vld [tilespmem:s6+$0x10]  }
0x1a1: {  	s7 =	simm.s32 $0x12030;
	v10 =	vld [tilespmem:s6+$0x20]  }
0x1a2: {  	v14 =	vld [tilespmem:s7+$0x0]  }
0x1a3: {  	v11 =	vld [tilespmem:s6+$0x0];
	_ =	sdelay $0x1  }
0x1a4: {  	v16 =	vld [tilespmem:s7+$0xFFFFFFD0];
	v12 =	vshra.s32 v8, $0x1F  }
0x1a5: {  	v18 =	vld [tilespmem:s7+$0xFFFFFFE0];
	v13 =	vshra.s32 v9, $0x1F;
	v15 =	vshra.s32 v10, $0x1F;
	v12 =	vor.u32 $0x80000000, v12  }
0x1a6: {  	vm3 =	vgt.f32 v14, $0.0e+00;
	v13 =	vor.u32 $0x80000000, v13;
	v17 =	vxor.u32 v8, v12  }
0x1a7: {  	v8 =	vshra.s32 v11, $0x1F;
	v12 =	vor.u32 $0x80000000, v15;
	v15 =	vshrl.u32 v17, $0x14  }
0x1a8: {  	v14 =	vld [tilespmem:s7+$0xFFFFFFF0];
	v19 =	vor.u32 $0x80000000, v8;
	v8 =	vxor.u32 v9, v13;
	v13 =	vand.u32 $0xFF0, v15  }
0x1a9: {  	v9 =	vxor.u32 v10, v12;
	v10 =	vor.u32 v1, v13  }
0x1aa: {  	vm1 =	vgt.f32 v16, $0.0e+00;
	vm0 =	vgt.f32 v18, $0.0e+00;
	v17 =	vand.u32 $0xFFFFFFFE, v17  }
0x1ab: {  	v11 =	vxor.u32 v11, v19;
	v12 =	vshrl.u32 v8, $0x14;
	v19 =	vsel vm3, $0x1, v0  }
0x1ac: {  	s8 =	simm.s32 $0x0;
	s9 =	simm.s32 $0xE040;
	v15 =	vshrl.u32 v11, $0x14;
	v13 =	vshrl.u32 v9, $0x14;
	v16 =	vor.u32 v19, v17  }
.LBB2_20:
0x1ad: {  	v17 =	vld [tilespmem:s9+$0x30];
	v15 =	vand.u32 $0xFF0, v15;
	vm2 =	vgt.f32 v14, $0.0e+00;
	[tilespmem:s6+$0x30] =	vst v16;
	v14 =	vsel vm3, $0x10001, v2  }
0x1ae: {  	s8 =	sadd.s32 $0x4, s8;
	v11 =	vand.u32 $0xFFFFFFFE, v11;
	v12 =	vand.u32 $0xFF0, v12;
	v13 =	vand.u32 $0xFF0, v13;
	[tilespmem:v10+s0+$0x0] =	vst.idx.add.s32.msk $0xffff, v14  }
0x1af: {  	v8 =	vand.u32 $0xFFFFFFFE, v8;
	v9 =	vand.u32 $0xFFFFFFFE, v9;
	p1 =	slt.u32 s8, $0x1FC;
	v14 =	vsel vm1, $0x1, v0;
	v10 =	vld [tilespmem:s9+$0x10]  }
0x1b0: {  	v18 =	vor.u32 v1, v15;
	v15 =	vsel vm0, $0x1, v0;
	v19 =	vsel vm2, $0x1, v0;
	v16 =	vld [tilespmem:s9+$0x20]  }
0x1b1: {  	v21 =	vor.u32 v1, v12;
	v22 =	vor.u32 v1, v13;
	v11 =	vor.u32 v14, v11;
	v20 =	vld [tilespmem:s9+$0x0]  }
0x1b2: {  	v13 =	vsel vm1, $0x10001, v2;
	v8 =	vor.u32 v15, v8;
	v9 =	vor.u32 v19, v9;
	[tilespmem:s6+$0x0] =	vst v11  }
0x1b3: {  	s7 =	sadd.s32 $0x40, s7;
	v23 =	vsel vm2, $0x10001, v2;
	v19 =	vsel vm0, $0x10001, v2;
	v11 =	vshra.s32 v17, $0x1F;
	[tilespmem:s6+$0x10] =	vst v8  }
0x1b4: {  	v11 =	vor.u32 $0x80000000, v11;
	v8 =	vshra.s32 v10, $0x1F;
	v24 =	vld [tilespmem:s7+$0x0];
	[tilespmem:s6+$0x20] =	vst v9;
	s6 =	smov.u32 s9  }
0x1b5: {  	v17 =	vxor.u32 v17, v11;
	v25 =	vld [tilespmem:s7+$0xFFFFFFD0];
	v8 =	vor.u32 $0x80000000, v8;
	v9 =	vshra.s32 v16, $0x1F  }
0x1b6: {  	v12 =	vshrl.u32 v17, $0x14;
	v11 =	vshra.s32 v20, $0x1F;
	v26 =	vld [tilespmem:s7+$0xFFFFFFE0];
	v9 =	vor.u32 $0x80000000, v9  }
.Ltmp9:
0x1b7: {  	v8 =	vxor.u32 v10, v8;
	v10 =	vand.u32 $0xFF0, v12;
	v11 =	vor.u32 $0x80000000, v11;
	v14 =	vld [tilespmem:s7+$0xFFFFFFF0];
	(pc) =	sbr.rel @p1 .LBB2_20-.Ltmp9, $4  }
0x1b8: {  	v9 =	vxor.u32 v16, v9;
	v10 =	vor.u32 v1, v10;
	v11 =	vxor.u32 v20, v11  }
0x1b9: {  	v12 =	vshrl.u32 v8, $0x14;
	v15 =	vshrl.u32 v11, $0x14;
	vm3 =	vgt.f32 v24, $0.0e+00;
	[tilespmem:v18+s0+$0x0] =	vst.idx.add.s32.msk $0xffff, v13  }
0x1ba: {  	v16 =	vand.u32 $0xFFFFFFFE, v17;
	v13 =	vshrl.u32 v9, $0x14;
	v17 =	vsel vm3, $0x1, v0;
	[tilespmem:v22+s0+$0x0] =	vst.idx.add.s32.msk $0xffff, v23  }
0x1bb: {  	s9 =	sadd.s32 $0x40, s9;
	vm1 =	vgt.f32 v25, $0.0e+00;
	vm0 =	vgt.f32 v26, $0.0e+00;
	v16 =	vor.u32 v17, v16;
	[tilespmem:v21+s0+$0x0] =	vst.idx.add.s32.msk $0xffff, v19  }
0x1bc: {  	v15 =	vand.u32 $0xFF0, v15  }
0x1bd: {  	vm2 =	vgt.f32 v14, $0.0e+00;
	v62 =	vsel vm3, $0x10001, v2;
	v11 =	vand.u32 $0xFFFFFFFE, v11  }
0x1be: {  	v12 =	vand.u32 $0xFF0, v12;
	v13 =	vand.u32 $0xFF0, v13;
	v17 =	vsel vm1, $0x1, v0  }
0x1bf: {  	[tilespmem:s6+$0x30] =	vst v16;
	v8 =	vand.u32 $0xFFFFFFFE, v8;
	v9 =	vand.u32 $0xFFFFFFFE, v9;
	v15 =	vor.u32 v1, v15  }
0x1c0: {  	[tilespmem:v10+s0+$0x0] =	vst.idx.add.s32.msk $0xffff, v62;
	v10 =	vsel vm0, $0x1, v0;
	v11 =	vor.u32 v17, v11;
	v13 =	vor.u32 v1, v13  }
0x1c1: {  	v63 =	vsel vm2, $0x1, v0;
	v12 =	vor.u32 v1, v12;
	[tilespmem:s6+$0x0] =	vst v11;
	v8 =	vor.u32 v10, v8  }
0x1c2: {  	v9 =	vor.u32 v63, v9;
	[tilespmem:s6+$0x10] =	vst v8  }
0x1c3: {  	v8 =	vsel vm1, $0x10001, v2;
	[tilespmem:s6+$0x20] =	vst v9  }
0x1c4: {  	v9 =	vsel vm2, $0x10001, v2;
	[tilespmem:v15+s0+$0x0] =	vst.idx.add.s32.msk $0xffff, v8  }
0x1c5: {  	v8 =	vsel vm0, $0x10001, v2;
	[tilespmem:v13+s0+$0x0] =	vst.idx.add.s32.msk $0xffff, v9  }
0x1c6: {  	[tilespmem:v12+s0+$0x0] =	vst.idx.add.s32.msk $0xffff, v8  }
0x1c7: {  	[bflag:$0x0] =	sbarrier.arrive $0xFFFF  }
0x1c8: {  	s9 =	rddreg [dreg:$0x3]  }
0x1c9: {  	[spmem:s9] =	stream.indirect.scatter.add.s32 [tilespmem:s0], [sflag:$0x3], $0x10, s3, s1, $0xb8;
	[tilespmem:$0x18920] =	vst v63  }
0x1ca: {  	_ =	swait.ge [sflag:s2], $0x1000  }
0x1cb: {  	[sflag:s2] =	ssyncset.done $0x0  }
0x1cc: {  	[sflag:s2] =	ssyncadd.s32 $0xFFFFF000  }
0x1cd: {  	[bflag:$0x0] =	sbarrier.arrive $0xFFFF  }
0x1ce: {  	[tilespmem:s0], [sflag:$0x3] =	stream.linear.gather [spmem:s16], $0x1000, $0x38;
	[tilespmem:$0x18920] =	vst v63  }
0x1cf: {  	_ =	swait.ge [sflag:s2], $0x1000  }
0x1d0: {  	[sflag:s2] =	ssyncset.done $0x0  }
0x1d1: {  	[sflag:s2] =	ssyncadd.s32 $0xFFFFF000  }
0x1d2: {  	s6 =	simm.s32 $0x16FF0;
	[bflag:$0x0] =	sbarrier.arrive $0xFFFF  }
0x1d3: {  	v8 =	vld [tilespmem:s6+$0x0];
	_ =	sdelay $0x3  }
0x1d4: {  	v9 =	vimm.s32 $0x0  }
0x1d5: {  	s7 =	simm.s32 $0x17FF0;
	v8 =	vadd.s32 v9, v8  }
0x1d6: {  	[tilespmem:s7+$0x0] =	vst v8  }
0x1d7: {  	v9 =	vld [tilespmem:s6+$0xFFFFFFF0];
	_ =	sdelay $0x4  }
0x1d8: {  	[tilespmem:s6+$0x0] =	vst v0;
	v8 =	vadd.s32 v8, v9  }
0x1d9: {  	[tilespmem:s7+$0xFFFFFFF0] =	vst v8  }
0x1da: {  	v9 =	vld [tilespmem:s6+$0xFFFFFFE0];
	_ =	sdelay $0x4  }
0x1db: {  	[tilespmem:s6+$0xFFFFFFF0] =	vst v0;
	v8 =	vadd.s32 v8, v9  }
0x1dc: {  	[tilespmem:s7+$0xFFFFFFE0] =	vst v8  }
0x1dd: {  	v9 =	vld [tilespmem:s6+$0xFFFFFFD0];
	_ =	sdelay $0x4  }
0x1de: {  	[tilespmem:s6+$0xFFFFFFE0] =	vst v0;
	v8 =	vadd.s32 v8, v9  }
0x1df: {  	[tilespmem:s7+$0xFFFFFFD0] =	vst v8  }
0x1e0: {  	v9 =	vld [tilespmem:s6+$0xFFFFFFC0];
	_ =	sdelay $0x4  }
0x1e1: {  	[tilespmem:s6+$0xFFFFFFD0] =	vst v0;
	v8 =	vadd.s32 v8, v9  }
0x1e2: {  	[tilespmem:s7+$0xFFFFFFC0] =	vst v8  }
0x1e3: {  	v9 =	vld [tilespmem:s6+$0xFFFFFFB0];
	_ =	sdelay $0x4  }
0x1e4: {  	[tilespmem:s6+$0xFFFFFFC0] =	vst v0;
	v8 =	vadd.s32 v8, v9  }
0x1e5: {  	[tilespmem:s7+$0xFFFFFFB0] =	vst v8  }
0x1e6: {  	v9 =	vld [tilespmem:s6+$0xFFFFFFA0];
	_ =	sdelay $0x4  }
0x1e7: {  	[tilespmem:s6+$0xFFFFFFB0] =	vst v0;
	v8 =	vadd.s32 v8, v9  }
0x1e8: {  	[tilespmem:s7+$0xFFFFFFA0] =	vst v8  }
0x1e9: {  	v9 =	vld [tilespmem:s6+$0xFFFFFF90];
	_ =	sdelay $0x4  }
0x1ea: {  	[tilespmem:s6+$0xFFFFFFA0] =	vst v0;
	v8 =	vadd.s32 v8, v9  }
0x1eb: {  	s8 =	simm.s32 $0x0;
	s9 =	simm.s32 $0x16F70;
	[tilespmem:s7+$0xFFFFFF90] =	vst v8  }
.LBB2_22:
0x1ec: {  	v9 =	vld [tilespmem:s9+$0x0];
	s8 =	sadd.s32 $0x8, s8;
	[tilespmem:s6+$0xFFFFFF90] =	vst v0;
	s6 =	smov.u32 s9  }
0x1ed: {  	p1 =	slt.u32 s8, $0xF8;
	_ =	sdelay $0x3  }
0x1ee: {  	s7 =	sadd.s32 $0xFFFFFF80, s7;
	v8 =	vadd.s32 v8, v9  }
0x1ef: {  	[tilespmem:s7+$0x0] =	vst v8  }
0x1f0: {  	v9 =	vld [tilespmem:s9+$0xFFFFFFF0];
	_ =	sdelay $0x4  }
0x1f1: {  	[tilespmem:s9+$0x0] =	vst v0;
	v8 =	vadd.s32 v8, v9  }
0x1f2: {  	[tilespmem:s7+$0xFFFFFFF0] =	vst v8  }
0x1f3: {  	v9 =	vld [tilespmem:s9+$0xFFFFFFE0];
	_ =	sdelay $0x4  }
0x1f4: {  	[tilespmem:s9+$0xFFFFFFF0] =	vst v0;
	v8 =	vadd.s32 v8, v9  }
0x1f5: {  	[tilespmem:s7+$0xFFFFFFE0] =	vst v8  }
0x1f6: {  	v9 =	vld [tilespmem:s9+$0xFFFFFFD0];
	_ =	sdelay $0x4  }
0x1f7: {  	[tilespmem:s9+$0xFFFFFFE0] =	vst v0;
	v8 =	vadd.s32 v8, v9  }
0x1f8: {  	[tilespmem:s7+$0xFFFFFFD0] =	vst v8  }
0x1f9: {  	v9 =	vld [tilespmem:s9+$0xFFFFFFC0];
	_ =	sdelay $0x4  }
0x1fa: {  	[tilespmem:s9+$0xFFFFFFD0] =	vst v0;
	v8 =	vadd.s32 v8, v9  }
0x1fb: {  	[tilespmem:s7+$0xFFFFFFC0] =	vst v8  }
0x1fc: {  	v9 =	vld [tilespmem:s9+$0xFFFFFFB0];
	_ =	sdelay $0x4  }
0x1fd: {  	[tilespmem:s9+$0xFFFFFFC0] =	vst v0;
	v8 =	vadd.s32 v8, v9  }
0x1fe: {  	[tilespmem:s7+$0xFFFFFFB0] =	vst v8  }
0x1ff: {  	v9 =	vld [tilespmem:s9+$0xFFFFFFA0];
	_ =	sdelay $0x4  }
0x200: {  	[tilespmem:s9+$0xFFFFFFB0] =	vst v0;
	v8 =	vadd.s32 v8, v9  }
0x201: {  	[tilespmem:s7+$0xFFFFFFA0] =	vst v8  }
0x202: {  	[tilespmem:s9+$0xFFFFFFA0] =	vst v0;
	v9 =	vld [tilespmem:s9+$0xFFFFFF90];
	_ =	sdelay $0x1  }
.Ltmp10:
0x203: {  	(pc) =	sbr.rel @p1 .LBB2_22-.Ltmp10, $3  }
0x204: {  	_ =	sdelay $0x1  }
0x205: {  	v8 =	vadd.s32 v8, v9  }
0x206: {  	s9 =	sadd.s32 $0xFFFFFF80, s9;
	[tilespmem:s7+$0xFFFFFF90] =	vst v8  }
0x207: {  	v11 =	vor.u32 $0x800, v1;
	_ =	sdelay $0x3  }
0x208: {  	[tilespmem:s6+$0xFFFFFF90] =	vst v0  }
0x209: {  	v8 =	vld.idx.msk [tilespmem:v11+s4+$0x0], $0xffff;
	_ =	sdelay $0x4  }
0x20a: {  	vm0 =	vgt.s32 v8, $0x665FFFF  }
0x20b: {  	v8 =	vsel vm0, $0xC0, v4  }
0x20c: {  	v9 =	vshll.u32 v8, $0x4  }
0x20d: {  	v9 =	vor.u32 v1, v9;
	_ =	sdelay $0x4  }
0x20e: {  	v9 =	vld.idx.msk [tilespmem:v9+s4+$0x0], $0xffff;
	_ =	sdelay $0x4  }
0x20f: {  	v10 =	vsel vm0, $0x80, v0;
	vm1 =	vgt.s32 v9, $0x665FFFF  }
0x210: {  	v9 =	vsel vm0, $0xFF, v3;
	v10 =	vsel vm1, v8, v10;
	v8 =	vadd.s32 $0xFFFFFFFF, v8  }
0x211: {  	v8 =	vsel vm1, v9, v8;
	v9 =	vor.u32 $0x1, v10  }
0x212: {  	v12 =	vadd.s32 v8, v9  }
0x213: {  	v12 =	vshll.u32 v12, $0x3  }
0x214: {  	v12 =	vor.u32 v1, v12;
	_ =	sdelay $0x4  }
0x215: {  	v12 =	vld.idx.msk [tilespmem:v12+s4+$0x0], $0xffff  }
0x216: {  	v13 =	vadd.s32 $0xFFFFFFFF, v8  }
0x217: {  	v9 =	vadd.s32 v13, v9  }
0x218: {  	v9 =	vadd.s32 $0x1, v9  }
0x219: {  	v9 =	vshrl.u32 v9, $0x1  }
0x21a: {  	vm0 =	vgt.s32 v12, $0x665FFFF;
	v12 =	vadd.s32 $0xFFFFFFFF, v9  }
0x21b: {  	v9 =	vsel vm0, v9, v10;
	v8 =	vsel vm0, v8, v12  }
0x21c: {  	v10 =	vadd.s32 v9, v8  }
0x21d: {  	v10 =	vadd.s32 $0x1, v10  }
0x21e: {  	v10 =	vshrl.u32 v10, $0x1  }
0x21f: {  	v12 =	vshll.u32 v10, $0x4  }
0x220: {  	v12 =	vor.u32 v1, v12;
	_ =	sdelay $0x4  }
0x221: {  	v12 =	vld.idx.msk [tilespmem:v12+s4+$0x0], $0xffff;
	_ =	sdelay $0x4  }
0x222: {  	vm0 =	vgt.s32 v12, $0x665FFFF;
	v12 =	vadd.s32 $0xFFFFFFFF, v10  }
0x223: {  	v9 =	vsel vm0, v10, v9;
	v8 =	vsel vm0, v8, v12  }
0x224: {  	v10 =	vadd.s32 v8, v9  }
0x225: {  	v10 =	vadd.s32 $0x1, v10  }
0x226: {  	v10 =	vshrl.u32 v10, $0x1  }
0x227: {  	v12 =	vshll.u32 v10, $0x4  }
0x228: {  	v12 =	vor.u32 v1, v12;
	_ =	sdelay $0x4  }
0x229: {  	v12 =	vld.idx.msk [tilespmem:v12+s4+$0x0], $0xffff;
	_ =	sdelay $0x4  }
0x22a: {  	vm0 =	vgt.s32 v12, $0x665FFFF;
	v12 =	vadd.s32 $0xFFFFFFFF, v10  }
0x22b: {  	v9 =	vsel vm0, v10, v9;
	v8 =	vsel vm0, v8, v12  }
0x22c: {  	v10 =	vadd.s32 v8, v9  }
0x22d: {  	v10 =	vadd.s32 $0x1, v10  }
0x22e: {  	v10 =	vshrl.u32 v10, $0x1  }
0x22f: {  	v12 =	vshll.u32 v10, $0x4  }
0x230: {  	v12 =	vor.u32 v1, v12;
	_ =	sdelay $0x4  }
0x231: {  	v12 =	vld.idx.msk [tilespmem:v12+s4+$0x0], $0xffff;
	_ =	sdelay $0x4  }
0x232: {  	vm0 =	vgt.s32 v12, $0x665FFFF;
	v12 =	vadd.s32 $0xFFFFFFFF, v10  }
0x233: {  	v9 =	vsel vm0, v10, v9;
	v8 =	vsel vm0, v8, v12  }
0x234: {  	v10 =	vadd.s32 v8, v9  }
0x235: {  	v10 =	vadd.s32 $0x1, v10  }
0x236: {  	v10 =	vshrl.u32 v10, $0x1  }
0x237: {  	v12 =	vshll.u32 v10, $0x4  }
0x238: {  	v12 =	vor.u32 v1, v12;
	_ =	sdelay $0x4  }
0x239: {  	v12 =	vld.idx.msk [tilespmem:v12+s4+$0x0], $0xffff;
	_ =	sdelay $0x4  }
0x23a: {  	vm0 =	vgt.s32 v12, $0x665FFFF;
	v12 =	vadd.s32 $0xFFFFFFFF, v10  }
0x23b: {  	v9 =	vsel vm0, v10, v9;
	v8 =	vsel vm0, v8, v12  }
0x23c: {  	v8 =	vadd.s32 v8, v9  }
0x23d: {  	v8 =	vadd.s32 $0x1, v8  }
0x23e: {  	v8 =	vshrl.u32 v8, $0x1  }
0x23f: {  	v10 =	vshll.u32 v8, $0x4  }
0x240: {  	v10 =	vor.u32 v1, v10;
	_ =	sdelay $0x4  }
0x241: {  	v10 =	vld.idx.msk [tilespmem:v10+s4+$0x0], $0xffff;
	_ =	sdelay $0x4  }
0x242: {  	vm0 =	vgt.s32 v10, $0x665FFFF  }
0x243: {  	v12 =	vsel vm0, v8, v9  }
0x244: {  	v8 =	vor.u32 $0x10, v1;
	v9 =	vshll.u32 v12, $0x4  }
0x245: {  	v9 =	vadd.s32 v8, v9;
	_ =	sdelay $0x3  }
0x246: {  	s6 =	simm.s32 @!p0 $0x16000  }
0x247: {  	v9 =	vld.idx.msk [tilespmem:v9+s4+$0x0], $0xffff;
	[spmem:s16] =	stream.linear.scatter @!p0 [tilespmem:s6], [sflag:$0x3], $0x1000, $0x38  }
0x248: {  	s6 =	simm.s32 @!p0 $0x3  }
0x249: {  	_ =	swait.ge @!p0 [sflag:s6], $0x1000  }
0x24a: {  	[sflag:s6] =	ssyncset.done @!p0 $0x0  }
0x24b: {  	s9 =	simm.s32 $0x20;
	[sflag:s6] =	ssyncadd.s32 @!p0 $0xFFFFF000  }
0x24c: {  	v13 =	vld [tilespmem:s9+$0x10]  }
0x24d: {  	v15 =	vld [tilespmem:s9+$0xFFFFFFF0]  }
0x24e: {  	v14 =	vld [tilespmem:s9+$0x0]  }
0x24f: {  	v16 =	vld [tilespmem:s9+$0xFFFFFFE0]  }
0x250: {  	v10 =	vshra.s32 v9, $0x10;
	v9 =	vand.u32 $0xFFFF, v9  }
0x251: {  	v10 =	vsub.s32 $0x666, v10;
	v17 =	vshrl.u32 v13, $0x18;
	v18 =	vshrl.u32 v13, $0xC  }
0x252: {  	v20 =	vshrl.u32 v15, $0xC;
	vm0 =	veq.s32 v17, v12;
	v17 =	vand.u32 $0xFF0, v18  }
0x253: {  	v19 =	vshrl.u32 v15, $0x18;
	v15 =	vand.u32 $0x1, v15;
	v17 =	vor.u32 v1, v17  }
0x254: {  	v21 =	vshrl.u32 v14, $0xC;
	v22 =	vshrl.u32 v16, $0x18;
	v23 =	vshrl.u32 v16, $0xC  }
0x255: {  	s7 =	simm.s32 $0x60;
	s6 =	simm.s32 $0x0;
	v18 =	vand.u32 $0xFF0, v20;
	v20 =	vshrl.u32 v14, $0x18;
	v21 =	vand.u32 $0xFF0, v21  }
.LBB2_24:
0x256: {  	s6 =	sadd.s32 $0x4, s6;
	v16 =	vand.u32 $0x1, v16;
	v23 =	vand.u32 $0xFF0, v23;
	v24 =	vand.u32 $0x1, v13;
	v13 =	vld [tilespmem:s7+$0x10]  }
0x257: {  	vm1 =	veq.s32 v22, v12;
	v22 =	vand.u32 $0x1, v14;
	v25 =	vld [tilespmem:s7+$0xFFFFFFF0];
	p1 =	slt.u32 s6, $0xFFC;
	v14 =	vor.u32 $0x10000, v24  }
0x258: {  	vm2 =	veq.s32 v19, v12;
	v24 =	vor.u32 $0x10000, v16;
	v23 =	vor.u32 v1, v23;
	[tilespmem:v17+s0+$0x0] =	vst.idx.add.s32.msk vm0, v14  }
0x259: {  	v26 =	vor.u32 v1, v18;
	vm3 =	veq.s32 v20, v12;
	v27 =	vor.u32 v1, v21;
	v14 =	vld [tilespmem:s7+$0x0]  }
0x25a: {  	v21 =	vor.u32 $0x10000, v15;
	v28 =	vor.u32 $0x10000, v22;
	v16 =	vld [tilespmem:s7+$0xFFFFFFE0]  }
.Ltmp11:
0x25b: {  	v15 =	vshrl.u32 v13, $0x18;
	v17 =	vshrl.u32 v13, $0xC;
	(pc) =	sbr.rel @p1 .LBB2_24-.Ltmp11, $4  }
0x25c: {  	v18 =	vshrl.u32 v25, $0xC;
	vm0 =	veq.s32 v15, v12;
	v15 =	vand.u32 $0xFF0, v17  }
0x25d: {  	v19 =	vshrl.u32 v25, $0x18;
	v18 =	vand.u32 $0xFF0, v18;
	v17 =	vor.u32 v1, v15;
	[tilespmem:v23+s0+$0x0] =	vst.idx.add.s32.msk vm1, v24  }
0x25e: {  	v15 =	vand.u32 $0x1, v25;
	v20 =	vshrl.u32 v14, $0x18;
	v24 =	vshrl.u32 v14, $0xC;
	[tilespmem:v26+s0+$0x0] =	vst.idx.add.s32.msk vm2, v21  }
0x25f: {  	s7 =	sadd.s32 $0x40, s7;
	v22 =	vshrl.u32 v16, $0x18;
	v23 =	vshrl.u32 v16, $0xC;
	v21 =	vand.u32 $0xFF0, v24;
	[tilespmem:v27+s0+$0x0] =	vst.idx.add.s32.msk vm3, v28  }
0x260: {  	v23 =	vand.u32 $0xFF0, v23;
	vm1 =	veq.s32 v22, v12  }
0x261: {  	vm2 =	veq.s32 v19, v12;
	v63 =	vor.u32 v1, v23  }
0x262: {  	v18 =	vor.u32 v1, v18;
	vm3 =	veq.s32 v20, v12  }
0x263: {  	v12 =	vand.u32 $0x1, v13;
	v13 =	vor.u32 v1, v21  }
0x264: {  	v16 =	vand.u32 $0x1, v16;
	v12 =	vor.u32 $0x10000, v12  }
0x265: {  	[tilespmem:v17+s0+$0x0] =	vst.idx.add.s32.msk vm0, v12;
	v12 =	vor.u32 $0x10000, v16  }
0x266: {  	v14 =	vand.u32 $0x1, v14;
	v15 =	vor.u32 $0x10000, v15;
	[tilespmem:v63+s0+$0x0] =	vst.idx.add.s32.msk vm1, v12  }
0x267: {  	v12 =	vor.u32 $0x10000, v14;
	[tilespmem:v18+s0+$0x0] =	vst.idx.add.s32.msk vm2, v15  }
0x268: {  	[tilespmem:v13+s0+$0x0] =	vst.idx.add.s32.msk vm3, v12  }
0x269: {  	[bflag:$0x0] =	sbarrier.arrive $0xFFFF  }
0x26a: {  	s6 =	rddreg [dreg:$0x3]  }
0x26b: {  	[spmem:s6] =	stream.indirect.scatter.add.s32 [tilespmem:s0], [sflag:$0x3], $0x10, s3, s1, $0xb8;
	[tilespmem:$0x18920] =	vst v63  }
0x26c: {  	_ =	swait.ge [sflag:s2], $0x1000  }
0x26d: {  	[sflag:s2] =	ssyncset.done $0x0  }
0x26e: {  	[sflag:s2] =	ssyncadd.s32 $0xFFFFF000  }
0x26f: {  	[bflag:$0x0] =	sbarrier.arrive $0xFFFF  }
0x270: {  	[tilespmem:s0], [sflag:$0x3] =	stream.linear.gather [spmem:s16], $0x1000, $0x38;
	[tilespmem:$0x18920] =	vst v63  }
0x271: {  	_ =	swait.ge [sflag:s2], $0x1000  }
0x272: {  	[sflag:s2] =	ssyncset.done $0x0  }
0x273: {  	s6 =	simm.s32 $0x16FF0;
	[sflag:s2] =	ssyncadd.s32 $0xFFFFF000  }
0x274: {  	v12 =	vld [tilespmem:s6+$0x0];
	_ =	sdelay $0x3  }
0x275: {  	v13 =	vimm.s32 $0x0  }
0x276: {  	s7 =	simm.s32 $0x17FF0;
	v12 =	vadd.s32 v13, v12  }
0x277: {  	[tilespmem:s7+$0x0] =	vst v12  }
0x278: {  	v13 =	vld [tilespmem:s6+$0xFFFFFFF0];
	_ =	sdelay $0x4  }
0x279: {  	[tilespmem:s6+$0x0] =	vst v0;
	v12 =	vadd.s32 v12, v13  }
0x27a: {  	[tilespmem:s7+$0xFFFFFFF0] =	vst v12  }
0x27b: {  	v13 =	vld [tilespmem:s6+$0xFFFFFFE0];
	_ =	sdelay $0x4  }
0x27c: {  	[tilespmem:s6+$0xFFFFFFF0] =	vst v0;
	v12 =	vadd.s32 v12, v13  }
0x27d: {  	[tilespmem:s7+$0xFFFFFFE0] =	vst v12  }
0x27e: {  	v13 =	vld [tilespmem:s6+$0xFFFFFFD0];
	_ =	sdelay $0x4  }
0x27f: {  	[tilespmem:s6+$0xFFFFFFE0] =	vst v0;
	v12 =	vadd.s32 v12, v13  }
0x280: {  	[tilespmem:s7+$0xFFFFFFD0] =	vst v12  }
0x281: {  	v13 =	vld [tilespmem:s6+$0xFFFFFFC0];
	_ =	sdelay $0x4  }
0x282: {  	[tilespmem:s6+$0xFFFFFFD0] =	vst v0;
	v12 =	vadd.s32 v12, v13  }
0x283: {  	[tilespmem:s7+$0xFFFFFFC0] =	vst v12  }
0x284: {  	v13 =	vld [tilespmem:s6+$0xFFFFFFB0];
	_ =	sdelay $0x4  }
0x285: {  	[tilespmem:s6+$0xFFFFFFC0] =	vst v0;
	v12 =	vadd.s32 v12, v13  }
0x286: {  	[tilespmem:s7+$0xFFFFFFB0] =	vst v12  }
0x287: {  	v13 =	vld [tilespmem:s6+$0xFFFFFFA0];
	_ =	sdelay $0x4  }
0x288: {  	[tilespmem:s6+$0xFFFFFFB0] =	vst v0;
	v12 =	vadd.s32 v12, v13  }
0x289: {  	[tilespmem:s7+$0xFFFFFFA0] =	vst v12  }
0x28a: {  	v13 =	vld [tilespmem:s6+$0xFFFFFF90];
	_ =	sdelay $0x4  }
0x28b: {  	[tilespmem:s6+$0xFFFFFFA0] =	vst v0;
	v12 =	vadd.s32 v12, v13  }
0x28c: {  	s8 =	simm.s32 $0x0;
	s9 =	simm.s32 $0x16F70;
	[tilespmem:s7+$0xFFFFFF90] =	vst v12  }
.LBB2_26:
0x28d: {  	v13 =	vld [tilespmem:s9+$0x0];
	s8 =	sadd.s32 $0x8, s8;
	[tilespmem:s6+$0xFFFFFF90] =	vst v0;
	s6 =	smov.u32 s9  }
0x28e: {  	p1 =	slt.u32 s8, $0xF8;
	_ =	sdelay $0x3  }
0x28f: {  	s7 =	sadd.s32 $0xFFFFFF80, s7;
	v12 =	vadd.s32 v12, v13  }
0x290: {  	[tilespmem:s7+$0x0] =	vst v12  }
0x291: {  	v13 =	vld [tilespmem:s9+$0xFFFFFFF0];
	_ =	sdelay $0x4  }
0x292: {  	[tilespmem:s9+$0x0] =	vst v0;
	v12 =	vadd.s32 v12, v13  }
0x293: {  	[tilespmem:s7+$0xFFFFFFF0] =	vst v12  }
0x294: {  	v13 =	vld [tilespmem:s9+$0xFFFFFFE0];
	_ =	sdelay $0x4  }
0x295: {  	[tilespmem:s9+$0xFFFFFFF0] =	vst v0;
	v12 =	vadd.s32 v12, v13  }
0x296: {  	[tilespmem:s7+$0xFFFFFFE0] =	vst v12  }
0x297: {  	v13 =	vld [tilespmem:s9+$0xFFFFFFD0];
	_ =	sdelay $0x4  }
0x298: {  	[tilespmem:s9+$0xFFFFFFE0] =	vst v0;
	v12 =	vadd.s32 v12, v13  }
0x299: {  	[tilespmem:s7+$0xFFFFFFD0] =	vst v12  }
0x29a: {  	v13 =	vld [tilespmem:s9+$0xFFFFFFC0];
	_ =	sdelay $0x4  }
0x29b: {  	[tilespmem:s9+$0xFFFFFFD0] =	vst v0;
	v12 =	vadd.s32 v12, v13  }
0x29c: {  	[tilespmem:s7+$0xFFFFFFC0] =	vst v12  }
0x29d: {  	v13 =	vld [tilespmem:s9+$0xFFFFFFB0];
	_ =	sdelay $0x4  }
0x29e: {  	[tilespmem:s9+$0xFFFFFFC0] =	vst v0;
	v12 =	vadd.s32 v12, v13  }
0x29f: {  	[tilespmem:s7+$0xFFFFFFB0] =	vst v12  }
0x2a0: {  	v13 =	vld [tilespmem:s9+$0xFFFFFFA0];
	_ =	sdelay $0x4  }
0x2a1: {  	[tilespmem:s9+$0xFFFFFFB0] =	vst v0;
	v12 =	vadd.s32 v12, v13  }
0x2a2: {  	[tilespmem:s7+$0xFFFFFFA0] =	vst v12  }
0x2a3: {  	[tilespmem:s9+$0xFFFFFFA0] =	vst v0;
	v13 =	vld [tilespmem:s9+$0xFFFFFF90];
	_ =	sdelay $0x1  }
.Ltmp12:
0x2a4: {  	(pc) =	sbr.rel @p1 .LBB2_26-.Ltmp12, $3  }
0x2a5: {  	_ =	sdelay $0x1  }
0x2a6: {  	v12 =	vadd.s32 v12, v13  }
0x2a7: {  	s9 =	sadd.s32 $0xFFFFFF80, s9;
	[tilespmem:s7+$0xFFFFFF90] =	vst v12  }
0x2a8: {  	_ =	sdelay $0x2  }
0x2a9: {  	[tilespmem:s6+$0xFFFFFF90] =	vst v0  }
0x2aa: {  	v11 =	vld.idx.msk [tilespmem:v11+s4+$0x0], $0xffff;
	_ =	sdelay $0x4  }
0x2ab: {  	v11 =	vshra.s32 v11, $0x10  }
0x2ac: {  	vm0 =	vlt.s32 v11, v10  }
0x2ad: {  	v11 =	vsel vm0, $0x40, v7  }
0x2ae: {  	v12 =	vshll.u32 v11, $0x4  }
0x2af: {  	v12 =	vor.u32 v1, v12;
	_ =	sdelay $0x4  }
0x2b0: {  	v12 =	vld.idx.msk [tilespmem:v12+s4+$0x0], $0xffff;
	_ =	sdelay $0x4  }
0x2b1: {  	v12 =	vshra.s32 v12, $0x10  }
0x2b2: {  	v13 =	vsel vm0, $0x0, v5;
	vm1 =	vlt.s32 v12, v10  }
0x2b3: {  	v44 =	vsel vm0, $0x7F, v6;
	v13 =	vsel vm1, v13, v11;
	v11 =	vadd.s32 $0xFFFFFFFF, v11  }
0x2b4: {  	v11 =	vsel vm1, v11, v44;
	v45 =	vor.u32 $0x1, v13  }
0x2b5: {  	v14 =	vadd.s32 v11, v45  }
0x2b6: {  	v14 =	vshll.u32 v14, $0x3  }
0x2b7: {  	v14 =	vor.u32 v1, v14;
	_ =	sdelay $0x4  }
0x2b8: {  	v14 =	vld.idx.msk [tilespmem:v14+s4+$0x0], $0xffff;
	_ =	sdelay $0x1  }
0x2b9: {  	v15 =	vadd.s32 $0xFFFFFFFF, v11  }
0x2ba: {  	v12 =	vadd.s32 v15, v45  }
0x2bb: {  	v12 =	vadd.s32 $0x1, v12  }
0x2bc: {  	v12 =	vshrl.u32 v12, $0x1;
	v14 =	vshra.s32 v14, $0x10  }
0x2bd: {  	v46 =	vadd.s32 $0xFFFFFFFF, v12;
	vm10 =	vlt.s32 v14, v10  }
0x2be: {  	v12 =	vsel vm10, v13, v12;
	v11 =	vsel vm10, v46, v11  }
0x2bf: {  	v13 =	vadd.s32 v12, v11  }
0x2c0: {  	v13 =	vadd.s32 $0x1, v13  }
0x2c1: {  	v13 =	vshrl.u32 v13, $0x1  }
0x2c2: {  	v47 =	vshll.u32 v13, $0x4  }
0x2c3: {  	v14 =	vor.u32 v1, v47;
	_ =	sdelay $0x4  }
0x2c4: {  	v14 =	vld.idx.msk [tilespmem:v14+s4+$0x0], $0xffff;
	_ =	sdelay $0x4  }
0x2c5: {  	v14 =	vshra.s32 v14, $0x10  }
0x2c6: {  	v48 =	vadd.s32 $0xFFFFFFFF, v13;
	vm11 =	vlt.s32 v14, v10  }
0x2c7: {  	v12 =	vsel vm11, v12, v13;
	v11 =	vsel vm11, v48, v11  }
0x2c8: {  	v13 =	vadd.s32 v11, v12  }
0x2c9: {  	v13 =	vadd.s32 $0x1, v13  }
0x2ca: {  	v13 =	vshrl.u32 v13, $0x1  }
0x2cb: {  	v49 =	vshll.u32 v13, $0x4  }
0x2cc: {  	v14 =	vor.u32 v1, v49;
	_ =	sdelay $0x4  }
0x2cd: {  	v14 =	vld.idx.msk [tilespmem:v14+s4+$0x0], $0xffff;
	_ =	sdelay $0x4  }
0x2ce: {  	v14 =	vshra.s32 v14, $0x10  }
0x2cf: {  	v50 =	vadd.s32 $0xFFFFFFFF, v13;
	vm12 =	vlt.s32 v14, v10  }
0x2d0: {  	v12 =	vsel vm12, v12, v13;
	v11 =	vsel vm12, v50, v11  }
0x2d1: {  	v13 =	vadd.s32 v11, v12  }
0x2d2: {  	v13 =	vadd.s32 $0x1, v13  }
0x2d3: {  	v13 =	vshrl.u32 v13, $0x1  }
0x2d4: {  	v51 =	vshll.u32 v13, $0x4  }
0x2d5: {  	v14 =	vor.u32 v1, v51;
	_ =	sdelay $0x4  }
0x2d6: {  	v14 =	vld.idx.msk [tilespmem:v14+s4+$0x0], $0xffff;
	_ =	sdelay $0x4  }
0x2d7: {  	v14 =	vshra.s32 v14, $0x10  }
0x2d8: {  	v52 =	vadd.s32 $0xFFFFFFFF, v13;
	vm13 =	vlt.s32 v14, v10  }
0x2d9: {  	v12 =	vsel vm13, v12, v13;
	v11 =	vsel vm13, v52, v11  }
0x2da: {  	v13 =	vadd.s32 v11, v12  }
0x2db: {  	v13 =	vadd.s32 $0x1, v13  }
0x2dc: {  	v13 =	vshrl.u32 v13, $0x1  }
0x2dd: {  	v53 =	vshll.u32 v13, $0x4  }
0x2de: {  	v14 =	vor.u32 v1, v53;
	_ =	sdelay $0x4  }
0x2df: {  	v14 =	vld.idx.msk [tilespmem:v14+s4+$0x0], $0xffff;
	_ =	sdelay $0x4  }
0x2e0: {  	v14 =	vshra.s32 v14, $0x10  }
0x2e1: {  	v54 =	vadd.s32 $0xFFFFFFFF, v13;
	vm14 =	vlt.s32 v14, v10  }
0x2e2: {  	v12 =	vsel vm14, v12, v13;
	v11 =	vsel vm14, v54, v11  }
0x2e3: {  	v11 =	vadd.s32 v11, v12  }
0x2e4: {  	v11 =	vadd.s32 $0x1, v11  }
0x2e5: {  	v11 =	vshrl.u32 v11, $0x1  }
0x2e6: {  	v55 =	vshll.u32 v11, $0x4  }
0x2e7: {  	v13 =	vor.u32 v1, v55;
	_ =	sdelay $0x4  }
0x2e8: {  	v13 =	vld.idx.msk [tilespmem:v13+s4+$0x0], $0xffff;
	_ =	sdelay $0x4  }
0x2e9: {  	v13 =	vshra.s32 v13, $0x10  }
0x2ea: {  	vm15 =	vlt.s32 v13, v10  }
0x2eb: {  	v11 =	vsel vm15, v12, v11  }
0x2ec: {  	v11 =	vshll.u32 v11, $0x4  }
0x2ed: {  	v56 =	vor.u32 v1, v11  }
0x2ee: {  	v8 =	vadd.s32 v8, v11;
	_ =	sdelay $0x3  }
0x2ef: {  	v57 =	vld.idx.msk [tilespmem:v56+s4+$0x0], $0xffff  }
0x2f0: {  	v8 =	vld.idx.msk [tilespmem:v8+s4+$0x0], $0xffff;
	_ =	sdelay $0x4  }
0x2f1: {  	v58 =	vshra.s32 v8, $0x10;
	v59 =	vshra.s32 v57, $0x10  }
0x2f2: {  	v13 =	vsub.s32 v59, v58  }
0x2f3: {  	v60 =	vmul.u32 $0x666, v13;
	_ =	sdelay $0x1  }
0x2f4: {  	v14 =	vcvt.s32.f32 v60;
	_ =	sdelay $0x1  }
0x2f5: {  	(erf) = vrcp.f32 v14;
	_ =	sdelay $0x2  }
0x2f6: {  	v8 =	vand.u32 $0xFFFF, v8;
	v11 =	vand.u32 $0xFFFF, v57  }
0x2f7: {  	v11 =	vsub.s32 v11, v8;
	v61 =	vsub.s32 v10, v58;
	v8 =	vadd.s32 v9, v8  }
0x2f8: {  	v8 =	vmul.u32 v13, v8;
	v62 =	vmul.u32 v11, v61;
	_ =	sdelay $0x1  }
0x2f9: {  	v8 =	vadd.s32 v62, v8  }
0x2fa: {  	v8 =	vcvt.s32.f32 v8  }
0x2fb: {  	v63 =	vpop (erf)  }
0x2fc: {  	v8 =	vmul.f32 v8, v63  }
0x2fd: {  	s5 =	sadd.s32 $0x1, s5  }
0x2fe: {  	s6 =	simm.s32 @!p0 $0x0;
	s7 =	simm.s32 @!p0 $0x18010;
	p1 =	sne.s32 s5, s23;
	[tilespmem:$0x18010] =	vst v8  }
0x2ff: {  	[hbm4b:s22+s6] =	stream.linear.scatter @!p0 [tilespmem:s7], [sflag:$0x3], $0x10, $0x38;
	[tilespmem:$0x18920] =	vst v63  }
.Ltmp13:
0x300: {  	_ = 	snop;
	(pc) =	sbr.rel @p1 .LBB2_1-.Ltmp13, $4  }
0x301: {  	s6 =	simm.s32 @!p0 $0x3  }
0x302: {  	_ =	swait.ge @!p0 [sflag:s6], $0x10  }
0x303: {  	[sflag:s6] =	ssyncset.done @!p0 $0x0  }
0x304: {  	[sflag:s6] =	ssyncadd.s32 @!p0 $0xFFFFFFF0  }
0x305: {  	_ =	sfence.sel $0x180000  }
0x306: {  	[bflag:$0x0] =	sbarrier.arrive $0xFFFF  }
0x307: {  	_ =	strace $0x90000047  }
0x308: {  	s0 =	stileid.u32;
	[bflag:$0x2] =	sbarrier.arrive $0xFFFF  }
0x309: {  	p0 =	sne.s32 s0, $0x0;
	s0 =	rddreg [dreg:$0x4]  }
0x30a: {  	s0 =	sadd.s32 @!p0 $0x100000, s0  }
0x30b: {  	[sflag:s0] =	ssyncadd.tile.s32 @!p0 $0x1;
	_ =	shalt  }
.Lfunc_end2:
_tile_overlayer_lowered:
.L_overlay_start_2:
0x30c: {  	(tag) =	ssettag $0x2  }
0x30d: {  	s0 =	rddreg [dreg:$0x0];
	s2 =	stileid.u32  }
0x30e: {  	s1 =	rddreg [dreg:$0x1];
	p0 =	sne.s32 s2, $0x0  }
0x30f: {  	s3 =	rddreg [dreg:$0x2];
	[bflag:$0x3] =	sbarrier.arrive $0xFFFF;
	s2 =	simm.s32 @!p0 $0x1C03  }
0x310: {  	[timem:s3], [sflag:s2] =	dma.local @!p0 [hbm:s0], s1  }
0x311: {  	s0 =	simm.s32 @!p0 $0x3  }
0x312: {  	_ =	swait.ge @!p0 [sflag:s0], s1  }
0x313: {  	s1 =	ssub.s32 @!p0 $0x0, s1;
	[sflag:s0] =	ssyncset.done @!p0 $0x0  }
0x314: {  	[sflag:s0] =	ssyncadd.s32 @!p0 s1  }
0x315: {  	[bflag:$0x3] =	sbarrier.arrive $0xFFFF  }
0x316: {  	_ =	shalt  }

</sc_bundles>
